<compile_context>
chip_gen: v7x
topology: tpu7x:2x2x1
jax: 0.10.2.dev20260603
libtpu: 0.0.44.dev20260713+nightly
codegen_flags: <defaults>
</compile_context>

<pallas_src>
import functools

import jax
import jax.numpy as jnp
from jax import lax
from jax.experimental import pallas as pl
from jax.experimental.pallas import tpu as pltpu
from jax.experimental.pallas import tpu_sc as plsc

N = 100000
E = 1600000
NG = 64
NP = 102400
BLK = 4096
GRID = NP // BLK

NW = 32
BE = 1000
NB = 50
EPW = BE * NB
ZCP = 640
RPT = NP // 16

_SC_PARAMS = pltpu.CompilerParams(use_tc_tiling_on_sc=False)


@functools.lru_cache(maxsize=None)
def _sc_kernels():
    mesh = plsc.VectorSubcoreMesh(core_axis_name="c", subcore_axis_name="s",
                                  num_cores=2, num_subcores=16)

    def _edge_body(n_chunks):
        def body(*refs):
            ei_hbm = refs[0]
            hs_list = refs[1:1 + n_chunks]
            out_list = refs[1 + n_chunks:1 + 2 * n_chunks]
            src_v, dst_v, rows_v, acc_sh, sem = refs[1 + 2 * n_chunks:]
            c = lax.axis_index("c")
            s = lax.axis_index("s")
            wid = c * 16 + s
            tb = wid * EPW

            for hs_hbm, out_hbm in zip(hs_list, out_list):
                @pl.loop(0, BE)
                def _(j):
                    rows_v[j] = jnp.zeros((16,), jnp.float32)

                @pl.loop(0, RPT // ZCP)
                def _(j):
                    pltpu.sync_copy(rows_v.at[pl.ds(0, ZCP)],
                                    acc_sh.at[pl.ds(s * RPT + j * ZCP, ZCP)])

                plsc.subcore_barrier()

                @pl.loop(0, NB)
                def _(b):
                    base = tb + b * BE
                    pltpu.sync_copy(ei_hbm.at[0, pl.ds(base, BE)], src_v)
                    pltpu.sync_copy(ei_hbm.at[1, pl.ds(base, BE)], dst_v)
                    pltpu.async_copy(hs_hbm.at[src_v], rows_v, sem).wait()
                    pltpu.sync_copy(rows_v, acc_sh.at[dst_v], add=True)

                plsc.subcore_barrier()

                @pl.loop(0, RPT // ZCP)
                def _(j):
                    r0 = s * RPT + j * ZCP
                    pltpu.sync_copy(acc_sh.at[pl.ds(r0, ZCP)],
                                    out_hbm.at[c, pl.ds(r0, ZCP)])
        return body

    def _make_edge_pass(n_chunks):
        return pl.kernel(
            _edge_body(n_chunks), mesh=mesh,
            out_type=(jax.ShapeDtypeStruct((2, NP, 16), jnp.float32)
                      if n_chunks == 1 else
                      tuple(jax.ShapeDtypeStruct((2, NP, 16), jnp.float32)
                            for _ in range(n_chunks))),
            compiler_params=_SC_PARAMS,
            scratch_types=[
                pltpu.VMEM((BE,), jnp.int32),
                pltpu.VMEM((BE,), jnp.int32),
                pltpu.VMEM((BE, 16), jnp.float32),
                pltpu.VMEM_SHARED((NP, 16), jnp.float32),
                pltpu.SemaphoreType.DMA,
            ])

    _sc_edge_pass1 = _make_edge_pass(1)
    _sc_edge_pass2 = _make_edge_pass(2)

    @functools.partial(
        pl.kernel, mesh=mesh,
        out_type=jax.ShapeDtypeStruct((2, NP, 16), jnp.float32),
        compiler_params=_SC_PARAMS,
        scratch_types=[
            pltpu.VMEM((BE,), jnp.int32),
            pltpu.VMEM((BE, 16), jnp.float32),
            pltpu.VMEM_SHARED((NP, 16), jnp.float32),
            pltpu.SemaphoreType.DMA,
        ])
    def _sc_deg_pass(ei_hbm, out_hbm, dst_v, ones_v, acc_sh, sem):
        c = lax.axis_index("c")
        s = lax.axis_index("s")
        wid = c * 16 + s

        @pl.loop(0, BE)
        def _(j):
            ones_v[j] = jnp.zeros((16,), jnp.float32)

        @pl.loop(0, RPT // ZCP)
        def _(j):
            pltpu.sync_copy(ones_v.at[pl.ds(0, ZCP)],
                            acc_sh.at[pl.ds(s * RPT + j * ZCP, ZCP)])

        @pl.loop(0, BE)
        def _(j):
            ones_v[j] = jnp.ones((16,), jnp.float32)

        plsc.subcore_barrier()

        @pl.loop(0, NB)
        def _(b):
            base = wid * EPW + b * BE
            pltpu.sync_copy(ei_hbm.at[1, pl.ds(base, BE)], dst_v)
            pltpu.sync_copy(ones_v, acc_sh.at[dst_v], add=True)

        plsc.subcore_barrier()

        @pl.loop(0, RPT // ZCP)
        def _(j):
            r0 = s * RPT + j * ZCP
            pltpu.sync_copy(acc_sh.at[pl.ds(r0, ZCP)],
                            out_hbm.at[c, pl.ds(r0, ZCP)])

    return _sc_edge_pass1, _sc_edge_pass2, _sc_deg_pass



PBLK = BLK // 8


def _tc1a_body(x_ref, w_ref, p_ref):
    p_ref[...] = jnp.dot(x_ref[...], w_ref[...],
                         preferred_element_type=jnp.float32)


def _tc1b_body(p_ref, dg_ref, disb_ref, ha_ref, hb_ref):
    dg = dg_ref[...]
    disb = lax.rsqrt(dg[0] + dg[1] + 1.0)
    p = p_ref[...]
    disb_ref[...] = disb
    ha_ref[...] = p[:, :128] * disb
    hb_ref[...] = p[:, 128:] * disb


def _tc2_body(aa_ref, ab_ref, ha_ref, hb_ref, disb_ref, wa_ref, wb_ref,
              ba_ref, bb_ref, out_ref):
    disb = disb_ref[...]
    aa = aa_ref[...]
    ab = ab_ref[...]
    ha = jnp.maximum((aa[0] + aa[1] + ha_ref[...]) * disb + ba_ref[...], 0.0)
    hb = jnp.maximum((ab[0] + ab[1] + hb_ref[...]) * disb + bb_ref[...], 0.0)
    p = (jnp.dot(ha, wa_ref[...], preferred_element_type=jnp.float32)
         + jnp.dot(hb, wb_ref[...], preferred_element_type=jnp.float32))
    out_ref[...] = p * disb


def _tc3_body(a_ref, hs_ref, disb_ref, w_ref, b_ref, out_ref):
    disb = disb_ref[...]
    a = a_ref[...]
    h = jnp.maximum((a[0] + a[1] + hs_ref[...]) * disb + b_ref[...], 0.0)
    p = jnp.dot(h, w_ref[...], preferred_element_type=jnp.float32)
    out_ref[...] = p * disb


def _tc4_body(a_ref, hs_ref, disb_ref, b3_ref, bt_ref, we_ref, be_ref,
              wc_ref, bc_ref, emb_ref, out_ref, pooled):
    i = pl.program_id(0)
    a = a_ref[...]
    s = (a[0] + a[1] + hs_ref[...]) * disb_ref[...] + b3_ref[...]
    h = jnp.maximum(s, 0.0)
    bt = bt_ref[...]
    contrib = jnp.zeros((NG, 16), jnp.float32)
    for k in range(8):
        oh = (lax.broadcasted_iota(jnp.int32, (NG, PBLK), 0)
              == bt[k][None, :]).astype(jnp.float32)
        contrib += jnp.dot(oh, h[:, 16 * k:16 * (k + 1)],
                           preferred_element_type=jnp.float32)

    @pl.when(i == 0)
    def _():
        pooled[...] = jnp.zeros_like(pooled)

    pooled[...] += contrib

    @pl.when(i == GRID - 1)
    def _():
        emb = jnp.dot(pooled[...], we_ref[...],
                      preferred_element_type=jnp.float32) + be_ref[...][None, :]
        emb_ref[...] = emb
        out_ref[...] = (jnp.dot(jnp.maximum(emb, 0.0), wc_ref[...],
                                preferred_element_type=jnp.float32)
                        + bc_ref[...][None, :])


def _pk_spec(width=128):
    return pl.BlockSpec((PBLK, width), lambda i: (i, 0))


def _acc_spec():
    return pl.BlockSpec((2, PBLK, 128), lambda i: (0, i, 0))


def _full_spec(shape):
    nd = len(shape)
    return pl.BlockSpec(shape, lambda i: (0,) * nd)



def kernel(x, edge_index, batch, W1, b1, W2, b2, W3, b3, We, be, Wc, bc):
    _sc_edge_pass1, _sc_edge_pass2, _sc_deg_pass = _sc_kernels()
    ei_p = edge_index
    x_p = jnp.pad(x.astype(jnp.bfloat16),
                  ((0, NP - N), (0, 0))).reshape(NP // 8, 1024)
    batch_p = jnp.pad(batch, (0, NP - N), constant_values=NG)
    batch_t = batch_p.reshape(NP // 8, 8).T
    eye8 = jnp.eye(8, dtype=jnp.float32)
    w1_big = jnp.concatenate([jnp.kron(eye8, W1[:, :16]),
                              jnp.kron(eye8, W1[:, 16:])],
                             axis=1).astype(jnp.bfloat16)
    w2a = jnp.kron(eye8, W2[:16, :])
    w2b = jnp.kron(eye8, W2[16:, :])
    w3_bd = jnp.kron(eye8, W3)
    b1a = jnp.tile(b1[:16], 8)
    b1b = jnp.tile(b1[16:], 8)
    b2t = jnp.tile(b2, 8)
    b3t = jnp.tile(b3, 8)

    def pk(a):
        return a.reshape(a.shape[:-2] + (NP // 8, 128))

    def rows(a):
        return a.reshape(NP, 16)

    dacc = pk(_sc_deg_pass(ei_p))

    p1 = pl.pallas_call(
        _tc1a_body,
        grid=(GRID,),
        in_specs=[pl.BlockSpec((PBLK, 1024), lambda i: (i, 0)),
                  _full_spec((1024, 256))],
        out_specs=_pk_spec(256),
        out_shape=jax.ShapeDtypeStruct((NP // 8, 256), jnp.float32),
    )(x_p, w1_big)

    disb, hs1a, hs1b = pl.pallas_call(
        _tc1b_body,
        grid=(GRID,),
        in_specs=[_pk_spec(256), _acc_spec()],
        out_specs=[_pk_spec(), _pk_spec(), _pk_spec()],
        out_shape=[jax.ShapeDtypeStruct((NP // 8, 128), jnp.float32)] * 3,
    )(p1, dacc)

    acc1a, acc1b = _sc_edge_pass2(ei_p, rows(hs1a), rows(hs1b))

    hs2 = pl.pallas_call(
        _tc2_body,
        grid=(GRID,),
        in_specs=[_acc_spec(), _acc_spec(), _pk_spec(), _pk_spec(),
                  _pk_spec(), _full_spec((128, 128)), _full_spec((128, 128)),
                  _full_spec((128,)), _full_spec((128,))],
        out_specs=_pk_spec(),
        out_shape=jax.ShapeDtypeStruct((NP // 8, 128), jnp.float32),
    )(pk(acc1a), pk(acc1b), hs1a, hs1b, disb, w2a, w2b, b1a, b1b)

    acc2 = _sc_edge_pass1(ei_p, rows(hs2))

    hs3 = pl.pallas_call(
        _tc3_body,
        grid=(GRID,),
        in_specs=[_acc_spec(), _pk_spec(), _pk_spec(),
                  _full_spec((128, 128)), _full_spec((128,))],
        out_specs=_pk_spec(),
        out_shape=jax.ShapeDtypeStruct((NP // 8, 128), jnp.float32),
    )(pk(acc2), hs2, disb, w3_bd, b2t)

    acc3 = _sc_edge_pass1(ei_p, rows(hs3))

    embedding, output = pl.pallas_call(
        _tc4_body,
        grid=(GRID,),
        in_specs=[_acc_spec(), _pk_spec(), _pk_spec(),
                  _full_spec((128,)), pl.BlockSpec((8, PBLK), lambda i: (0, i)),
                  _full_spec((16, 16)), _full_spec((16,)),
                  _full_spec((16, 10)), _full_spec((10,))],
        out_specs=[_full_spec((NG, 16)), _full_spec((NG, 10))],
        out_shape=[jax.ShapeDtypeStruct((NG, 16), jnp.float32),
                   jax.ShapeDtypeStruct((NG, 10), jnp.float32)],
        scratch_shapes=[pltpu.VMEM((NG, 16), jnp.float32)],
    )(pk(acc3), hs3, disb, b3t, batch_t, We, be, Wc, bc)

    return (embedding, output)

# --- scband reference (transcript-rebuilt; emitter-appended) ---
"""Pipeline reference for scband-gcn-61744449848107 (READ-ONLY COPY).

The authoritative reference and input builder live on the scoring server;
editing this copy changes nothing except your own understanding.
"""

import jax, jax.numpy as jnp
import numpy as np

N = 100000
E = 1600000
D_IN = 128
NUM_GRAPHS = 64
NUM_CLASSES = 10


def setup_inputs(seed: int = 0) -> dict:
    key = jax.random.key(seed)
    ks = jax.random.split(key, 16)
    x = jax.random.normal(ks[0], (N, D_IN), dtype=jnp.float32)
    edge_index = jax.random.randint(ks[1], (2, E), 0, N, dtype=jnp.int32)
    batch = jnp.sort(jax.random.randint(ks[2], (N,), 0, NUM_GRAPHS, dtype=jnp.int32))
    # learned parameters (stored [in, out] for jax matmul)
    W1 = jax.random.normal(ks[3], (D_IN, 32), dtype=jnp.float32) * 0.05
    b1 = jnp.zeros((32,), dtype=jnp.float32)
    W2 = jax.random.normal(ks[4], (32, 16), dtype=jnp.float32) * 0.05
    b2 = jnp.zeros((16,), dtype=jnp.float32)
    W3 = jax.random.normal(ks[5], (16, 16), dtype=jnp.float32) * 0.05
    b3 = jnp.zeros((16,), dtype=jnp.float32)
    We = jax.random.normal(ks[6], (16, 16), dtype=jnp.float32) * 0.05
    be = jnp.zeros((16,), dtype=jnp.float32)
    Wc = jax.random.normal(ks[7], (16, NUM_CLASSES), dtype=jnp.float32) * 0.05
    bc = jnp.zeros((NUM_CLASSES,), dtype=jnp.float32)
    return {"x": x, "edge_index": edge_index, "batch": batch,
            "W1": W1, "b1": b1, "W2": W2, "b2": b2, "W3": W3, "b3": b3,
            "We": We, "be": be, "Wc": Wc, "bc": bc}


def _gcn_conv(x, edge_index, W, b):
    # PyG GCNConv: x' = D^{-1/2} (A + I) D^{-1/2} X W + b
    loop = jnp.arange(N, dtype=edge_index.dtype)
    src = jnp.concatenate([edge_index[0], loop])
    dst = jnp.concatenate([edge_index[1], loop])
    h = x @ W
    deg = jnp.zeros((N,), dtype=x.dtype).at[dst].add(1.0)
    dis = jax.lax.rsqrt(jnp.maximum(deg, 1.0))
    norm = dis[src] * dis[dst]
    msg = h[src] * norm[:, None]
    out = jnp.zeros((N, W.shape[1]), dtype=x.dtype).at[dst].add(msg)
    return out + b


def reference(x, edge_index, batch, W1, b1, W2, b2, W3, b3, We, be, Wc, bc):
    h = jax.nn.relu(_gcn_conv(x, edge_index, W1, b1))
    h = jax.nn.relu(_gcn_conv(h, edge_index, W2, b2))
    h = jax.nn.relu(_gcn_conv(h, edge_index, W3, b3))
    pooled = jax.ops.segment_sum(h, batch, num_segments=NUM_GRAPHS)
    embedding = pooled @ We + be
    h2 = jax.nn.relu(embedding)
    output = h2 @ Wc + bc
    return (embedding, output)

if __name__ == "__main__":
    import jax
    _d = setup_inputs()
    print(jax.jit(kernel)(*tuple(_d.values())))

</pallas_src>

<mosaic_0001>
#map = affine_map<(d0, d1) -> (0, 0)>
#map1 = affine_map<(d0, d1) -> (0, 0, 0)>
module attributes {stable_mosaic.version = 14 : i64} {
  func.func @body(%arg0: i32, %arg1: i32, %arg2: memref<2x1600000xi32, #tpu.memory_space<hbm>>, %arg3: memref<102400x16xf32, #tpu.memory_space<hbm>>, %arg4: memref<2x102400x16xf32, #tpu.memory_space<hbm>>, %arg5: memref<1000xi32, #tpu.memory_space<vmem>>, %arg6: memref<1000xi32, #tpu.memory_space<vmem>>, %arg7: memref<1000x16xf32, #tpu.memory_space<vmem>>, %arg8: memref<102400x16xf32, #tpu.memory_space<vmem_shared>>, %arg9: memref<!tpu.dma_semaphore, #tpu.memory_space<semaphore_mem>>) attributes {dimension_semantics = [#tpu.dimension_semantics<core_parallel>, #tpu.dimension_semantics<subcore_parallel>], iteration_bounds = array<i64: 2, 16>, scalar_prefetch = 0 : i64, scratch_operands = 5 : i64, tpu.core_type = #tpu.core_type<sc_vector_subcore>, window_params = [{transform_indices = #map}, {transform_indices = #map}, {transform_indices = #map1}]} {
    %mul3A = arith.constant 16 : i32
    %mul3A_0 = arith.muli %arg0, %mul3A : i32
    %add3A = arith.addi %mul3A_0, %arg1 : i32
    %mul3A_1 = arith.constant 50000 : i32
    %mul3A_2 = arith.muli %add3A, %mul3A_1 : i32
    %scan3A = arith.constant 0 : i32
    %scan3A_3 = arith.constant 1000 : i32
    %scan3A_4 = arith.addi %scan3A, %scan3A_3 : i32
    %scan3A_5 = arith.constant 1 : i32
    scf.for %scan3A_23 = %scan3A to %scan3A_4 step %scan3A_5  : i32 {
      %mul3A_24 = arith.constant 1 : i32
      %mul3A_25 = arith.muli %scan3A_23, %mul3A_24 : i32
      %add3A_26 = arith.constant 0 : i32
      %add3A_27 = arith.addi %add3A_26, %mul3A_25 : i32
      %broadcast_in_dim3A = arith.constant 0.000000e+00 : f32
      %broadcast_in_dim3A_28 = vector.broadcast %broadcast_in_dim3A : f32 to vector<16xf32>
      %swap3A = arith.index_cast %add3A_27 : i32 to index
      %swap3A_29 = arith.constant 0 : index
      %swap3A_30 = tpu.vector_load %arg7[%swap3A, %swap3A_29] {strides = array<i32>} : memref<1000x16xf32, #tpu.memory_space<vmem>>, vector<1x16xf32>,
      %swap3A_31 = vector.shape_cast %swap3A_30 : vector<1x16xf32> to vector<16xf32>
      %swap3A_32 = vector.shape_cast %broadcast_in_dim3A_28 : vector<16xf32> to vector<1x16xf32>
      tpu.vector_store %arg7[%swap3A, %swap3A_29], %swap3A_32 {strides = array<i32>} : memref<1000x16xf32, #tpu.memory_space<vmem>>, vector<1x16xf32>,
    }
    %scan3A_6 = arith.constant 1000 : i32
    %scan3A_7 = arith.constant 0 : i32
    %scan3A_8 = arith.constant 10 : i32
    %scan3A_9 = arith.addi %scan3A_7, %scan3A_8 : i32
    %scan3A_10 = arith.constant 1 : i32
    scf.for %scan3A_23 = %scan3A_7 to %scan3A_9 step %scan3A_10  : i32 {
      %mul3A_24 = arith.constant 1 : i32
      %mul3A_25 = arith.muli %scan3A_23, %mul3A_24 : i32
      %add3A_26 = arith.constant 0 : i32
      %add3A_27 = arith.addi %add3A_26, %mul3A_25 : i32
      %mul3A_28 = arith.constant 6400 : i32
      %mul3A_29 = arith.muli %arg1, %mul3A_28 : i32
      %mul3A_30 = arith.constant 640 : i32
      %mul3A_31 = arith.muli %add3A_27, %mul3A_30 : i32
      %add3A_32 = arith.addi %mul3A_29, %mul3A_31 : i32
      "tpu.region"() ({
        %run_scoped3A = tpu.sem_alloc : memref<!tpu.dma_semaphore, #tpu.memory_space<semaphore_mem>>
        %dma_start3A = arith.constant 0 : i32
        %dma_start3A_33 = arith.constant 0 : i32
        %dma_start3A_34 = tpu.memref_slice %arg7[%dma_start3A, %dma_start3A_33] : memref<1000x16xf32, #tpu.memory_space<vmem>> -> memref<640x16xf32, #tpu.memory_space<vmem>>
        %dma_start3A_35 = arith.constant 0 : i32
        %dma_start3A_36 = tpu.memref_slice %arg8[%add3A_32, %dma_start3A_35] : memref<102400x16xf32, #tpu.memory_space<vmem_shared>> -> memref<640x16xf32, #tpu.memory_space<vmem_shared>>
        %dma_start3A_37 = arith.constant 0 : i32
        %dma_start3A_38 = tpu.memref_slice %arg8[%add3A_32, %dma_start3A_37] : memref<102400x16xf32, #tpu.memory_space<vmem_shared>> -> memref<640x16xf32, #tpu.memory_space<vmem_shared>>
        %dma_start3A_39 = arith.constant 0 : i32
        %dma_start3A_40 = arith.constant 0 : i32
        %dma_start3A_41 = tpu.memref_slice %arg7[%dma_start3A_39, %dma_start3A_40] : memref<1000x16xf32, #tpu.memory_space<vmem>> -> memref<640x16xf32, #tpu.memory_space<vmem>>
        tpu.enqueue_dma source(%dma_start3A_41 : memref<640x16xf32, #tpu.memory_space<vmem>>) target(%dma_start3A_38 : memref<640x16xf32, #tpu.memory_space<vmem_shared>>) target_semaphore(%run_scoped3A : memref<!tpu.dma_semaphore, #tpu.memory_space<semaphore_mem>>)
        %dma_wait3A = arith.constant 0 : i32
        %dma_wait3A_42 = arith.constant 0 : i32
        %dma_wait3A_43 = tpu.memref_slice %arg7[%dma_wait3A, %dma_wait3A_42] : memref<1000x16xf32, #tpu.memory_space<vmem>> -> memref<640x16xf32, #tpu.memory_space<vmem>>
        %dma_wait3A_44 = arith.constant 0 : i32
        %dma_wait3A_45 = tpu.memref_slice %arg8[%add3A_32, %dma_wait3A_44] : memref<102400x16xf32, #tpu.memory_space<vmem_shared>> -> memref<640x16xf32, #tpu.memory_space<vmem_shared>>
        %dma_wait3A_46 = arith.constant 0 : i32
        %dma_wait3A_47 = tpu.memref_slice %arg8[%add3A_32, %dma_wait3A_46] : memref<102400x16xf32, #tpu.memory_space<vmem_shared>> -> memref<640x16xf32, #tpu.memory_space<vmem_shared>>
        %dma_wait3A_48 = arith.constant 0 : i32
        %dma_wait3A_49 = arith.constant 0 : i32
        %dma_wait3A_50 = tpu.memref_slice %arg7[%dma_wait3A_48, %dma_wait3A_49] : memref<1000x16xf32, #tpu.memory_space<vmem>> -> memref<640x16xf32, #tpu.memory_space<vmem>>
        tpu.wait_dma2 semaphore(%run_scoped3A : memref<!tpu.dma_semaphore, #tpu.memory_space<semaphore_mem>>) src(%dma_wait3A_50 : memref<640x16xf32, #tpu.memory_space<vmem>>) dst(%dma_wait3A_47 : memref<640x16xf32, #tpu.memory_space<vmem_shared>>)
        tpu.yield
      }) : () -> ()
    }
    %scan3A_11 = arith.constant 10 : i32
    %barrier3A = arith.constant 0 : index
    tpu.barrier barrier_id(%barrier3A)
    %scan3A_12 = arith.constant 0 : i32
    %scan3A_13 = arith.constant 50 : i32
    %scan3A_14 = arith.addi %scan3A_12, %scan3A_13 : i32
    %scan3A_15 = arith.constant 1 : i32
    scf.for %scan3A_23 = %scan3A_12 to %scan3A_14 step %scan3A_15  : i32 {
      %mul3A_24 = arith.constant 1 : i32
      %mul3A_25 = arith.muli %scan3A_23, %mul3A_24 : i32
      %add3A_26 = arith.constant 0 : i32
      %add3A_27 = arith.addi %add3A_26, %mul3A_25 : i32
      %mul3A_28 = arith.constant 1000 : i32
      %mul3A_29 = arith.muli %add3A_27, %mul3A_28 : i32
      %add3A_30 = arith.addi %mul3A_2, %mul3A_29 : i32
      %run_scoped3A = arith.constant 0 : i32
      "tpu.region"() ({
        %run_scoped3A_36 = tpu.sem_alloc : memref<!tpu.dma_semaphore, #tpu.memory_space<semaphore_mem>>
        %dma_start3A_37 = tpu.memref_slice %arg2[%run_scoped3A, %add3A_30] : memref<2x1600000xi32, #tpu.memory_space<hbm>> -> memref<1x1000xi32, #tpu.memory_space<hbm>>
        %dma_start3A_38 = tpu.memref_squeeze %dma_start3A_37 : memref<1x1000xi32, #tpu.memory_space<hbm>> -> memref<1000xi32, #tpu.memory_space<hbm>>
        %dma_start3A_39 = tpu.memref_slice %arg2[%run_scoped3A, %add3A_30] : memref<2x1600000xi32, #tpu.memory_space<hbm>> -> memref<1x1000xi32, #tpu.memory_space<hbm>>
        %dma_start3A_40 = tpu.memref_squeeze %dma_start3A_39 : memref<1x1000xi32, #tpu.memory_space<hbm>> -> memref<1000xi32, #tpu.memory_space<hbm>>
        tpu.enqueue_dma source(%dma_start3A_40 : memref<1000xi32, #tpu.memory_space<hbm>>) target(%arg5 : memref<1000xi32, #tpu.memory_space<vmem>>) target_semaphore(%run_scoped3A_36 : memref<!tpu.dma_semaphore, #tpu.memory_space<semaphore_mem>>)
        %dma_wait3A_41 = tpu.memref_slice %arg2[%run_scoped3A, %add3A_30] : memref<2x1600000xi32, #tpu.memory_space<hbm>> -> memref<1x1000xi32, #tpu.memory_space<hbm>>
        %dma_wait3A_42 = tpu.memref_squeeze %dma_wait3A_41 : memref<1x1000xi32, #tpu.memory_space<hbm>> -> memref<1000xi32, #tpu.memory_space<hbm>>
        %dma_wait3A_43 = tpu.memref_slice %arg2[%run_scoped3A, %add3A_30] : memref<2x1600000xi32, #tpu.memory_space<hbm>> -> memref<1x1000xi32, #tpu.memory_space<hbm>>
        %dma_wait3A_44 = tpu.memref_squeeze %dma_wait3A_43 : memref<1x1000xi32, #tpu.memory_space<hbm>> -> memref<1000xi32, #tpu.memory_space<hbm>>
        tpu.wait_dma2 semaphore(%run_scoped3A_36 : memref<!tpu.dma_semaphore, #tpu.memory_space<semaphore_mem>>) src(%dma_wait3A_44 : memref<1000xi32, #tpu.memory_space<hbm>>) dst(%arg5 : memref<1000xi32, #tpu.memory_space<vmem>>)
        tpu.yield
      }) : () -> ()
      %run_scoped3A_31 = arith.constant 1 : i32
      "tpu.region"() ({
        %run_scoped3A_36 = tpu.sem_alloc : memref<!tpu.dma_semaphore, #tpu.memory_space<semaphore_mem>>
        %dma_start3A_37 = tpu.memref_slice %arg2[%run_scoped3A_31, %add3A_30] : memref<2x1600000xi32, #tpu.memory_space<hbm>> -> memref<1x1000xi32, #tpu.memory_space<hbm>>
        %dma_start3A_38 = tpu.memref_squeeze %dma_start3A_37 : memref<1x1000xi32, #tpu.memory_space<hbm>> -> memref<1000xi32, #tpu.memory_space<hbm>>
        %dma_start3A_39 = tpu.memref_slice %arg2[%run_scoped3A_31, %add3A_30] : memref<2x1600000xi32, #tpu.memory_space<hbm>> -> memref<1x1000xi32, #tpu.memory_space<hbm>>
        %dma_start3A_40 = tpu.memref_squeeze %dma_start3A_39 : memref<1x1000xi32, #tpu.memory_space<hbm>> -> memref<1000xi32, #tpu.memory_space<hbm>>
        tpu.enqueue_dma source(%dma_start3A_40 : memref<1000xi32, #tpu.memory_space<hbm>>) target(%arg6 : memref<1000xi32, #tpu.memory_space<vmem>>) target_semaphore(%run_scoped3A_36 : memref<!tpu.dma_semaphore, #tpu.memory_space<semaphore_mem>>)
        %dma_wait3A_41 = tpu.memref_slice %arg2[%run_scoped3A_31, %add3A_30] : memref<2x1600000xi32, #tpu.memory_space<hbm>> -> memref<1x1000xi32, #tpu.memory_space<hbm>>
        %dma_wait3A_42 = tpu.memref_squeeze %dma_wait3A_41 : memref<1x1000xi32, #tpu.memory_space<hbm>> -> memref<1000xi32, #tpu.memory_space<hbm>>
        %dma_wait3A_43 = tpu.memref_slice %arg2[%run_scoped3A_31, %add3A_30] : memref<2x1600000xi32, #tpu.memory_space<hbm>> -> memref<1x1000xi32, #tpu.memory_space<hbm>>
        %dma_wait3A_44 = tpu.memref_squeeze %dma_wait3A_43 : memref<1x1000xi32, #tpu.memory_space<hbm>> -> memref<1000xi32, #tpu.memory_space<hbm>>
        tpu.wait_dma2 semaphore(%run_scoped3A_36 : memref<!tpu.dma_semaphore, #tpu.memory_space<semaphore_mem>>) src(%dma_wait3A_44 : memref<1000xi32, #tpu.memory_space<hbm>>) dst(%arg6 : memref<1000xi32, #tpu.memory_space<vmem>>)
        tpu.yield
      }) : () -> ()
      %dma_start3A = arith.constant 0 : i32
      %dma_start3A_32 = arith.constant 0 : i32
      %dma_start3A_33 = tpu.memref_slice %arg3[%dma_start3A, %dma_start3A_32] : memref<102400x16xf32, #tpu.memory_space<hbm>> -> memref<102400x16xf32, #tpu.memory_space<hbm>>
      tpu.enqueue_indirect_dma source(%dma_start3A_33 : memref<102400x16xf32, #tpu.memory_space<hbm>>) target(%arg7 : memref<1000x16xf32, #tpu.memory_space<vmem>>) offsets(%arg5 : memref<1000xi32, #tpu.memory_space<vmem>>) semaphore(%arg9 : memref<!tpu.dma_semaphore, #tpu.memory_space<semaphore_mem>>)
      %dma_wait3A = arith.constant 0 : i32
      %dma_wait3A_34 = arith.constant 0 : i32
      %dma_wait3A_35 = tpu.memref_slice %arg3[%dma_wait3A, %dma_wait3A_34] : memref<102400x16xf32, #tpu.memory_space<hbm>> -> memref<102400x16xf32, #tpu.memory_space<hbm>>
      tpu.wait_indirect_dma semaphore(%arg9 : memref<!tpu.dma_semaphore, #tpu.memory_space<semaphore_mem>>) src(%dma_wait3A_35 : memref<102400x16xf32, #tpu.memory_space<hbm>>) dst(%arg7 : memref<1000x16xf32, #tpu.memory_space<vmem>>)
      "tpu.region"() ({
        %run_scoped3A_36 = tpu.sem_alloc : memref<!tpu.dma_semaphore, #tpu.memory_space<semaphore_mem>>
        %dma_start3A_37 = arith.constant 0 : i32
        %dma_start3A_38 = arith.constant 0 : i32
        %dma_start3A_39 = tpu.memref_slice %arg8[%dma_start3A_37, %dma_start3A_38] : memref<102400x16xf32, #tpu.memory_space<vmem_shared>> -> memref<102400x16xf32, #tpu.memory_space<vmem_shared>>
        tpu.enqueue_indirect_dma source(%arg7 : memref<1000x16xf32, #tpu.memory_space<vmem>>) target(%dma_start3A_39 : memref<102400x16xf32, #tpu.memory_space<vmem_shared>>) offsets(%arg6 : memref<1000xi32, #tpu.memory_space<vmem>>) semaphore(%run_scoped3A_36 : memref<!tpu.dma_semaphore, #tpu.memory_space<semaphore_mem>>) {add = true}
        %dma_wait3A_40 = arith.constant 0 : i32
        %dma_wait3A_41 = arith.constant 0 : i32
        %dma_wait3A_42 = tpu.memref_slice %arg8[%dma_wait3A_40, %dma_wait3A_41] : memref<102400x16xf32, #tpu.memory_space<vmem_shared>> -> memref<102400x16xf32, #tpu.memory_space<vmem_shared>>
        tpu.wait_indirect_dma semaphore(%run_scoped3A_36 : memref<!tpu.dma_semaphore, #tpu.memory_space<semaphore_mem>>) src(%arg7 : memref<1000x16xf32, #tpu.memory_space<vmem>>) dst(%dma_wait3A_42 : memref<102400x16xf32, #tpu.memory_space<vmem_shared>>)
        tpu.yield
      }) : () -> ()
    }
    %scan3A_16 = arith.constant 50 : i32
    %barrier3A_17 = arith.constant 0 : index
    tpu.barrier barrier_id(%barrier3A_17)
    %scan3A_18 = arith.constant 0 : i32
    %scan3A_19 = arith.constant 10 : i32
    %scan3A_20 = arith.addi %scan3A_18, %scan3A_19 : i32
    %scan3A_21 = arith.constant 1 : i32
    scf.for %scan3A_23 = %scan3A_18 to %scan3A_20 step %scan3A_21  : i32 {
      %mul3A_24 = arith.constant 1 : i32
      %mul3A_25 = arith.muli %scan3A_23, %mul3A_24 : i32
      %add3A_26 = arith.constant 0 : i32
      %add3A_27 = arith.addi %add3A_26, %mul3A_25 : i32
      %mul3A_28 = arith.constant 6400 : i32
      %mul3A_29 = arith.muli %arg1, %mul3A_28 : i32
      %mul3A_30 = arith.constant 640 : i32
      %mul3A_31 = arith.muli %add3A_27, %mul3A_30 : i32
      %add3A_32 = arith.addi %mul3A_29, %mul3A_31 : i32
      "tpu.region"() ({
        %run_scoped3A = tpu.sem_alloc : memref<!tpu.dma_semaphore, #tpu.memory_space<semaphore_mem>>
        %dma_start3A = arith.constant 0 : i32
        %dma_start3A_33 = tpu.memref_slice %arg4[%arg0, %add3A_32, %dma_start3A] : memref<2x102400x16xf32, #tpu.memory_space<hbm>> -> memref<1x640x16xf32, #tpu.memory_space<hbm>>
        %dma_start3A_34 = tpu.memref_squeeze %dma_start3A_33 : memref<1x640x16xf32, #tpu.memory_space<hbm>> -> memref<640x16xf32, #tpu.memory_space<hbm>>
        %dma_start3A_35 = arith.constant 0 : i32
        %dma_start3A_36 = tpu.memref_slice %arg8[%add3A_32, %dma_start3A_35] : memref<102400x16xf32, #tpu.memory_space<vmem_shared>> -> memref<640x16xf32, #tpu.memory_space<vmem_shared>>
        tpu.enqueue_dma source(%dma_start3A_36 : memref<640x16xf32, #tpu.memory_space<vmem_shared>>) target(%dma_start3A_34 : memref<640x16xf32, #tpu.memory_space<hbm>>) target_semaphore(%run_scoped3A : memref<!tpu.dma_semaphore, #tpu.memory_space<semaphore_mem>>)
        %dma_wait3A = arith.constant 0 : i32
        %dma_wait3A_37 = tpu.memref_slice %arg4[%arg0, %add3A_32, %dma_wait3A] : memref<2x102400x16xf32, #tpu.memory_space<hbm>> -> memref<1x640x16xf32, #tpu.memory_space<hbm>>
        %dma_wait3A_38 = tpu.memref_squeeze %dma_wait3A_37 : memref<1x640x16xf32, #tpu.memory_space<hbm>> -> memref<640x16xf32, #tpu.memory_space<hbm>>
        %dma_wait3A_39 = arith.constant 0 : i32
        %dma_wait3A_40 = tpu.memref_slice %arg8[%add3A_32, %dma_wait3A_39] : memref<102400x16xf32, #tpu.memory_space<vmem_shared>> -> memref<640x16xf32, #tpu.memory_space<vmem_shared>>
        tpu.wait_dma2 semaphore(%run_scoped3A : memref<!tpu.dma_semaphore, #tpu.memory_space<semaphore_mem>>) src(%dma_wait3A_40 : memref<640x16xf32, #tpu.memory_space<vmem_shared>>) dst(%dma_wait3A_38 : memref<640x16xf32, #tpu.memory_space<hbm>>)
        tpu.yield
      }) : () -> ()
    }
    %scan3A_22 = arith.constant 10 : i32
    return
  }
}

#map = affine_map<(d0, d1) -> (0, 0)>
#map1 = affine_map<(d0, d1) -> (0, 0, 0)>
module attributes {stable_mosaic.version = 14 : i64} {
  func.func @body(%arg0: i32, %arg1: i32, %arg2: memref<2x1600000xi32, #tpu.memory_space<hbm>>, %arg3: memref<102400x16xf32, #tpu.memory_space<hbm>>, %arg4: memref<2x102400x16xf32, #tpu.memory_space<hbm>>, %arg5: memref<1000xi32, #tpu.memory_space<vmem>>, %arg6: memref<1000xi32, #tpu.memory_space<vmem>>, %arg7: memref<1000x16xf32, #tpu.memory_space<vmem>>, %arg8: memref<102400x16xf32, #tpu.memory_space<vmem_shared>>, %arg9: memref<!tpu.dma_semaphore, #tpu.memory_space<semaphore_mem>>) attributes {dimension_semantics = [#tpu.dimension_semantics<core_parallel>, #tpu.dimension_semantics<subcore_parallel>], iteration_bounds = array<i64: 2, 16>, scalar_prefetch = 0 : i64, scratch_operands = 5 : i64, tpu.core_type = #tpu.core_type<sc_vector_subcore>, window_params = [{transform_indices = #map}, {transform_indices = #map}, {transform_indices = #map1}]} {
    %mul3A = arith.constant 16 : i32
    %mul3A_0 = arith.muli %arg0, %mul3A : i32
    %add3A = arith.addi %mul3A_0, %arg1 : i32
    %mul3A_1 = arith.constant 50000 : i32
    %mul3A_2 = arith.muli %add3A, %mul3A_1 : i32
    %scan3A = arith.constant 0 : i32
    %scan3A_3 = arith.constant 1000 : i32
    %scan3A_4 = arith.addi %scan3A, %scan3A_3 : i32
    %scan3A_5 = arith.constant 1 : i32
    scf.for %scan3A_23 = %scan3A to %scan3A_4 step %scan3A_5  : i32 {
      %mul3A_24 = arith.constant 1 : i32
      %mul3A_25 = arith.muli %scan3A_23, %mul3A_24 : i32
      %add3A_26 = arith.constant 0 : i32
      %add3A_27 = arith.addi %add3A_26, %mul3A_25 : i32
      %broadcast_in_dim3A = arith.constant 0.000000e+00 : f32
      %broadcast_in_dim3A_28 = vector.broadcast %broadcast_in_dim3A : f32 to vector<16xf32>
      %swap3A = arith.index_cast %add3A_27 : i32 to index
      %swap3A_29 = arith.constant 0 : index
      %swap3A_30 = tpu.vector_load %arg7[%swap3A, %swap3A_29] {strides = array<i32>} : memref<1000x16xf32, #tpu.memory_space<vmem>>, vector<1x16xf32>,
      %swap3A_31 = vector.shape_cast %swap3A_30 : vector<1x16xf32> to vector<16xf32>
      %swap3A_32 = vector.shape_cast %broadcast_in_dim3A_28 : vector<16xf32> to vector<1x16xf32>
      tpu.vector_store %arg7[%swap3A, %swap3A_29], %swap3A_32 {strides = array<i32>} : memref<1000x16xf32, #tpu.memory_space<vmem>>, vector<1x16xf32>,
    }
    %scan3A_6 = arith.constant 1000 : i32
    %scan3A_7 = arith.constant 0 : i32
    %scan3A_8 = arith.constant 10 : i32
    %scan3A_9 = arith.addi %scan3A_7, %scan3A_8 : i32
    %scan3A_10 = arith.constant 1 : i32
    scf.for %scan3A_23 = %scan3A_7 to %scan3A_9 step %scan3A_10  : i32 {
      %mul3A_24 = arith.constant 1 : i32
      %mul3A_25 = arith.muli %scan3A_23, %mul3A_24 : i32
      %add3A_26 = arith.constant 0 : i32
      %add3A_27 = arith.addi %add3A_26, %mul3A_25 : i32
      %mul3A_28 = arith.constant 6400 : i32
      %mul3A_29 = arith.muli %arg1, %mul3A_28 : i32
      %mul3A_30 = arith.constant 640 : i32
      %mul3A_31 = arith.muli %add3A_27, %mul3A_30 : i32
      %add3A_32 = arith.addi %mul3A_29, %mul3A_31 : i32
      "tpu.region"() ({
        %run_scoped3A = tpu.sem_alloc : memref<!tpu.dma_semaphore, #tpu.memory_space<semaphore_mem>>
        %dma_start3A = arith.constant 0 : i32
        %dma_start3A_33 = arith.constant 0 : i32
        %dma_start3A_34 = tpu.memref_slice %arg7[%dma_start3A, %dma_start3A_33] : memref<1000x16xf32, #tpu.memory_space<vmem>> -> memref<640x16xf32, #tpu.memory_space<vmem>>
        %dma_start3A_35 = arith.constant 0 : i32
        %dma_start3A_36 = tpu.memref_slice %arg8[%add3A_32, %dma_start3A_35] : memref<102400x16xf32, #tpu.memory_space<vmem_shared>> -> memref<640x16xf32, #tpu.memory_space<vmem_shared>>
        %dma_start3A_37 = arith.constant 0 : i32
        %dma_start3A_38 = tpu.memref_slice %arg8[%add3A_32, %dma_start3A_37] : memref<102400x16xf32, #tpu.memory_space<vmem_shared>> -> memref<640x16xf32, #tpu.memory_space<vmem_shared>>
        %dma_start3A_39 = arith.constant 0 : i32
        %dma_start3A_40 = arith.constant 0 : i32
        %dma_start3A_41 = tpu.memref_slice %arg7[%dma_start3A_39, %dma_start3A_40] : memref<1000x16xf32, #tpu.memory_space<vmem>> -> memref<640x16xf32, #tpu.memory_space<vmem>>
        tpu.enqueue_dma source(%dma_start3A_41 : memref<640x16xf32, #tpu.memory_space<vmem>>) target(%dma_start3A_38 : memref<640x16xf32, #tpu.memory_space<vmem_shared>>) target_semaphore(%run_scoped3A : memref<!tpu.dma_semaphore, #tpu.memory_space<semaphore_mem>>)
        %dma_wait3A = arith.constant 0 : i32
        %dma_wait3A_42 = arith.constant 0 : i32
        %dma_wait3A_43 = tpu.memref_slice %arg7[%dma_wait3A, %dma_wait3A_42] : memref<1000x16xf32, #tpu.memory_space<vmem>> -> memref<640x16xf32, #tpu.memory_space<vmem>>
        %dma_wait3A_44 = arith.constant 0 : i32
        %dma_wait3A_45 = tpu.memref_slice %arg8[%add3A_32, %dma_wait3A_44] : memref<102400x16xf32, #tpu.memory_space<vmem_shared>> -> memref<640x16xf32, #tpu.memory_space<vmem_shared>>
        %dma_wait3A_46 = arith.constant 0 : i32
        %dma_wait3A_47 = tpu.memref_slice %arg8[%add3A_32, %dma_wait3A_46] : memref<102400x16xf32, #tpu.memory_space<vmem_shared>> -> memref<640x16xf32, #tpu.memory_space<vmem_shared>>
        %dma_wait3A_48 = arith.constant 0 : i32
        %dma_wait3A_49 = arith.constant 0 : i32
        %dma_wait3A_50 = tpu.memref_slice %arg7[%dma_wait3A_48, %dma_wait3A_49] : memref<1000x16xf32, #tpu.memory_space<vmem>> -> memref<640x16xf32, #tpu.memory_space<vmem>>
        tpu.wait_dma2 semaphore(%run_scoped3A : memref<!tpu.dma_semaphore, #tpu.memory_space<semaphore_mem>>) src(%dma_wait3A_50 : memref<640x16xf32, #tpu.memory_space<vmem>>) dst(%dma_wait3A_47 : memref<640x16xf32, #tpu.memory_space<vmem_shared>>)
        tpu.yield
      }) : () -> ()
    }
    %scan3A_11 = arith.constant 10 : i32
    %barrier3A = arith.constant 0 : index
    tpu.barrier barrier_id(%barrier3A)
    %scan3A_12 = arith.constant 0 : i32
    %scan3A_13 = arith.constant 50 : i32
    %scan3A_14 = arith.addi %scan3A_12, %scan3A_13 : i32
    %scan3A_15 = arith.constant 1 : i32
    scf.for %scan3A_23 = %scan3A_12 to %scan3A_14 step %scan3A_15  : i32 {
      %mul3A_24 = arith.constant 1 : i32
      %mul3A_25 = arith.muli %scan3A_23, %mul3A_24 : i32
      %add3A_26 = arith.constant 0 : i32
      %add3A_27 = arith.addi %add3A_26, %mul3A_25 : i32
      %mul3A_28 = arith.constant 1000 : i32
      %mul3A_29 = arith.muli %add3A_27, %mul3A_28 : i32
      %add3A_30 = arith.addi %mul3A_2, %mul3A_29 : i32
      %run_scoped3A = arith.constant 0 : i32
      "tpu.region"() ({
        %run_scoped3A_36 = tpu.sem_alloc : memref<!tpu.dma_semaphore, #tpu.memory_space<semaphore_mem>>
        %dma_start3A_37 = tpu.memref_slice %arg2[%run_scoped3A, %add3A_30] : memref<2x1600000xi32, #tpu.memory_space<hbm>> -> memref<1x1000xi32, #tpu.memory_space<hbm>>
        %dma_start3A_38 = tpu.memref_squeeze %dma_start3A_37 : memref<1x1000xi32, #tpu.memory_space<hbm>> -> memref<1000xi32, #tpu.memory_space<hbm>>
        %dma_start3A_39 = tpu.memref_slice %arg2[%run_scoped3A, %add3A_30] : memref<2x1600000xi32, #tpu.memory_space<hbm>> -> memref<1x1000xi32, #tpu.memory_space<hbm>>
        %dma_start3A_40 = tpu.memref_squeeze %dma_start3A_39 : memref<1x1000xi32, #tpu.memory_space<hbm>> -> memref<1000xi32, #tpu.memory_space<hbm>>
        tpu.enqueue_dma source(%dma_start3A_40 : memref<1000xi32, #tpu.memory_space<hbm>>) target(%arg5 : memref<1000xi32, #tpu.memory_space<vmem>>) target_semaphore(%run_scoped3A_36 : memref<!tpu.dma_semaphore, #tpu.memory_space<semaphore_mem>>)
        %dma_wait3A_41 = tpu.memref_slice %arg2[%run_scoped3A, %add3A_30] : memref<2x1600000xi32, #tpu.memory_space<hbm>> -> memref<1x1000xi32, #tpu.memory_space<hbm>>
        %dma_wait3A_42 = tpu.memref_squeeze %dma_wait3A_41 : memref<1x1000xi32, #tpu.memory_space<hbm>> -> memref<1000xi32, #tpu.memory_space<hbm>>
        %dma_wait3A_43 = tpu.memref_slice %arg2[%run_scoped3A, %add3A_30] : memref<2x1600000xi32, #tpu.memory_space<hbm>> -> memref<1x1000xi32, #tpu.memory_space<hbm>>
        %dma_wait3A_44 = tpu.memref_squeeze %dma_wait3A_43 : memref<1x1000xi32, #tpu.memory_space<hbm>> -> memref<1000xi32, #tpu.memory_space<hbm>>
        tpu.wait_dma2 semaphore(%run_scoped3A_36 : memref<!tpu.dma_semaphore, #tpu.memory_space<semaphore_mem>>) src(%dma_wait3A_44 : memref<1000xi32, #tpu.memory_space<hbm>>) dst(%arg5 : memref<1000xi32, #tpu.memory_space<vmem>>)
        tpu.yield
      }) : () -> ()
      %run_scoped3A_31 = arith.constant 1 : i32
      "tpu.region"() ({
        %run_scoped3A_36 = tpu.sem_alloc : memref<!tpu.dma_semaphore, #tpu.memory_space<semaphore_mem>>
        %dma_start3A_37 = tpu.memref_slice %arg2[%run_scoped3A_31, %add3A_30] : memref<2x1600000xi32, #tpu.memory_space<hbm>> -> memref<1x1000xi32, #tpu.memory_space<hbm>>
        %dma_start3A_38 = tpu.memref_squeeze %dma_start3A_37 : memref<1x1000xi32, #tpu.memory_space<hbm>> -> memref<1000xi32, #tpu.memory_space<hbm>>
        %dma_start3A_39 = tpu.memref_slice %arg2[%run_scoped3A_31, %add3A_30] : memref<2x1600000xi32, #tpu.memory_space<hbm>> -> memref<1x1000xi32, #tpu.memory_space<hbm>>
        %dma_start3A_40 = tpu.memref_squeeze %dma_start3A_39 : memref<1x1000xi32, #tpu.memory_space<hbm>> -> memref<1000xi32, #tpu.memory_space<hbm>>
        tpu.enqueue_dma source(%dma_start3A_40 : memref<1000xi32, #tpu.memory_space<hbm>>) target(%arg6 : memref<1000xi32, #tpu.memory_space<vmem>>) target_semaphore(%run_scoped3A_36 : memref<!tpu.dma_semaphore, #tpu.memory_space<semaphore_mem>>)
        %dma_wait3A_41 = tpu.memref_slice %arg2[%run_scoped3A_31, %add3A_30] : memref<2x1600000xi32, #tpu.memory_space<hbm>> -> memref<1x1000xi32, #tpu.memory_space<hbm>>
        %dma_wait3A_42 = tpu.memref_squeeze %dma_wait3A_41 : memref<1x1000xi32, #tpu.memory_space<hbm>> -> memref<1000xi32, #tpu.memory_space<hbm>>
        %dma_wait3A_43 = tpu.memref_slice %arg2[%run_scoped3A_31, %add3A_30] : memref<2x1600000xi32, #tpu.memory_space<hbm>> -> memref<1x1000xi32, #tpu.memory_space<hbm>>
        %dma_wait3A_44 = tpu.memref_squeeze %dma_wait3A_43 : memref<1x1000xi32, #tpu.memory_space<hbm>> -> memref<1000xi32, #tpu.memory_space<hbm>>
        tpu.wait_dma2 semaphore(%run_scoped3A_36 : memref<!tpu.dma_semaphore, #tpu.memory_space<semaphore_mem>>) src(%dma_wait3A_44 : memref<1000xi32, #tpu.memory_space<hbm>>) dst(%arg6 : memref<1000xi32, #tpu.memory_space<vmem>>)
        tpu.yield
      }) : () -> ()
      %dma_start3A = arith.constant 0 : i32
      %dma_start3A_32 = arith.constant 0 : i32
      %dma_start3A_33 = tpu.memref_slice %arg3[%dma_start3A, %dma_start3A_32] : memref<102400x16xf32, #tpu.memory_space<hbm>> -> memref<102400x16xf32, #tpu.memory_space<hbm>>
      tpu.enqueue_indirect_dma source(%dma_start3A_33 : memref<102400x16xf32, #tpu.memory_space<hbm>>) target(%arg7 : memref<1000x16xf32, #tpu.memory_space<vmem>>) offsets(%arg5 : memref<1000xi32, #tpu.memory_space<vmem>>) semaphore(%arg9 : memref<!tpu.dma_semaphore, #tpu.memory_space<semaphore_mem>>)
      %dma_wait3A = arith.constant 0 : i32
      %dma_wait3A_34 = arith.constant 0 : i32
      %dma_wait3A_35 = tpu.memref_slice %arg3[%dma_wait3A, %dma_wait3A_34] : memref<102400x16xf32, #tpu.memory_space<hbm>> -> memref<102400x16xf32, #tpu.memory_space<hbm>>
      tpu.wait_indirect_dma semaphore(%arg9 : memref<!tpu.dma_semaphore, #tpu.memory_space<semaphore_mem>>) src(%dma_wait3A_35 : memref<102400x16xf32, #tpu.memory_space<hbm>>) dst(%arg7 : memref<1000x16xf32, #tpu.memory_space<vmem>>)
      "tpu.region"() ({
        %run_scoped3A_36 = tpu.sem_alloc : memref<!tpu.dma_semaphore, #tpu.memory_space<semaphore_mem>>
        %dma_start3A_37 = arith.constant 0 : i32
        %dma_start3A_38 = arith.constant 0 : i32
        %dma_start3A_39 = tpu.memref_slice %arg8[%dma_start3A_37, %dma_start3A_38] : memref<102400x16xf32, #tpu.memory_space<vmem_shared>> -> memref<102400x16xf32, #tpu.memory_space<vmem_shared>>
        tpu.enqueue_indirect_dma source(%arg7 : memref<1000x16xf32, #tpu.memory_space<vmem>>) target(%dma_start3A_39 : memref<102400x16xf32, #tpu.memory_space<vmem_shared>>) offsets(%arg6 : memref<1000xi32, #tpu.memory_space<vmem>>) semaphore(%run_scoped3A_36 : memref<!tpu.dma_semaphore, #tpu.memory_space<semaphore_mem>>) {add = true}
        %dma_wait3A_40 = arith.constant 0 : i32
        %dma_wait3A_41 = arith.constant 0 : i32
        %dma_wait3A_42 = tpu.memref_slice %arg8[%dma_wait3A_40, %dma_wait3A_41] : memref<102400x16xf32, #tpu.memory_space<vmem_shared>> -> memref<102400x16xf32, #tpu.memory_space<vmem_shared>>
        tpu.wait_indirect_dma semaphore(%run_scoped3A_36 : memref<!tpu.dma_semaphore, #tpu.memory_space<semaphore_mem>>) src(%arg7 : memref<1000x16xf32, #tpu.memory_space<vmem>>) dst(%dma_wait3A_42 : memref<102400x16xf32, #tpu.memory_space<vmem_shared>>)
        tpu.yield
      }) : () -> ()
    }
    %scan3A_16 = arith.constant 50 : i32
    %barrier3A_17 = arith.constant 0 : index
    tpu.barrier barrier_id(%barrier3A_17)
    %scan3A_18 = arith.constant 0 : i32
    %scan3A_19 = arith.constant 10 : i32
    %scan3A_20 = arith.addi %scan3A_18, %scan3A_19 : i32
    %scan3A_21 = arith.constant 1 : i32
    scf.for %scan3A_23 = %scan3A_18 to %scan3A_20 step %scan3A_21  : i32 {
      %mul3A_24 = arith.constant 1 : i32
      %mul3A_25 = arith.muli %scan3A_23, %mul3A_24 : i32
      %add3A_26 = arith.constant 0 : i32
      %add3A_27 = arith.addi %add3A_26, %mul3A_25 : i32
      %mul3A_28 = arith.constant 6400 : i32
      %mul3A_29 = arith.muli %arg1, %mul3A_28 : i32
      %mul3A_30 = arith.constant 640 : i32
      %mul3A_31 = arith.muli %add3A_27, %mul3A_30 : i32
      %add3A_32 = arith.addi %mul3A_29, %mul3A_31 : i32
      "tpu.region"() ({
        %run_scoped3A = tpu.sem_alloc : memref<!tpu.dma_semaphore, #tpu.memory_space<semaphore_mem>>
        %dma_start3A = arith.constant 0 : i32
        %dma_start3A_33 = tpu.memref_slice %arg4[%arg0, %add3A_32, %dma_start3A] : memref<2x102400x16xf32, #tpu.memory_space<hbm>> -> memref<1x640x16xf32, #tpu.memory_space<hbm>>
        %dma_start3A_34 = tpu.memref_squeeze %dma_start3A_33 : memref<1x640x16xf32, #tpu.memory_space<hbm>> -> memref<640x16xf32, #tpu.memory_space<hbm>>
        %dma_start3A_35 = arith.constant 0 : i32
        %dma_start3A_36 = tpu.memref_slice %arg8[%add3A_32, %dma_start3A_35] : memref<102400x16xf32, #tpu.memory_space<vmem_shared>> -> memref<640x16xf32, #tpu.memory_space<vmem_shared>>
        tpu.enqueue_dma source(%dma_start3A_36 : memref<640x16xf32, #tpu.memory_space<vmem_shared>>) target(%dma_start3A_34 : memref<640x16xf32, #tpu.memory_space<hbm>>) target_semaphore(%run_scoped3A : memref<!tpu.dma_semaphore, #tpu.memory_space<semaphore_mem>>)
        %dma_wait3A = arith.constant 0 : i32
        %dma_wait3A_37 = tpu.memref_slice %arg4[%arg0, %add3A_32, %dma_wait3A] : memref<2x102400x16xf32, #tpu.memory_space<hbm>> -> memref<1x640x16xf32, #tpu.memory_space<hbm>>
        %dma_wait3A_38 = tpu.memref_squeeze %dma_wait3A_37 : memref<1x640x16xf32, #tpu.memory_space<hbm>> -> memref<640x16xf32, #tpu.memory_space<hbm>>
        %dma_wait3A_39 = arith.constant 0 : i32
        %dma_wait3A_40 = tpu.memref_slice %arg8[%add3A_32, %dma_wait3A_39] : memref<102400x16xf32, #tpu.memory_space<vmem_shared>> -> memref<640x16xf32, #tpu.memory_space<vmem_shared>>
        tpu.wait_dma2 semaphore(%run_scoped3A : memref<!tpu.dma_semaphore, #tpu.memory_space<semaphore_mem>>) src(%dma_wait3A_40 : memref<640x16xf32, #tpu.memory_space<vmem_shared>>) dst(%dma_wait3A_38 : memref<640x16xf32, #tpu.memory_space<hbm>>)
        tpu.yield
      }) : () -> ()
    }
    %scan3A_22 = arith.constant 10 : i32
    return
  }
}

#map = affine_map<(d0, d1) -> (0, 0)>
#map1 = affine_map<(d0, d1) -> (0, 0, 0)>
module attributes {stable_mosaic.version = 14 : i64} {
  func.func @body(%arg0: i32, %arg1: i32, %arg2: memref<2x1600000xi32, #tpu.memory_space<hbm>>, %arg3: memref<102400x16xf32, #tpu.memory_space<hbm>>, %arg4: memref<102400x16xf32, #tpu.memory_space<hbm>>, %arg5: memref<2x102400x16xf32, #tpu.memory_space<hbm>>, %arg6: memref<2x102400x16xf32, #tpu.memory_space<hbm>>, %arg7: memref<1000xi32, #tpu.memory_space<vmem>>, %arg8: memref<1000xi32, #tpu.memory_space<vmem>>, %arg9: memref<1000x16xf32, #tpu.memory_space<vmem>>, %arg10: memref<102400x16xf32, #tpu.memory_space<vmem_shared>>, %arg11: memref<!tpu.dma_semaphore, #tpu.memory_space<semaphore_mem>>) attributes {dimension_semantics = [#tpu.dimension_semantics<core_parallel>, #tpu.dimension_semantics<subcore_parallel>], iteration_bounds = array<i64: 2, 16>, scalar_prefetch = 0 : i64, scratch_operands = 5 : i64, tpu.core_type = #tpu.core_type<sc_vector_subcore>, window_params = [{transform_indices = #map}, {transform_indices = #map}, {transform_indices = #map}, {transform_indices = #map1}, {transform_indices = #map1}]} {
    %mul3A = arith.constant 16 : i32
    %mul3A_0 = arith.muli %arg0, %mul3A : i32
    %add3A = arith.addi %mul3A_0, %arg1 : i32
    %mul3A_1 = arith.constant 50000 : i32
    %mul3A_2 = arith.muli %add3A, %mul3A_1 : i32
    %scan3A = arith.constant 0 : i32
    %scan3A_3 = arith.constant 1000 : i32
    %scan3A_4 = arith.addi %scan3A, %scan3A_3 : i32
    %scan3A_5 = arith.constant 1 : i32
    scf.for %scan3A_45 = %scan3A to %scan3A_4 step %scan3A_5  : i32 {
      %mul3A_46 = arith.constant 1 : i32
      %mul3A_47 = arith.muli %scan3A_45, %mul3A_46 : i32
      %add3A_48 = arith.constant 0 : i32
      %add3A_49 = arith.addi %add3A_48, %mul3A_47 : i32
      %broadcast_in_dim3A = arith.constant 0.000000e+00 : f32
      %broadcast_in_dim3A_50 = vector.broadcast %broadcast_in_dim3A : f32 to vector<16xf32>
      %swap3A = arith.index_cast %add3A_49 : i32 to index
      %swap3A_51 = arith.constant 0 : index
      %swap3A_52 = tpu.vector_load %arg9[%swap3A, %swap3A_51] {strides = array<i32>} : memref<1000x16xf32, #tpu.memory_space<vmem>>, vector<1x16xf32>,
      %swap3A_53 = vector.shape_cast %swap3A_52 : vector<1x16xf32> to vector<16xf32>
      %swap3A_54 = vector.shape_cast %broadcast_in_dim3A_50 : vector<16xf32> to vector<1x16xf32>
      tpu.vector_store %arg9[%swap3A, %swap3A_51], %swap3A_54 {strides = array<i32>} : memref<1000x16xf32, #tpu.memory_space<vmem>>, vector<1x16xf32>,
    }
    %scan3A_6 = arith.constant 1000 : i32
    %scan3A_7 = arith.constant 0 : i32
    %scan3A_8 = arith.constant 10 : i32
    %scan3A_9 = arith.addi %scan3A_7, %scan3A_8 : i32
    %scan3A_10 = arith.constant 1 : i32
    scf.for %scan3A_45 = %scan3A_7 to %scan3A_9 step %scan3A_10  : i32 {
      %mul3A_46 = arith.constant 1 : i32
      %mul3A_47 = arith.muli %scan3A_45, %mul3A_46 : i32
      %add3A_48 = arith.constant 0 : i32
      %add3A_49 = arith.addi %add3A_48, %mul3A_47 : i32
      %mul3A_50 = arith.constant 6400 : i32
      %mul3A_51 = arith.muli %arg1, %mul3A_50 : i32
      %mul3A_52 = arith.constant 640 : i32
      %mul3A_53 = arith.muli %add3A_49, %mul3A_52 : i32
      %add3A_54 = arith.addi %mul3A_51, %mul3A_53 : i32
      "tpu.region"() ({
        %run_scoped3A = tpu.sem_alloc : memref<!tpu.dma_semaphore, #tpu.memory_space<semaphore_mem>>
        %dma_start3A = arith.constant 0 : i32
        %dma_start3A_55 = arith.constant 0 : i32
        %dma_start3A_56 = tpu.memref_slice %arg9[%dma_start3A, %dma_start3A_55] : memref<1000x16xf32, #tpu.memory_space<vmem>> -> memref<640x16xf32, #tpu.memory_space<vmem>>
        %dma_start3A_57 = arith.constant 0 : i32
        %dma_start3A_58 = tpu.memref_slice %arg10[%add3A_54, %dma_start3A_57] : memref<102400x16xf32, #tpu.memory_space<vmem_shared>> -> memref<640x16xf32, #tpu.memory_space<vmem_shared>>
        %dma_start3A_59 = arith.constant 0 : i32
        %dma_start3A_60 = tpu.memref_slice %arg10[%add3A_54, %dma_start3A_59] : memref<102400x16xf32, #tpu.memory_space<vmem_shared>> -> memref<640x16xf32, #tpu.memory_space<vmem_shared>>
        %dma_start3A_61 = arith.constant 0 : i32
        %dma_start3A_62 = arith.constant 0 : i32
        %dma_start3A_63 = tpu.memref_slice %arg9[%dma_start3A_61, %dma_start3A_62] : memref<1000x16xf32, #tpu.memory_space<vmem>> -> memref<640x16xf32, #tpu.memory_space<vmem>>
        tpu.enqueue_dma source(%dma_start3A_63 : memref<640x16xf32, #tpu.memory_space<vmem>>) target(%dma_start3A_60 : memref<640x16xf32, #tpu.memory_space<vmem_shared>>) target_semaphore(%run_scoped3A : memref<!tpu.dma_semaphore, #tpu.memory_space<semaphore_mem>>)
        %dma_wait3A = arith.constant 0 : i32
        %dma_wait3A_64 = arith.constant 0 : i32
        %dma_wait3A_65 = tpu.memref_slice %arg9[%dma_wait3A, %dma_wait3A_64] : memref<1000x16xf32, #tpu.memory_space<vmem>> -> memref<640x16xf32, #tpu.memory_space<vmem>>
        %dma_wait3A_66 = arith.constant 0 : i32
        %dma_wait3A_67 = tpu.memref_slice %arg10[%add3A_54, %dma_wait3A_66] : memref<102400x16xf32, #tpu.memory_space<vmem_shared>> -> memref<640x16xf32, #tpu.memory_space<vmem_shared>>
        %dma_wait3A_68 = arith.constant 0 : i32
        %dma_wait3A_69 = tpu.memref_slice %arg10[%add3A_54, %dma_wait3A_68] : memref<102400x16xf32, #tpu.memory_space<vmem_shared>> -> memref<640x16xf32, #tpu.memory_space<vmem_shared>>
        %dma_wait3A_70 = arith.constant 0 : i32
        %dma_wait3A_71 = arith.constant 0 : i32
        %dma_wait3A_72 = tpu.memref_slice %arg9[%dma_wait3A_70, %dma_wait3A_71] : memref<1000x16xf32, #tpu.memory_space<vmem>> -> memref<640x16xf32, #tpu.memory_space<vmem>>
        tpu.wait_dma2 semaphore(%run_scoped3A : memref<!tpu.dma_semaphore, #tpu.memory_space<semaphore_mem>>) src(%dma_wait3A_72 : memref<640x16xf32, #tpu.memory_space<vmem>>) dst(%dma_wait3A_69 : memref<640x16xf32, #tpu.memory_space<vmem_shared>>)
        tpu.yield
      }) : () -> ()
    }
    %scan3A_11 = arith.constant 10 : i32
    %barrier3A = arith.constant 0 : index
    tpu.barrier barrier_id(%barrier3A)
    %scan3A_12 = arith.constant 0 : i32
    %scan3A_13 = arith.constant 50 : i32
    %scan3A_14 = arith.addi %scan3A_12, %scan3A_13 : i32
    %scan3A_15 = arith.constant 1 : i32
    scf.for %scan3A_45 = %scan3A_12 to %scan3A_14 step %scan3A_15  : i32 {
      %mul3A_46 = arith.constant 1 : i32
      %mul3A_47 = arith.muli %scan3A_45, %mul3A_46 : i32
      %add3A_48 = arith.constant 0 : i32
      %add3A_49 = arith.addi %add3A_48, %mul3A_47 : i32
      %mul3A_50 = arith.constant 1000 : i32
      %mul3A_51 = arith.muli %add3A_49, %mul3A_50 : i32
      %add3A_52 = arith.addi %mul3A_2, %mul3A_51 : i32
      %run_scoped3A = arith.constant 0 : i32
      "tpu.region"() ({
        %run_scoped3A_58 = tpu.sem_alloc : memref<!tpu.dma_semaphore, #tpu.memory_space<semaphore_mem>>
        %dma_start3A_59 = tpu.memref_slice %arg2[%run_scoped3A, %add3A_52] : memref<2x1600000xi32, #tpu.memory_space<hbm>> -> memref<1x1000xi32, #tpu.memory_space<hbm>>
        %dma_start3A_60 = tpu.memref_squeeze %dma_start3A_59 : memref<1x1000xi32, #tpu.memory_space<hbm>> -> memref<1000xi32, #tpu.memory_space<hbm>>
        %dma_start3A_61 = tpu.memref_slice %arg2[%run_scoped3A, %add3A_52] : memref<2x1600000xi32, #tpu.memory_space<hbm>> -> memref<1x1000xi32, #tpu.memory_space<hbm>>
        %dma_start3A_62 = tpu.memref_squeeze %dma_start3A_61 : memref<1x1000xi32, #tpu.memory_space<hbm>> -> memref<1000xi32, #tpu.memory_space<hbm>>
        tpu.enqueue_dma source(%dma_start3A_62 : memref<1000xi32, #tpu.memory_space<hbm>>) target(%arg7 : memref<1000xi32, #tpu.memory_space<vmem>>) target_semaphore(%run_scoped3A_58 : memref<!tpu.dma_semaphore, #tpu.memory_space<semaphore_mem>>)
        %dma_wait3A_63 = tpu.memref_slice %arg2[%run_scoped3A, %add3A_52] : memref<2x1600000xi32, #tpu.memory_space<hbm>> -> memref<1x1000xi32, #tpu.memory_space<hbm>>
        %dma_wait3A_64 = tpu.memref_squeeze %dma_wait3A_63 : memref<1x1000xi32, #tpu.memory_space<hbm>> -> memref<1000xi32, #tpu.memory_space<hbm>>
        %dma_wait3A_65 = tpu.memref_slice %arg2[%run_scoped3A, %add3A_52] : memref<2x1600000xi32, #tpu.memory_space<hbm>> -> memref<1x1000xi32, #tpu.memory_space<hbm>>
        %dma_wait3A_66 = tpu.memref_squeeze %dma_wait3A_65 : memref<1x1000xi32, #tpu.memory_space<hbm>> -> memref<1000xi32, #tpu.memory_space<hbm>>
        tpu.wait_dma2 semaphore(%run_scoped3A_58 : memref<!tpu.dma_semaphore, #tpu.memory_space<semaphore_mem>>) src(%dma_wait3A_66 : memref<1000xi32, #tpu.memory_space<hbm>>) dst(%arg7 : memref<1000xi32, #tpu.memory_space<vmem>>)
        tpu.yield
      }) : () -> ()
      %run_scoped3A_53 = arith.constant 1 : i32
      "tpu.region"() ({
        %run_scoped3A_58 = tpu.sem_alloc : memref<!tpu.dma_semaphore, #tpu.memory_space<semaphore_mem>>
        %dma_start3A_59 = tpu.memref_slice %arg2[%run_scoped3A_53, %add3A_52] : memref<2x1600000xi32, #tpu.memory_space<hbm>> -> memref<1x1000xi32, #tpu.memory_space<hbm>>
        %dma_start3A_60 = tpu.memref_squeeze %dma_start3A_59 : memref<1x1000xi32, #tpu.memory_space<hbm>> -> memref<1000xi32, #tpu.memory_space<hbm>>
        %dma_start3A_61 = tpu.memref_slice %arg2[%run_scoped3A_53, %add3A_52] : memref<2x1600000xi32, #tpu.memory_space<hbm>> -> memref<1x1000xi32, #tpu.memory_space<hbm>>
        %dma_start3A_62 = tpu.memref_squeeze %dma_start3A_61 : memref<1x1000xi32, #tpu.memory_space<hbm>> -> memref<1000xi32, #tpu.memory_space<hbm>>
        tpu.enqueue_dma source(%dma_start3A_62 : memref<1000xi32, #tpu.memory_space<hbm>>) target(%arg8 : memref<1000xi32, #tpu.memory_space<vmem>>) target_semaphore(%run_scoped3A_58 : memref<!tpu.dma_semaphore, #tpu.memory_space<semaphore_mem>>)
        %dma_wait3A_63 = tpu.memref_slice %arg2[%run_scoped3A_53, %add3A_52] : memref<2x1600000xi32, #tpu.memory_space<hbm>> -> memref<1x1000xi32, #tpu.memory_space<hbm>>
        %dma_wait3A_64 = tpu.memref_squeeze %dma_wait3A_63 : memref<1x1000xi32, #tpu.memory_space<hbm>> -> memref<1000xi32, #tpu.memory_space<hbm>>
        %dma_wait3A_65 = tpu.memref_slice %arg2[%run_scoped3A_53, %add3A_52] : memref<2x1600000xi32, #tpu.memory_space<hbm>> -> memref<1x1000xi32, #tpu.memory_space<hbm>>
        %dma_wait3A_66 = tpu.memref_squeeze %dma_wait3A_65 : memref<1x1000xi32, #tpu.memory_space<hbm>> -> memref<1000xi32, #tpu.memory_space<hbm>>
        tpu.wait_dma2 semaphore(%run_scoped3A_58 : memref<!tpu.dma_semaphore, #tpu.memory_space<semaphore_mem>>) src(%dma_wait3A_66 : memref<1000xi32, #tpu.memory_space<hbm>>) dst(%arg8 : memref<1000xi32, #tpu.memory_space<vmem>>)
        tpu.yield
      }) : () -> ()
      %dma_start3A = arith.constant 0 : i32
      %dma_start3A_54 = arith.constant 0 : i32
      %dma_start3A_55 = tpu.memref_slice %arg3[%dma_start3A, %dma_start3A_54] : memref<102400x16xf32, #tpu.memory_space<hbm>> -> memref<102400x16xf32, #tpu.memory_space<hbm>>
      tpu.enqueue_indirect_dma source(%dma_start3A_55 : memref<102400x16xf32, #tpu.memory_space<hbm>>) target(%arg9 : memref<1000x16xf32, #tpu.memory_space<vmem>>) offsets(%arg7 : memref<1000xi32, #tpu.memory_space<vmem>>) semaphore(%arg11 : memref<!tpu.dma_semaphore, #tpu.memory_space<semaphore_mem>>)
      %dma_wait3A = arith.constant 0 : i32
      %dma_wait3A_56 = arith.constant 0 : i32
      %dma_wait3A_57 = tpu.memref_slice %arg3[%dma_wait3A, %dma_wait3A_56] : memref<102400x16xf32, #tpu.memory_space<hbm>> -> memref<102400x16xf32, #tpu.memory_space<hbm>>
      tpu.wait_indirect_dma semaphore(%arg11 : memref<!tpu.dma_semaphore, #tpu.memory_space<semaphore_mem>>) src(%dma_wait3A_57 : memref<102400x16xf32, #tpu.memory_space<hbm>>) dst(%arg9 : memref<1000x16xf32, #tpu.memory_space<vmem>>)
      "tpu.region"() ({
        %run_scoped3A_58 = tpu.sem_alloc : memref<!tpu.dma_semaphore, #tpu.memory_space<semaphore_mem>>
        %dma_start3A_59 = arith.constant 0 : i32
        %dma_start3A_60 = arith.constant 0 : i32
        %dma_start3A_61 = tpu.memref_slice %arg10[%dma_start3A_59, %dma_start3A_60] : memref<102400x16xf32, #tpu.memory_space<vmem_shared>> -> memref<102400x16xf32, #tpu.memory_space<vmem_shared>>
        tpu.enqueue_indirect_dma source(%arg9 : memref<1000x16xf32, #tpu.memory_space<vmem>>) target(%dma_start3A_61 : memref<102400x16xf32, #tpu.memory_space<vmem_shared>>) offsets(%arg8 : memref<1000xi32, #tpu.memory_space<vmem>>) semaphore(%run_scoped3A_58 : memref<!tpu.dma_semaphore, #tpu.memory_space<semaphore_mem>>) {add = true}
        %dma_wait3A_62 = arith.constant 0 : i32
        %dma_wait3A_63 = arith.constant 0 : i32
        %dma_wait3A_64 = tpu.memref_slice %arg10[%dma_wait3A_62, %dma_wait3A_63] : memref<102400x16xf32, #tpu.memory_space<vmem_shared>> -> memref<102400x16xf32, #tpu.memory_space<vmem_shared>>
        tpu.wait_indirect_dma semaphore(%run_scoped3A_58 : memref<!tpu.dma_semaphore, #tpu.memory_space<semaphore_mem>>) src(%arg9 : memref<1000x16xf32, #tpu.memory_space<vmem>>) dst(%dma_wait3A_64 : memref<102400x16xf32, #tpu.memory_space<vmem_shared>>)
        tpu.yield
      }) : () -> ()
    }
    %scan3A_16 = arith.constant 50 : i32
    %barrier3A_17 = arith.constant 0 : index
    tpu.barrier barrier_id(%barrier3A_17)
    %scan3A_18 = arith.constant 0 : i32
    %scan3A_19 = arith.constant 10 : i32
    %scan3A_20 = arith.addi %scan3A_18, %scan3A_19 : i32
    %scan3A_21 = arith.constant 1 : i32
    scf.for %scan3A_45 = %scan3A_18 to %scan3A_20 step %scan3A_21  : i32 {
      %mul3A_46 = arith.constant 1 : i32
      %mul3A_47 = arith.muli %scan3A_45, %mul3A_46 : i32
      %add3A_48 = arith.constant 0 : i32
      %add3A_49 = arith.addi %add3A_48, %mul3A_47 : i32
      %mul3A_50 = arith.constant 6400 : i32
      %mul3A_51 = arith.muli %arg1, %mul3A_50 : i32
      %mul3A_52 = arith.constant 640 : i32
      %mul3A_53 = arith.muli %add3A_49, %mul3A_52 : i32
      %add3A_54 = arith.addi %mul3A_51, %mul3A_53 : i32
      "tpu.region"() ({
        %run_scoped3A = tpu.sem_alloc : memref<!tpu.dma_semaphore, #tpu.memory_space<semaphore_mem>>
        %dma_start3A = arith.constant 0 : i32
        %dma_start3A_55 = tpu.memref_slice %arg5[%arg0, %add3A_54, %dma_start3A] : memref<2x102400x16xf32, #tpu.memory_space<hbm>> -> memref<1x640x16xf32, #tpu.memory_space<hbm>>
        %dma_start3A_56 = tpu.memref_squeeze %dma_start3A_55 : memref<1x640x16xf32, #tpu.memory_space<hbm>> -> memref<640x16xf32, #tpu.memory_space<hbm>>
        %dma_start3A_57 = arith.constant 0 : i32
        %dma_start3A_58 = tpu.memref_slice %arg10[%add3A_54, %dma_start3A_57] : memref<102400x16xf32, #tpu.memory_space<vmem_shared>> -> memref<640x16xf32, #tpu.memory_space<vmem_shared>>
        tpu.enqueue_dma source(%dma_start3A_58 : memref<640x16xf32, #tpu.memory_space<vmem_shared>>) target(%dma_start3A_56 : memref<640x16xf32, #tpu.memory_space<hbm>>) target_semaphore(%run_scoped3A : memref<!tpu.dma_semaphore, #tpu.memory_space<semaphore_mem>>)
        %dma_wait3A = arith.constant 0 : i32
        %dma_wait3A_59 = tpu.memref_slice %arg5[%arg0, %add3A_54, %dma_wait3A] : memref<2x102400x16xf32, #tpu.memory_space<hbm>> -> memref<1x640x16xf32, #tpu.memory_space<hbm>>
        %dma_wait3A_60 = tpu.memref_squeeze %dma_wait3A_59 : memref<1x640x16xf32, #tpu.memory_space<hbm>> -> memref<640x16xf32, #tpu.memory_space<hbm>>
        %dma_wait3A_61 = arith.constant 0 : i32
        %dma_wait3A_62 = tpu.memref_slice %arg10[%add3A_54, %dma_wait3A_61] : memref<102400x16xf32, #tpu.memory_space<vmem_shared>> -> memref<640x16xf32, #tpu.memory_space<vmem_shared>>
        tpu.wait_dma2 semaphore(%run_scoped3A : memref<!tpu.dma_semaphore, #tpu.memory_space<semaphore_mem>>) src(%dma_wait3A_62 : memref<640x16xf32, #tpu.memory_space<vmem_shared>>) dst(%dma_wait3A_60 : memref<640x16xf32, #tpu.memory_space<hbm>>)
        tpu.yield
      }) : () -> ()
    }
    %scan3A_22 = arith.constant 10 : i32
    %scan3A_23 = arith.constant 0 : i32
    %scan3A_24 = arith.constant 1000 : i32
    %scan3A_25 = arith.addi %scan3A_23, %scan3A_24 : i32
    %scan3A_26 = arith.constant 1 : i32
    scf.for %scan3A_45 = %scan3A_23 to %scan3A_25 step %scan3A_26  : i32 {
      %mul3A_46 = arith.constant 1 : i32
      %mul3A_47 = arith.muli %scan3A_45, %mul3A_46 : i32
      %add3A_48 = arith.constant 0 : i32
      %add3A_49 = arith.addi %add3A_48, %mul3A_47 : i32
      %broadcast_in_dim3A = arith.constant 0.000000e+00 : f32
      %broadcast_in_dim3A_50 = vector.broadcast %broadcast_in_dim3A : f32 to vector<16xf32>
      %swap3A = arith.index_cast %add3A_49 : i32 to index
      %swap3A_51 = arith.constant 0 : index
      %swap3A_52 = tpu.vector_load %arg9[%swap3A, %swap3A_51] {strides = array<i32>} : memref<1000x16xf32, #tpu.memory_space<vmem>>, vector<1x16xf32>,
      %swap3A_53 = vector.shape_cast %swap3A_52 : vector<1x16xf32> to vector<16xf32>
      %swap3A_54 = vector.shape_cast %broadcast_in_dim3A_50 : vector<16xf32> to vector<1x16xf32>
      tpu.vector_store %arg9[%swap3A, %swap3A_51], %swap3A_54 {strides = array<i32>} : memref<1000x16xf32, #tpu.memory_space<vmem>>, vector<1x16xf32>,
    }
    %scan3A_27 = arith.constant 1000 : i32
    %scan3A_28 = arith.constant 0 : i32
    %scan3A_29 = arith.constant 10 : i32
    %scan3A_30 = arith.addi %scan3A_28, %scan3A_29 : i32
    %scan3A_31 = arith.constant 1 : i32
    scf.for %scan3A_45 = %scan3A_28 to %scan3A_30 step %scan3A_31  : i32 {
      %mul3A_46 = arith.constant 1 : i32
      %mul3A_47 = arith.muli %scan3A_45, %mul3A_46 : i32
      %add3A_48 = arith.constant 0 : i32
      %add3A_49 = arith.addi %add3A_48, %mul3A_47 : i32
      %mul3A_50 = arith.constant 6400 : i32
      %mul3A_51 = arith.muli %arg1, %mul3A_50 : i32
      %mul3A_52 = arith.constant 640 : i32
      %mul3A_53 = arith.muli %add3A_49, %mul3A_52 : i32
      %add3A_54 = arith.addi %mul3A_51, %mul3A_53 : i32
      "tpu.region"() ({
        %run_scoped3A = tpu.sem_alloc : memref<!tpu.dma_semaphore, #tpu.memory_space<semaphore_mem>>
        %dma_start3A = arith.constant 0 : i32
        %dma_start3A_55 = arith.constant 0 : i32
        %dma_start3A_56 = tpu.memref_slice %arg9[%dma_start3A, %dma_start3A_55] : memref<1000x16xf32, #tpu.memory_space<vmem>> -> memref<640x16xf32, #tpu.memory_space<vmem>>
        %dma_start3A_57 = arith.constant 0 : i32
        %dma_start3A_58 = tpu.memref_slice %arg10[%add3A_54, %dma_start3A_57] : memref<102400x16xf32, #tpu.memory_space<vmem_shared>> -> memref<640x16xf32, #tpu.memory_space<vmem_shared>>
        %dma_start3A_59 = arith.constant 0 : i32
        %dma_start3A_60 = tpu.memref_slice %arg10[%add3A_54, %dma_start3A_59] : memref<102400x16xf32, #tpu.memory_space<vmem_shared>> -> memref<640x16xf32, #tpu.memory_space<vmem_shared>>
        %dma_start3A_61 = arith.constant 0 : i32
        %dma_start3A_62 = arith.constant 0 : i32
        %dma_start3A_63 = tpu.memref_slice %arg9[%dma_start3A_61, %dma_start3A_62] : memref<1000x16xf32, #tpu.memory_space<vmem>> -> memref<640x16xf32, #tpu.memory_space<vmem>>
        tpu.enqueue_dma source(%dma_start3A_63 : memref<640x16xf32, #tpu.memory_space<vmem>>) target(%dma_start3A_60 : memref<640x16xf32, #tpu.memory_space<vmem_shared>>) target_semaphore(%run_scoped3A : memref<!tpu.dma_semaphore, #tpu.memory_space<semaphore_mem>>)
        %dma_wait3A = arith.constant 0 : i32
        %dma_wait3A_64 = arith.constant 0 : i32
        %dma_wait3A_65 = tpu.memref_slice %arg9[%dma_wait3A, %dma_wait3A_64] : memref<1000x16xf32, #tpu.memory_space<vmem>> -> memref<640x16xf32, #tpu.memory_space<vmem>>
        %dma_wait3A_66 = arith.constant 0 : i32
        %dma_wait3A_67 = tpu.memref_slice %arg10[%add3A_54, %dma_wait3A_66] : memref<102400x16xf32, #tpu.memory_space<vmem_shared>> -> memref<640x16xf32, #tpu.memory_space<vmem_shared>>
        %dma_wait3A_68 = arith.constant 0 : i32
        %dma_wait3A_69 = tpu.memref_slice %arg10[%add3A_54, %dma_wait3A_68] : memref<102400x16xf32, #tpu.memory_space<vmem_shared>> -> memref<640x16xf32, #tpu.memory_space<vmem_shared>>
        %dma_wait3A_70 = arith.constant 0 : i32
        %dma_wait3A_71 = arith.constant 0 : i32
        %dma_wait3A_72 = tpu.memref_slice %arg9[%dma_wait3A_70, %dma_wait3A_71] : memref<1000x16xf32, #tpu.memory_space<vmem>> -> memref<640x16xf32, #tpu.memory_space<vmem>>
        tpu.wait_dma2 semaphore(%run_scoped3A : memref<!tpu.dma_semaphore, #tpu.memory_space<semaphore_mem>>) src(%dma_wait3A_72 : memref<640x16xf32, #tpu.memory_space<vmem>>) dst(%dma_wait3A_69 : memref<640x16xf32, #tpu.memory_space<vmem_shared>>)
        tpu.yield
      }) : () -> ()
    }
    %scan3A_32 = arith.constant 10 : i32
    %barrier3A_33 = arith.constant 0 : index
    tpu.barrier barrier_id(%barrier3A_33)
    %scan3A_34 = arith.constant 0 : i32
    %scan3A_35 = arith.constant 50 : i32
    %scan3A_36 = arith.addi %scan3A_34, %scan3A_35 : i32
    %scan3A_37 = arith.constant 1 : i32
    scf.for %scan3A_45 = %scan3A_34 to %scan3A_36 step %scan3A_37  : i32 {
      %mul3A_46 = arith.constant 1 : i32
      %mul3A_47 = arith.muli %scan3A_45, %mul3A_46 : i32
      %add3A_48 = arith.constant 0 : i32
      %add3A_49 = arith.addi %add3A_48, %mul3A_47 : i32
      %mul3A_50 = arith.constant 1000 : i32
      %mul3A_51 = arith.muli %add3A_49, %mul3A_50 : i32
      %add3A_52 = arith.addi %mul3A_2, %mul3A_51 : i32
      %run_scoped3A = arith.constant 0 : i32
      "tpu.region"() ({
        %run_scoped3A_58 = tpu.sem_alloc : memref<!tpu.dma_semaphore, #tpu.memory_space<semaphore_mem>>
        %dma_start3A_59 = tpu.memref_slice %arg2[%run_scoped3A, %add3A_52] : memref<2x1600000xi32, #tpu.memory_space<hbm>> -> memref<1x1000xi32, #tpu.memory_space<hbm>>
        %dma_start3A_60 = tpu.memref_squeeze %dma_start3A_59 : memref<1x1000xi32, #tpu.memory_space<hbm>> -> memref<1000xi32, #tpu.memory_space<hbm>>
        %dma_start3A_61 = tpu.memref_slice %arg2[%run_scoped3A, %add3A_52] : memref<2x1600000xi32, #tpu.memory_space<hbm>> -> memref<1x1000xi32, #tpu.memory_space<hbm>>
        %dma_start3A_62 = tpu.memref_squeeze %dma_start3A_61 : memref<1x1000xi32, #tpu.memory_space<hbm>> -> memref<1000xi32, #tpu.memory_space<hbm>>
        tpu.enqueue_dma source(%dma_start3A_62 : memref<1000xi32, #tpu.memory_space<hbm>>) target(%arg7 : memref<1000xi32, #tpu.memory_space<vmem>>) target_semaphore(%run_scoped3A_58 : memref<!tpu.dma_semaphore, #tpu.memory_space<semaphore_mem>>)
        %dma_wait3A_63 = tpu.memref_slice %arg2[%run_scoped3A, %add3A_52] : memref<2x1600000xi32, #tpu.memory_space<hbm>> -> memref<1x1000xi32, #tpu.memory_space<hbm>>
        %dma_wait3A_64 = tpu.memref_squeeze %dma_wait3A_63 : memref<1x1000xi32, #tpu.memory_space<hbm>> -> memref<1000xi32, #tpu.memory_space<hbm>>
        %dma_wait3A_65 = tpu.memref_slice %arg2[%run_scoped3A, %add3A_52] : memref<2x1600000xi32, #tpu.memory_space<hbm>> -> memref<1x1000xi32, #tpu.memory_space<hbm>>
        %dma_wait3A_66 = tpu.memref_squeeze %dma_wait3A_65 : memref<1x1000xi32, #tpu.memory_space<hbm>> -> memref<1000xi32, #tpu.memory_space<hbm>>
        tpu.wait_dma2 semaphore(%run_scoped3A_58 : memref<!tpu.dma_semaphore, #tpu.memory_space<semaphore_mem>>) src(%dma_wait3A_66 : memref<1000xi32, #tpu.memory_space<hbm>>) dst(%arg7 : memref<1000xi32, #tpu.memory_space<vmem>>)
        tpu.yield
      }) : () -> ()
      %run_scoped3A_53 = arith.constant 1 : i32
      "tpu.region"() ({
        %run_scoped3A_58 = tpu.sem_alloc : memref<!tpu.dma_semaphore, #tpu.memory_space<semaphore_mem>>
        %dma_start3A_59 = tpu.memref_slice %arg2[%run_scoped3A_53, %add3A_52] : memref<2x1600000xi32, #tpu.memory_space<hbm>> -> memref<1x1000xi32, #tpu.memory_space<hbm>>
        %dma_start3A_60 = tpu.memref_squeeze %dma_start3A_59 : memref<1x1000xi32, #tpu.memory_space<hbm>> -> memref<1000xi32, #tpu.memory_space<hbm>>
        %dma_start3A_61 = tpu.memref_slice %arg2[%run_scoped3A_53, %add3A_52] : memref<2x1600000xi32, #tpu.memory_space<hbm>> -> memref<1x1000xi32, #tpu.memory_space<hbm>>
        %dma_start3A_62 = tpu.memref_squeeze %dma_start3A_61 : memref<1x1000xi32, #tpu.memory_space<hbm>> -> memref<1000xi32, #tpu.memory_space<hbm>>
        tpu.enqueue_dma source(%dma_start3A_62 : memref<1000xi32, #tpu.memory_space<hbm>>) target(%arg8 : memref<1000xi32, #tpu.memory_space<vmem>>) target_semaphore(%run_scoped3A_58 : memref<!tpu.dma_semaphore, #tpu.memory_space<semaphore_mem>>)
        %dma_wait3A_63 = tpu.memref_slice %arg2[%run_scoped3A_53, %add3A_52] : memref<2x1600000xi32, #tpu.memory_space<hbm>> -> memref<1x1000xi32, #tpu.memory_space<hbm>>
        %dma_wait3A_64 = tpu.memref_squeeze %dma_wait3A_63 : memref<1x1000xi32, #tpu.memory_space<hbm>> -> memref<1000xi32, #tpu.memory_space<hbm>>
        %dma_wait3A_65 = tpu.memref_slice %arg2[%run_scoped3A_53, %add3A_52] : memref<2x1600000xi32, #tpu.memory_space<hbm>> -> memref<1x1000xi32, #tpu.memory_space<hbm>>
        %dma_wait3A_66 = tpu.memref_squeeze %dma_wait3A_65 : memref<1x1000xi32, #tpu.memory_space<hbm>> -> memref<1000xi32, #tpu.memory_space<hbm>>
        tpu.wait_dma2 semaphore(%run_scoped3A_58 : memref<!tpu.dma_semaphore, #tpu.memory_space<semaphore_mem>>) src(%dma_wait3A_66 : memref<1000xi32, #tpu.memory_space<hbm>>) dst(%arg8 : memref<1000xi32, #tpu.memory_space<vmem>>)
        tpu.yield
      }) : () -> ()
      %dma_start3A = arith.constant 0 : i32
      %dma_start3A_54 = arith.constant 0 : i32
      %dma_start3A_55 = tpu.memref_slice %arg4[%dma_start3A, %dma_start3A_54] : memref<102400x16xf32, #tpu.memory_space<hbm>> -> memref<102400x16xf32, #tpu.memory_space<hbm>>
      tpu.enqueue_indirect_dma source(%dma_start3A_55 : memref<102400x16xf32, #tpu.memory_space<hbm>>) target(%arg9 : memref<1000x16xf32, #tpu.memory_space<vmem>>) offsets(%arg7 : memref<1000xi32, #tpu.memory_space<vmem>>) semaphore(%arg11 : memref<!tpu.dma_semaphore, #tpu.memory_space<semaphore_mem>>)
      %dma_wait3A = arith.constant 0 : i32
      %dma_wait3A_56 = arith.constant 0 : i32
      %dma_wait3A_57 = tpu.memref_slice %arg4[%dma_wait3A, %dma_wait3A_56] : memref<102400x16xf32, #tpu.memory_space<hbm>> -> memref<102400x16xf32, #tpu.memory_space<hbm>>
      tpu.wait_indirect_dma semaphore(%arg11 : memref<!tpu.dma_semaphore, #tpu.memory_space<semaphore_mem>>) src(%dma_wait3A_57 : memref<102400x16xf32, #tpu.memory_space<hbm>>) dst(%arg9 : memref<1000x16xf32, #tpu.memory_space<vmem>>)
      "tpu.region"() ({
        %run_scoped3A_58 = tpu.sem_alloc : memref<!tpu.dma_semaphore, #tpu.memory_space<semaphore_mem>>
        %dma_start3A_59 = arith.constant 0 : i32
        %dma_start3A_60 = arith.constant 0 : i32
        %dma_start3A_61 = tpu.memref_slice %arg10[%dma_start3A_59, %dma_start3A_60] : memref<102400x16xf32, #tpu.memory_space<vmem_shared>> -> memref<102400x16xf32, #tpu.memory_space<vmem_shared>>
        tpu.enqueue_indirect_dma source(%arg9 : memref<1000x16xf32, #tpu.memory_space<vmem>>) target(%dma_start3A_61 : memref<102400x16xf32, #tpu.memory_space<vmem_shared>>) offsets(%arg8 : memref<1000xi32, #tpu.memory_space<vmem>>) semaphore(%run_scoped3A_58 : memref<!tpu.dma_semaphore, #tpu.memory_space<semaphore_mem>>) {add = true}
        %dma_wait3A_62 = arith.constant 0 : i32
        %dma_wait3A_63 = arith.constant 0 : i32
        %dma_wait3A_64 = tpu.memref_slice %arg10[%dma_wait3A_62, %dma_wait3A_63] : memref<102400x16xf32, #tpu.memory_space<vmem_shared>> -> memref<102400x16xf32, #tpu.memory_space<vmem_shared>>
        tpu.wait_indirect_dma semaphore(%run_scoped3A_58 : memref<!tpu.dma_semaphore, #tpu.memory_space<semaphore_mem>>) src(%arg9 : memref<1000x16xf32, #tpu.memory_space<vmem>>) dst(%dma_wait3A_64 : memref<102400x16xf32, #tpu.memory_space<vmem_shared>>)
        tpu.yield
      }) : () -> ()
    }
    %scan3A_38 = arith.constant 50 : i32
    %barrier3A_39 = arith.constant 0 : index
    tpu.barrier barrier_id(%barrier3A_39)
    %scan3A_40 = arith.constant 0 : i32
    %scan3A_41 = arith.constant 10 : i32
    %scan3A_42 = arith.addi %scan3A_40, %scan3A_41 : i32
    %scan3A_43 = arith.constant 1 : i32
    scf.for %scan3A_45 = %scan3A_40 to %scan3A_42 step %scan3A_43  : i32 {
      %mul3A_46 = arith.constant 1 : i32
      %mul3A_47 = arith.muli %scan3A_45, %mul3A_46 : i32
      %add3A_48 = arith.constant 0 : i32
      %add3A_49 = arith.addi %add3A_48, %mul3A_47 : i32
      %mul3A_50 = arith.constant 6400 : i32
      %mul3A_51 = arith.muli %arg1, %mul3A_50 : i32
      %mul3A_52 = arith.constant 640 : i32
      %mul3A_53 = arith.muli %add3A_49, %mul3A_52 : i32
      %add3A_54 = arith.addi %mul3A_51, %mul3A_53 : i32
      "tpu.region"() ({
        %run_scoped3A = tpu.sem_alloc : memref<!tpu.dma_semaphore, #tpu.memory_space<semaphore_mem>>
        %dma_start3A = arith.constant 0 : i32
        %dma_start3A_55 = tpu.memref_slice %arg6[%arg0, %add3A_54, %dma_start3A] : memref<2x102400x16xf32, #tpu.memory_space<hbm>> -> memref<1x640x16xf32, #tpu.memory_space<hbm>>
        %dma_start3A_56 = tpu.memref_squeeze %dma_start3A_55 : memref<1x640x16xf32, #tpu.memory_space<hbm>> -> memref<640x16xf32, #tpu.memory_space<hbm>>
        %dma_start3A_57 = arith.constant 0 : i32
        %dma_start3A_58 = tpu.memref_slice %arg10[%add3A_54, %dma_start3A_57] : memref<102400x16xf32, #tpu.memory_space<vmem_shared>> -> memref<640x16xf32, #tpu.memory_space<vmem_shared>>
        tpu.enqueue_dma source(%dma_start3A_58 : memref<640x16xf32, #tpu.memory_space<vmem_shared>>) target(%dma_start3A_56 : memref<640x16xf32, #tpu.memory_space<hbm>>) target_semaphore(%run_scoped3A : memref<!tpu.dma_semaphore, #tpu.memory_space<semaphore_mem>>)
        %dma_wait3A = arith.constant 0 : i32
        %dma_wait3A_59 = tpu.memref_slice %arg6[%arg0, %add3A_54, %dma_wait3A] : memref<2x102400x16xf32, #tpu.memory_space<hbm>> -> memref<1x640x16xf32, #tpu.memory_space<hbm>>
        %dma_wait3A_60 = tpu.memref_squeeze %dma_wait3A_59 : memref<1x640x16xf32, #tpu.memory_space<hbm>> -> memref<640x16xf32, #tpu.memory_space<hbm>>
        %dma_wait3A_61 = arith.constant 0 : i32
        %dma_wait3A_62 = tpu.memref_slice %arg10[%add3A_54, %dma_wait3A_61] : memref<102400x16xf32, #tpu.memory_space<vmem_shared>> -> memref<640x16xf32, #tpu.memory_space<vmem_shared>>
        tpu.wait_dma2 semaphore(%run_scoped3A : memref<!tpu.dma_semaphore, #tpu.memory_space<semaphore_mem>>) src(%dma_wait3A_62 : memref<640x16xf32, #tpu.memory_space<vmem_shared>>) dst(%dma_wait3A_60 : memref<640x16xf32, #tpu.memory_space<hbm>>)
        tpu.yield
      }) : () -> ()
    }
    %scan3A_44 = arith.constant 10 : i32
    return
  }
}

#map = affine_map<(d0, d1) -> (0, 0)>
#map1 = affine_map<(d0, d1) -> (0, 0, 0)>
module attributes {stable_mosaic.version = 14 : i64} {
  func.func @_sc_deg_pass(%arg0: i32, %arg1: i32, %arg2: memref<2x1600000xi32, #tpu.memory_space<hbm>>, %arg3: memref<2x102400x16xf32, #tpu.memory_space<hbm>>, %arg4: memref<1000xi32, #tpu.memory_space<vmem>>, %arg5: memref<1000x16xf32, #tpu.memory_space<vmem>>, %arg6: memref<102400x16xf32, #tpu.memory_space<vmem_shared>>, %arg7: memref<!tpu.dma_semaphore, #tpu.memory_space<semaphore_mem>>) attributes {dimension_semantics = [#tpu.dimension_semantics<core_parallel>, #tpu.dimension_semantics<subcore_parallel>], iteration_bounds = array<i64: 2, 16>, scalar_prefetch = 0 : i64, scratch_operands = 4 : i64, tpu.core_type = #tpu.core_type<sc_vector_subcore>, window_params = [{transform_indices = #map}, {transform_indices = #map1}]} {
    %mul3A = arith.constant 16 : i32
    %mul3A_0 = arith.muli %arg0, %mul3A : i32
    %add3A = arith.addi %mul3A_0, %arg1 : i32
    %scan3A = arith.constant 0 : i32
    %scan3A_1 = arith.constant 1000 : i32
    %scan3A_2 = arith.addi %scan3A, %scan3A_1 : i32
    %scan3A_3 = arith.constant 1 : i32
    scf.for %scan3A_26 = %scan3A to %scan3A_2 step %scan3A_3  : i32 {
      %mul3A_27 = arith.constant 1 : i32
      %mul3A_28 = arith.muli %scan3A_26, %mul3A_27 : i32
      %add3A_29 = arith.constant 0 : i32
      %add3A_30 = arith.addi %add3A_29, %mul3A_28 : i32
      %broadcast_in_dim3A = arith.constant 0.000000e+00 : f32
      %broadcast_in_dim3A_31 = vector.broadcast %broadcast_in_dim3A : f32 to vector<16xf32>
      %swap3A = arith.index_cast %add3A_30 : i32 to index
      %swap3A_32 = arith.constant 0 : index
      %swap3A_33 = tpu.vector_load %arg5[%swap3A, %swap3A_32] {strides = array<i32>} : memref<1000x16xf32, #tpu.memory_space<vmem>>, vector<1x16xf32>,
      %swap3A_34 = vector.shape_cast %swap3A_33 : vector<1x16xf32> to vector<16xf32>
      %swap3A_35 = vector.shape_cast %broadcast_in_dim3A_31 : vector<16xf32> to vector<1x16xf32>
      tpu.vector_store %arg5[%swap3A, %swap3A_32], %swap3A_35 {strides = array<i32>} : memref<1000x16xf32, #tpu.memory_space<vmem>>, vector<1x16xf32>,
    }
    %scan3A_4 = arith.constant 1000 : i32
    %scan3A_5 = arith.constant 0 : i32
    %scan3A_6 = arith.constant 10 : i32
    %scan3A_7 = arith.addi %scan3A_5, %scan3A_6 : i32
    %scan3A_8 = arith.constant 1 : i32
    scf.for %scan3A_26 = %scan3A_5 to %scan3A_7 step %scan3A_8  : i32 {
      %mul3A_27 = arith.constant 1 : i32
      %mul3A_28 = arith.muli %scan3A_26, %mul3A_27 : i32
      %add3A_29 = arith.constant 0 : i32
      %add3A_30 = arith.addi %add3A_29, %mul3A_28 : i32
      %mul3A_31 = arith.constant 6400 : i32
      %mul3A_32 = arith.muli %arg1, %mul3A_31 : i32
      %mul3A_33 = arith.constant 640 : i32
      %mul3A_34 = arith.muli %add3A_30, %mul3A_33 : i32
      %add3A_35 = arith.addi %mul3A_32, %mul3A_34 : i32
      "tpu.region"() ({
        %run_scoped3A = tpu.sem_alloc : memref<!tpu.dma_semaphore, #tpu.memory_space<semaphore_mem>>
        %dma_start3A = arith.constant 0 : i32
        %dma_start3A_36 = arith.constant 0 : i32
        %dma_start3A_37 = tpu.memref_slice %arg5[%dma_start3A, %dma_start3A_36] : memref<1000x16xf32, #tpu.memory_space<vmem>> -> memref<640x16xf32, #tpu.memory_space<vmem>>
        %dma_start3A_38 = arith.constant 0 : i32
        %dma_start3A_39 = tpu.memref_slice %arg6[%add3A_35, %dma_start3A_38] : memref<102400x16xf32, #tpu.memory_space<vmem_shared>> -> memref<640x16xf32, #tpu.memory_space<vmem_shared>>
        %dma_start3A_40 = arith.constant 0 : i32
        %dma_start3A_41 = tpu.memref_slice %arg6[%add3A_35, %dma_start3A_40] : memref<102400x16xf32, #tpu.memory_space<vmem_shared>> -> memref<640x16xf32, #tpu.memory_space<vmem_shared>>
        %dma_start3A_42 = arith.constant 0 : i32
        %dma_start3A_43 = arith.constant 0 : i32
        %dma_start3A_44 = tpu.memref_slice %arg5[%dma_start3A_42, %dma_start3A_43] : memref<1000x16xf32, #tpu.memory_space<vmem>> -> memref<640x16xf32, #tpu.memory_space<vmem>>
        tpu.enqueue_dma source(%dma_start3A_44 : memref<640x16xf32, #tpu.memory_space<vmem>>) target(%dma_start3A_41 : memref<640x16xf32, #tpu.memory_space<vmem_shared>>) target_semaphore(%run_scoped3A : memref<!tpu.dma_semaphore, #tpu.memory_space<semaphore_mem>>)
        %dma_wait3A = arith.constant 0 : i32
        %dma_wait3A_45 = arith.constant 0 : i32
        %dma_wait3A_46 = tpu.memref_slice %arg5[%dma_wait3A, %dma_wait3A_45] : memref<1000x16xf32, #tpu.memory_space<vmem>> -> memref<640x16xf32, #tpu.memory_space<vmem>>
        %dma_wait3A_47 = arith.constant 0 : i32
        %dma_wait3A_48 = tpu.memref_slice %arg6[%add3A_35, %dma_wait3A_47] : memref<102400x16xf32, #tpu.memory_space<vmem_shared>> -> memref<640x16xf32, #tpu.memory_space<vmem_shared>>
        %dma_wait3A_49 = arith.constant 0 : i32
        %dma_wait3A_50 = tpu.memref_slice %arg6[%add3A_35, %dma_wait3A_49] : memref<102400x16xf32, #tpu.memory_space<vmem_shared>> -> memref<640x16xf32, #tpu.memory_space<vmem_shared>>
        %dma_wait3A_51 = arith.constant 0 : i32
        %dma_wait3A_52 = arith.constant 0 : i32
        %dma_wait3A_53 = tpu.memref_slice %arg5[%dma_wait3A_51, %dma_wait3A_52] : memref<1000x16xf32, #tpu.memory_space<vmem>> -> memref<640x16xf32, #tpu.memory_space<vmem>>
        tpu.wait_dma2 semaphore(%run_scoped3A : memref<!tpu.dma_semaphore, #tpu.memory_space<semaphore_mem>>) src(%dma_wait3A_53 : memref<640x16xf32, #tpu.memory_space<vmem>>) dst(%dma_wait3A_50 : memref<640x16xf32, #tpu.memory_space<vmem_shared>>)
        tpu.yield
      }) : () -> ()
    }
    %scan3A_9 = arith.constant 10 : i32
    %scan3A_10 = arith.constant 0 : i32
    %scan3A_11 = arith.constant 1000 : i32
    %scan3A_12 = arith.addi %scan3A_10, %scan3A_11 : i32
    %scan3A_13 = arith.constant 1 : i32
    scf.for %scan3A_26 = %scan3A_10 to %scan3A_12 step %scan3A_13  : i32 {
      %mul3A_27 = arith.constant 1 : i32
      %mul3A_28 = arith.muli %scan3A_26, %mul3A_27 : i32
      %add3A_29 = arith.constant 0 : i32
      %add3A_30 = arith.addi %add3A_29, %mul3A_28 : i32
      %broadcast_in_dim3A = arith.constant 1.000000e+00 : f32
      %broadcast_in_dim3A_31 = vector.broadcast %broadcast_in_dim3A : f32 to vector<16xf32>
      %swap3A = arith.index_cast %add3A_30 : i32 to index
      %swap3A_32 = arith.constant 0 : index
      %swap3A_33 = tpu.vector_load %arg5[%swap3A, %swap3A_32] {strides = array<i32>} : memref<1000x16xf32, #tpu.memory_space<vmem>>, vector<1x16xf32>,
      %swap3A_34 = vector.shape_cast %swap3A_33 : vector<1x16xf32> to vector<16xf32>
      %swap3A_35 = vector.shape_cast %broadcast_in_dim3A_31 : vector<16xf32> to vector<1x16xf32>
      tpu.vector_store %arg5[%swap3A, %swap3A_32], %swap3A_35 {strides = array<i32>} : memref<1000x16xf32, #tpu.memory_space<vmem>>, vector<1x16xf32>,
    }
    %scan3A_14 = arith.constant 1000 : i32
    %barrier3A = arith.constant 0 : index
    tpu.barrier barrier_id(%barrier3A)
    %scan3A_15 = arith.constant 0 : i32
    %scan3A_16 = arith.constant 50 : i32
    %scan3A_17 = arith.addi %scan3A_15, %scan3A_16 : i32
    %scan3A_18 = arith.constant 1 : i32
    scf.for %scan3A_26 = %scan3A_15 to %scan3A_17 step %scan3A_18  : i32 {
      %mul3A_27 = arith.constant 1 : i32
      %mul3A_28 = arith.muli %scan3A_26, %mul3A_27 : i32
      %add3A_29 = arith.constant 0 : i32
      %add3A_30 = arith.addi %add3A_29, %mul3A_28 : i32
      %mul3A_31 = arith.constant 50000 : i32
      %mul3A_32 = arith.muli %add3A, %mul3A_31 : i32
      %mul3A_33 = arith.constant 1000 : i32
      %mul3A_34 = arith.muli %add3A_30, %mul3A_33 : i32
      %add3A_35 = arith.addi %mul3A_32, %mul3A_34 : i32
      %run_scoped3A = arith.constant 1 : i32
      "tpu.region"() ({
        %run_scoped3A_36 = tpu.sem_alloc : memref<!tpu.dma_semaphore, #tpu.memory_space<semaphore_mem>>
        %dma_start3A = tpu.memref_slice %arg2[%run_scoped3A, %add3A_35] : memref<2x1600000xi32, #tpu.memory_space<hbm>> -> memref<1x1000xi32, #tpu.memory_space<hbm>>
        %dma_start3A_37 = tpu.memref_squeeze %dma_start3A : memref<1x1000xi32, #tpu.memory_space<hbm>> -> memref<1000xi32, #tpu.memory_space<hbm>>
        %dma_start3A_38 = tpu.memref_slice %arg2[%run_scoped3A, %add3A_35] : memref<2x1600000xi32, #tpu.memory_space<hbm>> -> memref<1x1000xi32, #tpu.memory_space<hbm>>
        %dma_start3A_39 = tpu.memref_squeeze %dma_start3A_38 : memref<1x1000xi32, #tpu.memory_space<hbm>> -> memref<1000xi32, #tpu.memory_space<hbm>>
        tpu.enqueue_dma source(%dma_start3A_39 : memref<1000xi32, #tpu.memory_space<hbm>>) target(%arg4 : memref<1000xi32, #tpu.memory_space<vmem>>) target_semaphore(%run_scoped3A_36 : memref<!tpu.dma_semaphore, #tpu.memory_space<semaphore_mem>>)
        %dma_wait3A = tpu.memref_slice %arg2[%run_scoped3A, %add3A_35] : memref<2x1600000xi32, #tpu.memory_space<hbm>> -> memref<1x1000xi32, #tpu.memory_space<hbm>>
        %dma_wait3A_40 = tpu.memref_squeeze %dma_wait3A : memref<1x1000xi32, #tpu.memory_space<hbm>> -> memref<1000xi32, #tpu.memory_space<hbm>>
        %dma_wait3A_41 = tpu.memref_slice %arg2[%run_scoped3A, %add3A_35] : memref<2x1600000xi32, #tpu.memory_space<hbm>> -> memref<1x1000xi32, #tpu.memory_space<hbm>>
        %dma_wait3A_42 = tpu.memref_squeeze %dma_wait3A_41 : memref<1x1000xi32, #tpu.memory_space<hbm>> -> memref<1000xi32, #tpu.memory_space<hbm>>
        tpu.wait_dma2 semaphore(%run_scoped3A_36 : memref<!tpu.dma_semaphore, #tpu.memory_space<semaphore_mem>>) src(%dma_wait3A_42 : memref<1000xi32, #tpu.memory_space<hbm>>) dst(%arg4 : memref<1000xi32, #tpu.memory_space<vmem>>)
        tpu.yield
      }) : () -> ()
      "tpu.region"() ({
        %run_scoped3A_36 = tpu.sem_alloc : memref<!tpu.dma_semaphore, #tpu.memory_space<semaphore_mem>>
        %dma_start3A = arith.constant 0 : i32
        %dma_start3A_37 = arith.constant 0 : i32
        %dma_start3A_38 = tpu.memref_slice %arg6[%dma_start3A, %dma_start3A_37] : memref<102400x16xf32, #tpu.memory_space<vmem_shared>> -> memref<102400x16xf32, #tpu.memory_space<vmem_shared>>
        tpu.enqueue_indirect_dma source(%arg5 : memref<1000x16xf32, #tpu.memory_space<vmem>>) target(%dma_start3A_38 : memref<102400x16xf32, #tpu.memory_space<vmem_shared>>) offsets(%arg4 : memref<1000xi32, #tpu.memory_space<vmem>>) semaphore(%run_scoped3A_36 : memref<!tpu.dma_semaphore, #tpu.memory_space<semaphore_mem>>) {add = true}
        %dma_wait3A = arith.constant 0 : i32
        %dma_wait3A_39 = arith.constant 0 : i32
        %dma_wait3A_40 = tpu.memref_slice %arg6[%dma_wait3A, %dma_wait3A_39] : memref<102400x16xf32, #tpu.memory_space<vmem_shared>> -> memref<102400x16xf32, #tpu.memory_space<vmem_shared>>
        tpu.wait_indirect_dma semaphore(%run_scoped3A_36 : memref<!tpu.dma_semaphore, #tpu.memory_space<semaphore_mem>>) src(%arg5 : memref<1000x16xf32, #tpu.memory_space<vmem>>) dst(%dma_wait3A_40 : memref<102400x16xf32, #tpu.memory_space<vmem_shared>>)
        tpu.yield
      }) : () -> ()
    }
    %scan3A_19 = arith.constant 50 : i32
    %barrier3A_20 = arith.constant 0 : index
    tpu.barrier barrier_id(%barrier3A_20)
    %scan3A_21 = arith.constant 0 : i32
    %scan3A_22 = arith.constant 10 : i32
    %scan3A_23 = arith.addi %scan3A_21, %scan3A_22 : i32
    %scan3A_24 = arith.constant 1 : i32
    scf.for %scan3A_26 = %scan3A_21 to %scan3A_23 step %scan3A_24  : i32 {
      %mul3A_27 = arith.constant 1 : i32
      %mul3A_28 = arith.muli %scan3A_26, %mul3A_27 : i32
      %add3A_29 = arith.constant 0 : i32
      %add3A_30 = arith.addi %add3A_29, %mul3A_28 : i32
      %mul3A_31 = arith.constant 6400 : i32
      %mul3A_32 = arith.muli %arg1, %mul3A_31 : i32
      %mul3A_33 = arith.constant 640 : i32
      %mul3A_34 = arith.muli %add3A_30, %mul3A_33 : i32
      %add3A_35 = arith.addi %mul3A_32, %mul3A_34 : i32
      "tpu.region"() ({
        %run_scoped3A = tpu.sem_alloc : memref<!tpu.dma_semaphore, #tpu.memory_space<semaphore_mem>>
        %dma_start3A = arith.constant 0 : i32
        %dma_start3A_36 = tpu.memref_slice %arg3[%arg0, %add3A_35, %dma_start3A] : memref<2x102400x16xf32, #tpu.memory_space<hbm>> -> memref<1x640x16xf32, #tpu.memory_space<hbm>>
        %dma_start3A_37 = tpu.memref_squeeze %dma_start3A_36 : memref<1x640x16xf32, #tpu.memory_space<hbm>> -> memref<640x16xf32, #tpu.memory_space<hbm>>
        %dma_start3A_38 = arith.constant 0 : i32
        %dma_start3A_39 = tpu.memref_slice %arg6[%add3A_35, %dma_start3A_38] : memref<102400x16xf32, #tpu.memory_space<vmem_shared>> -> memref<640x16xf32, #tpu.memory_space<vmem_shared>>
        tpu.enqueue_dma source(%dma_start3A_39 : memref<640x16xf32, #tpu.memory_space<vmem_shared>>) target(%dma_start3A_37 : memref<640x16xf32, #tpu.memory_space<hbm>>) target_semaphore(%run_scoped3A : memref<!tpu.dma_semaphore, #tpu.memory_space<semaphore_mem>>)
        %dma_wait3A = arith.constant 0 : i32
        %dma_wait3A_40 = tpu.memref_slice %arg3[%arg0, %add3A_35, %dma_wait3A] : memref<2x102400x16xf32, #tpu.memory_space<hbm>> -> memref<1x640x16xf32, #tpu.memory_space<hbm>>
        %dma_wait3A_41 = tpu.memref_squeeze %dma_wait3A_40 : memref<1x640x16xf32, #tpu.memory_space<hbm>> -> memref<640x16xf32, #tpu.memory_space<hbm>>
        %dma_wait3A_42 = arith.constant 0 : i32
        %dma_wait3A_43 = tpu.memref_slice %arg6[%add3A_35, %dma_wait3A_42] : memref<102400x16xf32, #tpu.memory_space<vmem_shared>> -> memref<640x16xf32, #tpu.memory_space<vmem_shared>>
        tpu.wait_dma2 semaphore(%run_scoped3A : memref<!tpu.dma_semaphore, #tpu.memory_space<semaphore_mem>>) src(%dma_wait3A_43 : memref<640x16xf32, #tpu.memory_space<vmem_shared>>) dst(%dma_wait3A_41 : memref<640x16xf32, #tpu.memory_space<hbm>>)
        tpu.yield
      }) : () -> ()
    }
    %scan3A_25 = arith.constant 10 : i32
    return
  }
}

module attributes {stable_mosaic.version = 14 : i64} {
  func.func @_tc1a_body(%arg0: i32, %arg1: memref<512x1024xbf16, #tpu.memory_space<vmem>>, %arg2: memref<1024x256xbf16, #tpu.memory_space<vmem>>, %arg3: memref<512x256xf32, #tpu.memory_space<vmem>>) attributes {dimension_semantics = [#tpu.dimension_semantics<arbitrary>], iteration_bounds = array<i64: 25>, scalar_prefetch = 0 : i64, scratch_operands = 0 : i64, tpu.core_type = #tpu.core_type<tc>, window_params = [{transform_indices = @transform_0, window_bounds = array<i64: 512, 1024>}, {pipeline_mode = #tpu.pipeline_mode<synchronous>, transform_indices = @transform_1, window_bounds = array<i64: 1024, 256>}, {transform_indices = @transform_2, window_bounds = array<i64: 512, 256>}]} {
    %get3A = arith.constant 0 : index
    %get3A_0 = arith.constant 0 : index
    %get3A_1 = vector.load %arg1[%get3A, %get3A_0] : memref<512x1024xbf16, #tpu.memory_space<vmem>>, vector<512x1024xbf16>
    %get3A_2 = arith.constant 0 : index
    %get3A_3 = arith.constant 0 : index
    %get3A_4 = vector.load %arg2[%get3A_2, %get3A_3] : memref<1024x256xbf16, #tpu.memory_space<vmem>>, vector<1024x256xbf16>
    %dot_general3A = arith.constant dense<0.000000e+00> : vector<512x256xf32>
    %dot_general3A_5 = tpu.matmul %get3A_1, %get3A_4, %dot_general3A {dimension_numbers = #tpu.dot_dimension_numbers<[1], [0], [0], [1], [0, 0, 1, 1], [], []>, transpose_lhs_hint = false} : vector<512x1024xbf16>, vector<1024x256xbf16>, vector<512x256xf32> -> vector<512x256xf32>
    %swap3A = arith.constant 0 : index
    %swap3A_6 = arith.constant 0 : index
    %swap3A_7 = vector.load %arg3[%swap3A, %swap3A_6] : memref<512x256xf32, #tpu.memory_space<vmem>>, vector<512x256xf32>
    tpu.vector_store %arg3[%swap3A, %swap3A_6], %dot_general3A_5 {strides = array<i32>} : memref<512x256xf32, #tpu.memory_space<vmem>>, vector<512x256xf32>,
    return
  }
  func.func @transform_0(%arg0: i32) -> (i32, i32) {
    %c0_i32 = arith.constant 0 : i32
    %c0_i32_0 = arith.constant 0 : i32
    return %arg0, %c0_i32 : i32, i32
  }
  func.func @transform_1(%arg0: i32) -> (i32, i32) {
    %c0_i32 = arith.constant 0 : i32
    %c0_i32_0 = arith.constant 0 : i32
    %c0_i32_1 = arith.constant 0 : i32
    return %c0_i32, %c0_i32_0 : i32, i32
  }
  func.func @transform_2(%arg0: i32) -> (i32, i32) {
    %c0_i32 = arith.constant 0 : i32
    %c0_i32_0 = arith.constant 0 : i32
    return %arg0, %c0_i32 : i32, i32
  }
}

module attributes {stable_mosaic.version = 14 : i64} {
  func.func @_tc1b_body(%arg0: i32, %arg1: memref<512x256xf32, #tpu.memory_space<vmem>>, %arg2: memref<2x512x128xf32, #tpu.memory_space<vmem>>, %arg3: memref<512x128xf32, #tpu.memory_space<vmem>>, %arg4: memref<512x128xf32, #tpu.memory_space<vmem>>, %arg5: memref<512x128xf32, #tpu.memory_space<vmem>>) attributes {dimension_semantics = [#tpu.dimension_semantics<arbitrary>], iteration_bounds = array<i64: 25>, scalar_prefetch = 0 : i64, scratch_operands = 0 : i64, tpu.core_type = #tpu.core_type<tc>, window_params = [{transform_indices = @transform_0, window_bounds = array<i64: 512, 256>}, {transform_indices = @transform_1, window_bounds = array<i64: 2, 512, 128>}, {transform_indices = @transform_2, window_bounds = array<i64: 512, 128>}, {transform_indices = @transform_3, window_bounds = array<i64: 512, 128>}, {transform_indices = @transform_4, window_bounds = array<i64: 512, 128>}]} {
    %get3A = arith.constant 0 : index
    %get3A_0 = arith.constant 0 : index
    %get3A_1 = arith.constant 0 : index
    %get3A_2 = vector.load %arg2[%get3A, %get3A_0, %get3A_1] : memref<2x512x128xf32, #tpu.memory_space<vmem>>, vector<2x512x128xf32>
    %slice3A = vector.extract_strided_slice %get3A_2 {offsets = [0, 0, 0], sizes = [1, 512, 128], strides = [1, 1, 1]} : vector<2x512x128xf32> to vector<1x512x128xf32>
    %squeeze3A = vector.shape_cast %slice3A : vector<1x512x128xf32> to vector<512x128xf32>
    %slice3A_3 = vector.extract_strided_slice %get3A_2 {offsets = [1, 0, 0], sizes = [1, 512, 128], strides = [1, 1, 1]} : vector<2x512x128xf32> to vector<1x512x128xf32>
    %squeeze3A_4 = vector.shape_cast %slice3A_3 : vector<1x512x128xf32> to vector<512x128xf32>
    %add3A = arith.addf %squeeze3A, %squeeze3A_4 : vector<512x128xf32>
    %add3A_5 = arith.constant 1.000000e+00 : f32
    %add3A_6 = vector.broadcast %add3A_5 : f32 to vector<512x128xf32>
    %add3A_7 = arith.addf %add3A, %add3A_6 : vector<512x128xf32>
    %rsqrt3A = math.rsqrt %add3A_7 : vector<512x128xf32>
    %get3A_8 = arith.constant 0 : index
    %get3A_9 = arith.constant 0 : index
    %get3A_10 = vector.load %arg1[%get3A_8, %get3A_9] : memref<512x256xf32, #tpu.memory_space<vmem>>, vector<512x256xf32>
    %swap3A = arith.constant 0 : index
    %swap3A_11 = arith.constant 0 : index
    %swap3A_12 = vector.load %arg3[%swap3A, %swap3A_11] : memref<512x128xf32, #tpu.memory_space<vmem>>, vector<512x128xf32>
    tpu.vector_store %arg3[%swap3A, %swap3A_11], %rsqrt3A {strides = array<i32>} : memref<512x128xf32, #tpu.memory_space<vmem>>, vector<512x128xf32>,
    %slice3A_13 = vector.extract_strided_slice %get3A_10 {offsets = [0, 0], sizes = [512, 128], strides = [1, 1]} : vector<512x256xf32> to vector<512x128xf32>
    %mul3A = arith.mulf %slice3A_13, %rsqrt3A : vector<512x128xf32>
    %swap3A_14 = arith.constant 0 : index
    %swap3A_15 = arith.constant 0 : index
    %swap3A_16 = vector.load %arg4[%swap3A_14, %swap3A_15] : memref<512x128xf32, #tpu.memory_space<vmem>>, vector<512x128xf32>
    tpu.vector_store %arg4[%swap3A_14, %swap3A_15], %mul3A {strides = array<i32>} : memref<512x128xf32, #tpu.memory_space<vmem>>, vector<512x128xf32>,
    %slice3A_17 = vector.extract_strided_slice %get3A_10 {offsets = [0, 128], sizes = [512, 128], strides = [1, 1]} : vector<512x256xf32> to vector<512x128xf32>
    %mul3A_18 = arith.mulf %slice3A_17, %rsqrt3A : vector<512x128xf32>
    %swap3A_19 = arith.constant 0 : index
    %swap3A_20 = arith.constant 0 : index
    %swap3A_21 = vector.load %arg5[%swap3A_19, %swap3A_20] : memref<512x128xf32, #tpu.memory_space<vmem>>, vector<512x128xf32>
    tpu.vector_store %arg5[%swap3A_19, %swap3A_20], %mul3A_18 {strides = array<i32>} : memref<512x128xf32, #tpu.memory_space<vmem>>, vector<512x128xf32>,
    return
  }
  func.func @transform_0(%arg0: i32) -> (i32, i32) {
    %c0_i32 = arith.constant 0 : i32
    %c0_i32_0 = arith.constant 0 : i32
    return %arg0, %c0_i32 : i32, i32
  }
  func.func @transform_1(%arg0: i32) -> (i32, i32, i32) {
    %c0_i32 = arith.constant 0 : i32
    %c0_i32_0 = arith.constant 0 : i32
    %c0_i32_1 = arith.constant 0 : i32
    return %c0_i32, %arg0, %c0_i32_0 : i32, i32, i32
  }
  func.func @transform_2(%arg0: i32) -> (i32, i32) {
    %c0_i32 = arith.constant 0 : i32
    %c0_i32_0 = arith.constant 0 : i32
    return %arg0, %c0_i32 : i32, i32
  }
  func.func @transform_3(%arg0: i32) -> (i32, i32) {
    %c0_i32 = arith.constant 0 : i32
    %c0_i32_0 = arith.constant 0 : i32
    return %arg0, %c0_i32 : i32, i32
  }
  func.func @transform_4(%arg0: i32) -> (i32, i32) {
    %c0_i32 = arith.constant 0 : i32
    %c0_i32_0 = arith.constant 0 : i32
    return %arg0, %c0_i32 : i32, i32
  }
}

module attributes {stable_mosaic.version = 14 : i64} {
  func.func @_tc2_body(%arg0: i32, %arg1: memref<2x512x128xf32, #tpu.memory_space<vmem>>, %arg2: memref<2x512x128xf32, #tpu.memory_space<vmem>>, %arg3: memref<512x128xf32, #tpu.memory_space<vmem>>, %arg4: memref<512x128xf32, #tpu.memory_space<vmem>>, %arg5: memref<512x128xf32, #tpu.memory_space<vmem>>, %arg6: memref<128x128xf32, #tpu.memory_space<vmem>>, %arg7: memref<128x128xf32, #tpu.memory_space<vmem>>, %arg8: memref<128xf32, #tpu.memory_space<vmem>>, %arg9: memref<128xf32, #tpu.memory_space<vmem>>, %arg10: memref<512x128xf32, #tpu.memory_space<vmem>>) attributes {dimension_semantics = [#tpu.dimension_semantics<arbitrary>], iteration_bounds = array<i64: 25>, scalar_prefetch = 0 : i64, scratch_operands = 0 : i64, tpu.core_type = #tpu.core_type<tc>, window_params = [{transform_indices = @transform_0, window_bounds = array<i64: 2, 512, 128>}, {transform_indices = @transform_1, window_bounds = array<i64: 2, 512, 128>}, {transform_indices = @transform_2, window_bounds = array<i64: 512, 128>}, {transform_indices = @transform_3, window_bounds = array<i64: 512, 128>}, {transform_indices = @transform_4, window_bounds = array<i64: 512, 128>}, {pipeline_mode = #tpu.pipeline_mode<synchronous>, transform_indices = @transform_5, window_bounds = array<i64: 128, 128>}, {pipeline_mode = #tpu.pipeline_mode<synchronous>, transform_indices = @transform_6, window_bounds = array<i64: 128, 128>}, {pipeline_mode = #tpu.pipeline_mode<synchronous>, transform_indices = @transform_7, window_bounds = array<i64: 128>}, {pipeline_mode = #tpu.pipeline_mode<synchronous>, transform_indices = @transform_8, window_bounds = array<i64: 128>}, {transform_indices = @transform_9, window_bounds = array<i64: 512, 128>}]} {
    %get3A = arith.constant 0 : index
    %get3A_0 = arith.constant 0 : index
    %get3A_1 = vector.load %arg5[%get3A, %get3A_0] : memref<512x128xf32, #tpu.memory_space<vmem>>, vector<512x128xf32>
    %get3A_2 = arith.constant 0 : index
    %get3A_3 = arith.constant 0 : index
    %get3A_4 = arith.constant 0 : index
    %get3A_5 = vector.load %arg1[%get3A_2, %get3A_3, %get3A_4] : memref<2x512x128xf32, #tpu.memory_space<vmem>>, vector<2x512x128xf32>
    %get3A_6 = arith.constant 0 : index
    %get3A_7 = arith.constant 0 : index
    %get3A_8 = arith.constant 0 : index
    %get3A_9 = vector.load %arg2[%get3A_6, %get3A_7, %get3A_8] : memref<2x512x128xf32, #tpu.memory_space<vmem>>, vector<2x512x128xf32>
    %slice3A = vector.extract_strided_slice %get3A_5 {offsets = [0, 0, 0], sizes = [1, 512, 128], strides = [1, 1, 1]} : vector<2x512x128xf32> to vector<1x512x128xf32>
    %squeeze3A = vector.shape_cast %slice3A : vector<1x512x128xf32> to vector<512x128xf32>
    %slice3A_10 = vector.extract_strided_slice %get3A_5 {offsets = [1, 0, 0], sizes = [1, 512, 128], strides = [1, 1, 1]} : vector<2x512x128xf32> to vector<1x512x128xf32>
    %squeeze3A_11 = vector.shape_cast %slice3A_10 : vector<1x512x128xf32> to vector<512x128xf32>
    %add3A = arith.addf %squeeze3A, %squeeze3A_11 : vector<512x128xf32>
    %get3A_12 = arith.constant 0 : index
    %get3A_13 = arith.constant 0 : index
    %get3A_14 = vector.load %arg3[%get3A_12, %get3A_13] : memref<512x128xf32, #tpu.memory_space<vmem>>, vector<512x128xf32>
    %add3A_15 = arith.addf %add3A, %get3A_14 : vector<512x128xf32>
    %mul3A = arith.mulf %add3A_15, %get3A_1 : vector<512x128xf32>
    %get3A_16 = arith.constant 0 : index
    %get3A_17 = vector.load %arg8[%get3A_16] : memref<128xf32, #tpu.memory_space<vmem>>, vector<128xf32>
    %broadcast_in_dim3A = vector.shape_cast %get3A_17 : vector<128xf32> to vector<1x128xf32>
    %add3A_18 = vector.broadcast %broadcast_in_dim3A : vector<1x128xf32> to vector<512x128xf32>
    %add3A_19 = arith.addf %mul3A, %add3A_18 : vector<512x128xf32>
    %max3A = arith.constant 0.000000e+00 : f32
    %max3A_20 = vector.broadcast %max3A : f32 to vector<512x128xf32>
    %max3A_21 = arith.maximumf %add3A_19, %max3A_20 : vector<512x128xf32>
    %slice3A_22 = vector.extract_strided_slice %get3A_9 {offsets = [0, 0, 0], sizes = [1, 512, 128], strides = [1, 1, 1]} : vector<2x512x128xf32> to vector<1x512x128xf32>
    %squeeze3A_23 = vector.shape_cast %slice3A_22 : vector<1x512x128xf32> to vector<512x128xf32>
    %slice3A_24 = vector.extract_strided_slice %get3A_9 {offsets = [1, 0, 0], sizes = [1, 512, 128], strides = [1, 1, 1]} : vector<2x512x128xf32> to vector<1x512x128xf32>
    %squeeze3A_25 = vector.shape_cast %slice3A_24 : vector<1x512x128xf32> to vector<512x128xf32>
    %add3A_26 = arith.addf %squeeze3A_23, %squeeze3A_25 : vector<512x128xf32>
    %get3A_27 = arith.constant 0 : index
    %get3A_28 = arith.constant 0 : index
    %get3A_29 = vector.load %arg4[%get3A_27, %get3A_28] : memref<512x128xf32, #tpu.memory_space<vmem>>, vector<512x128xf32>
    %add3A_30 = arith.addf %add3A_26, %get3A_29 : vector<512x128xf32>
    %mul3A_31 = arith.mulf %add3A_30, %get3A_1 : vector<512x128xf32>
    %get3A_32 = arith.constant 0 : index
    %get3A_33 = vector.load %arg9[%get3A_32] : memref<128xf32, #tpu.memory_space<vmem>>, vector<128xf32>
    %broadcast_in_dim3A_34 = vector.shape_cast %get3A_33 : vector<128xf32> to vector<1x128xf32>
    %add3A_35 = vector.broadcast %broadcast_in_dim3A_34 : vector<1x128xf32> to vector<512x128xf32>
    %add3A_36 = arith.addf %mul3A_31, %add3A_35 : vector<512x128xf32>
    %max3A_37 = arith.constant 0.000000e+00 : f32
    %max3A_38 = vector.broadcast %max3A_37 : f32 to vector<512x128xf32>
    %max3A_39 = arith.maximumf %add3A_36, %max3A_38 : vector<512x128xf32>
    %get3A_40 = arith.constant 0 : index
    %get3A_41 = arith.constant 0 : index
    %get3A_42 = vector.load %arg6[%get3A_40, %get3A_41] : memref<128x128xf32, #tpu.memory_space<vmem>>, vector<128x128xf32>
    %dot_general3A = arith.constant dense<0.000000e+00> : vector<512x128xf32>
    %dot_general3A_43 = tpu.matmul %max3A_21, %get3A_42, %dot_general3A {dimension_numbers = #tpu.dot_dimension_numbers<[1], [0], [0], [1], [0, 0, 1, 1], [], []>, transpose_lhs_hint = false} : vector<512x128xf32>, vector<128x128xf32>, vector<512x128xf32> -> vector<512x128xf32>
    %get3A_44 = arith.constant 0 : index
    %get3A_45 = arith.constant 0 : index
    %get3A_46 = vector.load %arg7[%get3A_44, %get3A_45] : memref<128x128xf32, #tpu.memory_space<vmem>>, vector<128x128xf32>
    %dot_general3A_47 = arith.constant dense<0.000000e+00> : vector<512x128xf32>
    %dot_general3A_48 = tpu.matmul %max3A_39, %get3A_46, %dot_general3A_47 {dimension_numbers = #tpu.dot_dimension_numbers<[1], [0], [0], [1], [0, 0, 1, 1], [], []>, transpose_lhs_hint = false} : vector<512x128xf32>, vector<128x128xf32>, vector<512x128xf32> -> vector<512x128xf32>
    %add3A_49 = arith.addf %dot_general3A_43, %dot_general3A_48 : vector<512x128xf32>
    %mul3A_50 = arith.mulf %add3A_49, %get3A_1 : vector<512x128xf32>
    %swap3A = arith.constant 0 : index
    %swap3A_51 = arith.constant 0 : index
    %swap3A_52 = vector.load %arg10[%swap3A, %swap3A_51] : memref<512x128xf32, #tpu.memory_space<vmem>>, vector<512x128xf32>
    tpu.vector_store %arg10[%swap3A, %swap3A_51], %mul3A_50 {strides = array<i32>} : memref<512x128xf32, #tpu.memory_space<vmem>>, vector<512x128xf32>,
    return
  }
  func.func @transform_0(%arg0: i32) -> (i32, i32, i32) {
    %c0_i32 = arith.constant 0 : i32
    %c0_i32_0 = arith.constant 0 : i32
    %c0_i32_1 = arith.constant 0 : i32
    return %c0_i32, %arg0, %c0_i32_0 : i32, i32, i32
  }
  func.func @transform_1(%arg0: i32) -> (i32, i32, i32) {
    %c0_i32 = arith.constant 0 : i32
    %c0_i32_0 = arith.constant 0 : i32
    %c0_i32_1 = arith.constant 0 : i32
    return %c0_i32, %arg0, %c0_i32_0 : i32, i32, i32
  }
  func.func @transform_2(%arg0: i32) -> (i32, i32) {
    %c0_i32 = arith.constant 0 : i32
    %c0_i32_0 = arith.constant 0 : i32
    return %arg0, %c0_i32 : i32, i32
  }
  func.func @transform_3(%arg0: i32) -> (i32, i32) {
    %c0_i32 = arith.constant 0 : i32
    %c0_i32_0 = arith.constant 0 : i32
    return %arg0, %c0_i32 : i32, i32
  }
  func.func @transform_4(%arg0: i32) -> (i32, i32) {
    %c0_i32 = arith.constant 0 : i32
    %c0_i32_0 = arith.constant 0 : i32
    return %arg0, %c0_i32 : i32, i32
  }
  func.func @transform_5(%arg0: i32) -> (i32, i32) {
    %c0_i32 = arith.constant 0 : i32
    %c0_i32_0 = arith.constant 0 : i32
    %c0_i32_1 = arith.constant 0 : i32
    return %c0_i32, %c0_i32_0 : i32, i32
  }
  func.func @transform_6(%arg0: i32) -> (i32, i32) {
    %c0_i32 = arith.constant 0 : i32
    %c0_i32_0 = arith.constant 0 : i32
    %c0_i32_1 = arith.constant 0 : i32
    return %c0_i32, %c0_i32_0 : i32, i32
  }
  func.func @transform_7(%arg0: i32) -> i32 {
    %c0_i32 = arith.constant 0 : i32
    %c0_i32_0 = arith.constant 0 : i32
    return %c0_i32 : i32
  }
  func.func @transform_8(%arg0: i32) -> i32 {
    %c0_i32 = arith.constant 0 : i32
    %c0_i32_0 = arith.constant 0 : i32
    return %c0_i32 : i32
  }
  func.func @transform_9(%arg0: i32) -> (i32, i32) {
    %c0_i32 = arith.constant 0 : i32
    %c0_i32_0 = arith.constant 0 : i32
    return %arg0, %c0_i32 : i32, i32
  }
}

module attributes {stable_mosaic.version = 14 : i64} {
  func.func @_tc3_body(%arg0: i32, %arg1: memref<2x512x128xf32, #tpu.memory_space<vmem>>, %arg2: memref<512x128xf32, #tpu.memory_space<vmem>>, %arg3: memref<512x128xf32, #tpu.memory_space<vmem>>, %arg4: memref<128x128xf32, #tpu.memory_space<vmem>>, %arg5: memref<128xf32, #tpu.memory_space<vmem>>, %arg6: memref<512x128xf32, #tpu.memory_space<vmem>>) attributes {dimension_semantics = [#tpu.dimension_semantics<arbitrary>], iteration_bounds = array<i64: 25>, scalar_prefetch = 0 : i64, scratch_operands = 0 : i64, tpu.core_type = #tpu.core_type<tc>, window_params = [{transform_indices = @transform_0, window_bounds = array<i64: 2, 512, 128>}, {transform_indices = @transform_1, window_bounds = array<i64: 512, 128>}, {transform_indices = @transform_2, window_bounds = array<i64: 512, 128>}, {pipeline_mode = #tpu.pipeline_mode<synchronous>, transform_indices = @transform_3, window_bounds = array<i64: 128, 128>}, {pipeline_mode = #tpu.pipeline_mode<synchronous>, transform_indices = @transform_4, window_bounds = array<i64: 128>}, {transform_indices = @transform_5, window_bounds = array<i64: 512, 128>}]} {
    %get3A = arith.constant 0 : index
    %get3A_0 = arith.constant 0 : index
    %get3A_1 = vector.load %arg3[%get3A, %get3A_0] : memref<512x128xf32, #tpu.memory_space<vmem>>, vector<512x128xf32>
    %get3A_2 = arith.constant 0 : index
    %get3A_3 = arith.constant 0 : index
    %get3A_4 = arith.constant 0 : index
    %get3A_5 = vector.load %arg1[%get3A_2, %get3A_3, %get3A_4] : memref<2x512x128xf32, #tpu.memory_space<vmem>>, vector<2x512x128xf32>
    %slice3A = vector.extract_strided_slice %get3A_5 {offsets = [0, 0, 0], sizes = [1, 512, 128], strides = [1, 1, 1]} : vector<2x512x128xf32> to vector<1x512x128xf32>
    %squeeze3A = vector.shape_cast %slice3A : vector<1x512x128xf32> to vector<512x128xf32>
    %slice3A_6 = vector.extract_strided_slice %get3A_5 {offsets = [1, 0, 0], sizes = [1, 512, 128], strides = [1, 1, 1]} : vector<2x512x128xf32> to vector<1x512x128xf32>
    %squeeze3A_7 = vector.shape_cast %slice3A_6 : vector<1x512x128xf32> to vector<512x128xf32>
    %add3A = arith.addf %squeeze3A, %squeeze3A_7 : vector<512x128xf32>
    %get3A_8 = arith.constant 0 : index
    %get3A_9 = arith.constant 0 : index
    %get3A_10 = vector.load %arg2[%get3A_8, %get3A_9] : memref<512x128xf32, #tpu.memory_space<vmem>>, vector<512x128xf32>
    %add3A_11 = arith.addf %add3A, %get3A_10 : vector<512x128xf32>
    %mul3A = arith.mulf %add3A_11, %get3A_1 : vector<512x128xf32>
    %get3A_12 = arith.constant 0 : index
    %get3A_13 = vector.load %arg5[%get3A_12] : memref<128xf32, #tpu.memory_space<vmem>>, vector<128xf32>
    %broadcast_in_dim3A = vector.shape_cast %get3A_13 : vector<128xf32> to vector<1x128xf32>
    %add3A_14 = vector.broadcast %broadcast_in_dim3A : vector<1x128xf32> to vector<512x128xf32>
    %add3A_15 = arith.addf %mul3A, %add3A_14 : vector<512x128xf32>
    %max3A = arith.constant 0.000000e+00 : f32
    %max3A_16 = vector.broadcast %max3A : f32 to vector<512x128xf32>
    %max3A_17 = arith.maximumf %add3A_15, %max3A_16 : vector<512x128xf32>
    %get3A_18 = arith.constant 0 : index
    %get3A_19 = arith.constant 0 : index
    %get3A_20 = vector.load %arg4[%get3A_18, %get3A_19] : memref<128x128xf32, #tpu.memory_space<vmem>>, vector<128x128xf32>
    %dot_general3A = arith.constant dense<0.000000e+00> : vector<512x128xf32>
    %dot_general3A_21 = tpu.matmul %max3A_17, %get3A_20, %dot_general3A {dimension_numbers = #tpu.dot_dimension_numbers<[1], [0], [0], [1], [0, 0, 1, 1], [], []>, transpose_lhs_hint = false} : vector<512x128xf32>, vector<128x128xf32>, vector<512x128xf32> -> vector<512x128xf32>
    %mul3A_22 = arith.mulf %dot_general3A_21, %get3A_1 : vector<512x128xf32>
    %swap3A = arith.constant 0 : index
    %swap3A_23 = arith.constant 0 : index
    %swap3A_24 = vector.load %arg6[%swap3A, %swap3A_23] : memref<512x128xf32, #tpu.memory_space<vmem>>, vector<512x128xf32>
    tpu.vector_store %arg6[%swap3A, %swap3A_23], %mul3A_22 {strides = array<i32>} : memref<512x128xf32, #tpu.memory_space<vmem>>, vector<512x128xf32>,
    return
  }
  func.func @transform_0(%arg0: i32) -> (i32, i32, i32) {
    %c0_i32 = arith.constant 0 : i32
    %c0_i32_0 = arith.constant 0 : i32
    %c0_i32_1 = arith.constant 0 : i32
    return %c0_i32, %arg0, %c0_i32_0 : i32, i32, i32
  }
  func.func @transform_1(%arg0: i32) -> (i32, i32) {
    %c0_i32 = arith.constant 0 : i32
    %c0_i32_0 = arith.constant 0 : i32
    return %arg0, %c0_i32 : i32, i32
  }
  func.func @transform_2(%arg0: i32) -> (i32, i32) {
    %c0_i32 = arith.constant 0 : i32
    %c0_i32_0 = arith.constant 0 : i32
    return %arg0, %c0_i32 : i32, i32
  }
  func.func @transform_3(%arg0: i32) -> (i32, i32) {
    %c0_i32 = arith.constant 0 : i32
    %c0_i32_0 = arith.constant 0 : i32
    %c0_i32_1 = arith.constant 0 : i32
    return %c0_i32, %c0_i32_0 : i32, i32
  }
  func.func @transform_4(%arg0: i32) -> i32 {
    %c0_i32 = arith.constant 0 : i32
    %c0_i32_0 = arith.constant 0 : i32
    return %c0_i32 : i32
  }
  func.func @transform_5(%arg0: i32) -> (i32, i32) {
    %c0_i32 = arith.constant 0 : i32
    %c0_i32_0 = arith.constant 0 : i32
    return %arg0, %c0_i32 : i32, i32
  }
}

module attributes {stable_mosaic.version = 14 : i64} {
  func.func @_tc4_body(%arg0: i32, %arg1: memref<2x512x128xf32, #tpu.memory_space<vmem>>, %arg2: memref<512x128xf32, #tpu.memory_space<vmem>>, %arg3: memref<512x128xf32, #tpu.memory_space<vmem>>, %arg4: memref<128xf32, #tpu.memory_space<vmem>>, %arg5: memref<8x512xi32, #tpu.memory_space<vmem>>, %arg6: memref<16x16xf32, #tpu.memory_space<vmem>>, %arg7: memref<16xf32, #tpu.memory_space<vmem>>, %arg8: memref<16x10xf32, #tpu.memory_space<vmem>>, %arg9: memref<10xf32, #tpu.memory_space<vmem>>, %arg10: memref<64x16xf32, #tpu.memory_space<vmem>>, %arg11: memref<64x10xf32, #tpu.memory_space<vmem>>, %arg12: memref<64x16xf32, #tpu.memory_space<vmem>>) attributes {dimension_semantics = [#tpu.dimension_semantics<arbitrary>], iteration_bounds = array<i64: 25>, scalar_prefetch = 0 : i64, scratch_operands = 1 : i64, tpu.core_type = #tpu.core_type<tc>, window_params = [{transform_indices = @transform_0, window_bounds = array<i64: 2, 512, 128>}, {transform_indices = @transform_1, window_bounds = array<i64: 512, 128>}, {transform_indices = @transform_2, window_bounds = array<i64: 512, 128>}, {pipeline_mode = #tpu.pipeline_mode<synchronous>, transform_indices = @transform_3, window_bounds = array<i64: 128>}, {transform_indices = @transform_4, window_bounds = array<i64: 8, 512>}, {pipeline_mode = #tpu.pipeline_mode<synchronous>, transform_indices = @transform_5, window_bounds = array<i64: 16, 16>}, {pipeline_mode = #tpu.pipeline_mode<synchronous>, transform_indices = @transform_6, window_bounds = array<i64: 16>}, {pipeline_mode = #tpu.pipeline_mode<synchronous>, transform_indices = @transform_7, window_bounds = array<i64: 16, 10>}, {pipeline_mode = #tpu.pipeline_mode<synchronous>, transform_indices = @transform_8, window_bounds = array<i64: 10>}, {pipeline_mode = #tpu.pipeline_mode<synchronous>, transform_indices = @transform_9, window_bounds = array<i64: 64, 16>}, {pipeline_mode = #tpu.pipeline_mode<synchronous>, transform_indices = @transform_10, window_bounds = array<i64: 64, 10>}]} {
    %get3A = arith.constant 0 : index
    %get3A_0 = arith.constant 0 : index
    %get3A_1 = arith.constant 0 : index
    %get3A_2 = vector.load %arg1[%get3A, %get3A_0, %get3A_1] : memref<2x512x128xf32, #tpu.memory_space<vmem>>, vector<2x512x128xf32>
    %slice3A = vector.extract_strided_slice %get3A_2 {offsets = [0, 0, 0], sizes = [1, 512, 128], strides = [1, 1, 1]} : vector<2x512x128xf32> to vector<1x512x128xf32>
    %squeeze3A = vector.shape_cast %slice3A : vector<1x512x128xf32> to vector<512x128xf32>
    %slice3A_3 = vector.extract_strided_slice %get3A_2 {offsets = [1, 0, 0], sizes = [1, 512, 128], strides = [1, 1, 1]} : vector<2x512x128xf32> to vector<1x512x128xf32>
    %squeeze3A_4 = vector.shape_cast %slice3A_3 : vector<1x512x128xf32> to vector<512x128xf32>
    %add3A = arith.addf %squeeze3A, %squeeze3A_4 : vector<512x128xf32>
    %get3A_5 = arith.constant 0 : index
    %get3A_6 = arith.constant 0 : index
    %get3A_7 = vector.load %arg2[%get3A_5, %get3A_6] : memref<512x128xf32, #tpu.memory_space<vmem>>, vector<512x128xf32>
    %add3A_8 = arith.addf %add3A, %get3A_7 : vector<512x128xf32>
    %get3A_9 = arith.constant 0 : index
    %get3A_10 = arith.constant 0 : index
    %get3A_11 = vector.load %arg3[%get3A_9, %get3A_10] : memref<512x128xf32, #tpu.memory_space<vmem>>, vector<512x128xf32>
    %mul3A = arith.mulf %add3A_8, %get3A_11 : vector<512x128xf32>
    %get3A_12 = arith.constant 0 : index
    %get3A_13 = vector.load %arg4[%get3A_12] : memref<128xf32, #tpu.memory_space<vmem>>, vector<128xf32>
    %broadcast_in_dim3A = vector.shape_cast %get3A_13 : vector<128xf32> to vector<1x128xf32>
    %add3A_14 = vector.broadcast %broadcast_in_dim3A : vector<1x128xf32> to vector<512x128xf32>
    %add3A_15 = arith.addf %mul3A, %add3A_14 : vector<512x128xf32>
    %max3A = arith.constant 0.000000e+00 : f32
    %max3A_16 = vector.broadcast %max3A : f32 to vector<512x128xf32>
    %max3A_17 = arith.maximumf %add3A_15, %max3A_16 : vector<512x128xf32>
    %get3A_18 = arith.constant 0 : index
    %get3A_19 = arith.constant 0 : index
    %get3A_20 = vector.load %arg5[%get3A_18, %get3A_19] : memref<8x512xi32, #tpu.memory_space<vmem>>, vector<8x512xi32>
    %broadcast_in_dim3A_21 = arith.constant 0.000000e+00 : f32
    %broadcast_in_dim3A_22 = vector.broadcast %broadcast_in_dim3A_21 : f32 to vector<64x16xf32>
    %iota3A = tpu.iota {dimensions = array<i32: 0>} : vector<64x512xi32>
    %slice3A_23 = vector.extract_strided_slice %get3A_20 {offsets = [0, 0], sizes = [1, 512], strides = [1, 1]} : vector<8x512xi32> to vector<1x512xi32>
    %squeeze3A_24 = vector.shape_cast %slice3A_23 : vector<1x512xi32> to vector<512xi32>
    %broadcast_in_dim3A_25 = vector.shape_cast %squeeze3A_24 : vector<512xi32> to vector<1x512xi32>
    %eq3A = vector.broadcast %broadcast_in_dim3A_25 : vector<1x512xi32> to vector<64x512xi32>
    %eq3A_26 = arith.cmpi eq, %iota3A, %eq3A : vector<64x512xi32>
    %convert_element_type3A = arith.extui %eq3A_26 : vector<64x512xi1> to vector<64x512xi32>
    %convert_element_type3A_27 = arith.sitofp %convert_element_type3A : vector<64x512xi32> to vector<64x512xf32>
    %slice3A_28 = vector.extract_strided_slice %max3A_17 {offsets = [0, 0], sizes = [512, 16], strides = [1, 1]} : vector<512x128xf32> to vector<512x16xf32>
    %dot_general3A = arith.constant dense<0.000000e+00> : vector<64x16xf32>
    %dot_general3A_29 = tpu.matmul %convert_element_type3A_27, %slice3A_28, %dot_general3A {dimension_numbers = #tpu.dot_dimension_numbers<[1], [0], [0], [1], [0, 0, 1, 1], [], []>, transpose_lhs_hint = false} : vector<64x512xf32>, vector<512x16xf32>, vector<64x16xf32> -> vector<64x16xf32>
    %add3A_30 = arith.addf %broadcast_in_dim3A_22, %dot_general3A_29 : vector<64x16xf32>
    %iota3A_31 = tpu.iota {dimensions = array<i32: 0>} : vector<64x512xi32>
    %slice3A_32 = vector.extract_strided_slice %get3A_20 {offsets = [1, 0], sizes = [1, 512], strides = [1, 1]} : vector<8x512xi32> to vector<1x512xi32>
    %squeeze3A_33 = vector.shape_cast %slice3A_32 : vector<1x512xi32> to vector<512xi32>
    %broadcast_in_dim3A_34 = vector.shape_cast %squeeze3A_33 : vector<512xi32> to vector<1x512xi32>
    %eq3A_35 = vector.broadcast %broadcast_in_dim3A_34 : vector<1x512xi32> to vector<64x512xi32>
    %eq3A_36 = arith.cmpi eq, %iota3A_31, %eq3A_35 : vector<64x512xi32>
    %convert_element_type3A_37 = arith.extui %eq3A_36 : vector<64x512xi1> to vector<64x512xi32>
    %convert_element_type3A_38 = arith.sitofp %convert_element_type3A_37 : vector<64x512xi32> to vector<64x512xf32>
    %slice3A_39 = vector.extract_strided_slice %max3A_17 {offsets = [0, 16], sizes = [512, 16], strides = [1, 1]} : vector<512x128xf32> to vector<512x16xf32>
    %dot_general3A_40 = arith.constant dense<0.000000e+00> : vector<64x16xf32>
    %dot_general3A_41 = tpu.matmul %convert_element_type3A_38, %slice3A_39, %dot_general3A_40 {dimension_numbers = #tpu.dot_dimension_numbers<[1], [0], [0], [1], [0, 0, 1, 1], [], []>, transpose_lhs_hint = false} : vector<64x512xf32>, vector<512x16xf32>, vector<64x16xf32> -> vector<64x16xf32>
    %add3A_42 = arith.addf %add3A_30, %dot_general3A_41 : vector<64x16xf32>
    %iota3A_43 = tpu.iota {dimensions = array<i32: 0>} : vector<64x512xi32>
    %slice3A_44 = vector.extract_strided_slice %get3A_20 {offsets = [2, 0], sizes = [1, 512], strides = [1, 1]} : vector<8x512xi32> to vector<1x512xi32>
    %squeeze3A_45 = vector.shape_cast %slice3A_44 : vector<1x512xi32> to vector<512xi32>
    %broadcast_in_dim3A_46 = vector.shape_cast %squeeze3A_45 : vector<512xi32> to vector<1x512xi32>
    %eq3A_47 = vector.broadcast %broadcast_in_dim3A_46 : vector<1x512xi32> to vector<64x512xi32>
    %eq3A_48 = arith.cmpi eq, %iota3A_43, %eq3A_47 : vector<64x512xi32>
    %convert_element_type3A_49 = arith.extui %eq3A_48 : vector<64x512xi1> to vector<64x512xi32>
    %convert_element_type3A_50 = arith.sitofp %convert_element_type3A_49 : vector<64x512xi32> to vector<64x512xf32>
    %slice3A_51 = vector.extract_strided_slice %max3A_17 {offsets = [0, 32], sizes = [512, 16], strides = [1, 1]} : vector<512x128xf32> to vector<512x16xf32>
    %dot_general3A_52 = arith.constant dense<0.000000e+00> : vector<64x16xf32>
    %dot_general3A_53 = tpu.matmul %convert_element_type3A_50, %slice3A_51, %dot_general3A_52 {dimension_numbers = #tpu.dot_dimension_numbers<[1], [0], [0], [1], [0, 0, 1, 1], [], []>, transpose_lhs_hint = false} : vector<64x512xf32>, vector<512x16xf32>, vector<64x16xf32> -> vector<64x16xf32>
    %add3A_54 = arith.addf %add3A_42, %dot_general3A_53 : vector<64x16xf32>
    %iota3A_55 = tpu.iota {dimensions = array<i32: 0>} : vector<64x512xi32>
    %slice3A_56 = vector.extract_strided_slice %get3A_20 {offsets = [3, 0], sizes = [1, 512], strides = [1, 1]} : vector<8x512xi32> to vector<1x512xi32>
    %squeeze3A_57 = vector.shape_cast %slice3A_56 : vector<1x512xi32> to vector<512xi32>
    %broadcast_in_dim3A_58 = vector.shape_cast %squeeze3A_57 : vector<512xi32> to vector<1x512xi32>
    %eq3A_59 = vector.broadcast %broadcast_in_dim3A_58 : vector<1x512xi32> to vector<64x512xi32>
    %eq3A_60 = arith.cmpi eq, %iota3A_55, %eq3A_59 : vector<64x512xi32>
    %convert_element_type3A_61 = arith.extui %eq3A_60 : vector<64x512xi1> to vector<64x512xi32>
    %convert_element_type3A_62 = arith.sitofp %convert_element_type3A_61 : vector<64x512xi32> to vector<64x512xf32>
    %slice3A_63 = vector.extract_strided_slice %max3A_17 {offsets = [0, 48], sizes = [512, 16], strides = [1, 1]} : vector<512x128xf32> to vector<512x16xf32>
    %dot_general3A_64 = arith.constant dense<0.000000e+00> : vector<64x16xf32>
    %dot_general3A_65 = tpu.matmul %convert_element_type3A_62, %slice3A_63, %dot_general3A_64 {dimension_numbers = #tpu.dot_dimension_numbers<[1], [0], [0], [1], [0, 0, 1, 1], [], []>, transpose_lhs_hint = false} : vector<64x512xf32>, vector<512x16xf32>, vector<64x16xf32> -> vector<64x16xf32>
    %add3A_66 = arith.addf %add3A_54, %dot_general3A_65 : vector<64x16xf32>
    %iota3A_67 = tpu.iota {dimensions = array<i32: 0>} : vector<64x512xi32>
    %slice3A_68 = vector.extract_strided_slice %get3A_20 {offsets = [4, 0], sizes = [1, 512], strides = [1, 1]} : vector<8x512xi32> to vector<1x512xi32>
    %squeeze3A_69 = vector.shape_cast %slice3A_68 : vector<1x512xi32> to vector<512xi32>
    %broadcast_in_dim3A_70 = vector.shape_cast %squeeze3A_69 : vector<512xi32> to vector<1x512xi32>
    %eq3A_71 = vector.broadcast %broadcast_in_dim3A_70 : vector<1x512xi32> to vector<64x512xi32>
    %eq3A_72 = arith.cmpi eq, %iota3A_67, %eq3A_71 : vector<64x512xi32>
    %convert_element_type3A_73 = arith.extui %eq3A_72 : vector<64x512xi1> to vector<64x512xi32>
    %convert_element_type3A_74 = arith.sitofp %convert_element_type3A_73 : vector<64x512xi32> to vector<64x512xf32>
    %slice3A_75 = vector.extract_strided_slice %max3A_17 {offsets = [0, 64], sizes = [512, 16], strides = [1, 1]} : vector<512x128xf32> to vector<512x16xf32>
    %dot_general3A_76 = arith.constant dense<0.000000e+00> : vector<64x16xf32>
    %dot_general3A_77 = tpu.matmul %convert_element_type3A_74, %slice3A_75, %dot_general3A_76 {dimension_numbers = #tpu.dot_dimension_numbers<[1], [0], [0], [1], [0, 0, 1, 1], [], []>, transpose_lhs_hint = false} : vector<64x512xf32>, vector<512x16xf32>, vector<64x16xf32> -> vector<64x16xf32>
    %add3A_78 = arith.addf %add3A_66, %dot_general3A_77 : vector<64x16xf32>
    %iota3A_79 = tpu.iota {dimensions = array<i32: 0>} : vector<64x512xi32>
    %slice3A_80 = vector.extract_strided_slice %get3A_20 {offsets = [5, 0], sizes = [1, 512], strides = [1, 1]} : vector<8x512xi32> to vector<1x512xi32>
    %squeeze3A_81 = vector.shape_cast %slice3A_80 : vector<1x512xi32> to vector<512xi32>
    %broadcast_in_dim3A_82 = vector.shape_cast %squeeze3A_81 : vector<512xi32> to vector<1x512xi32>
    %eq3A_83 = vector.broadcast %broadcast_in_dim3A_82 : vector<1x512xi32> to vector<64x512xi32>
    %eq3A_84 = arith.cmpi eq, %iota3A_79, %eq3A_83 : vector<64x512xi32>
    %convert_element_type3A_85 = arith.extui %eq3A_84 : vector<64x512xi1> to vector<64x512xi32>
    %convert_element_type3A_86 = arith.sitofp %convert_element_type3A_85 : vector<64x512xi32> to vector<64x512xf32>
    %slice3A_87 = vector.extract_strided_slice %max3A_17 {offsets = [0, 80], sizes = [512, 16], strides = [1, 1]} : vector<512x128xf32> to vector<512x16xf32>
    %dot_general3A_88 = arith.constant dense<0.000000e+00> : vector<64x16xf32>
    %dot_general3A_89 = tpu.matmul %convert_element_type3A_86, %slice3A_87, %dot_general3A_88 {dimension_numbers = #tpu.dot_dimension_numbers<[1], [0], [0], [1], [0, 0, 1, 1], [], []>, transpose_lhs_hint = false} : vector<64x512xf32>, vector<512x16xf32>, vector<64x16xf32> -> vector<64x16xf32>
    %add3A_90 = arith.addf %add3A_78, %dot_general3A_89 : vector<64x16xf32>
    %iota3A_91 = tpu.iota {dimensions = array<i32: 0>} : vector<64x512xi32>
    %slice3A_92 = vector.extract_strided_slice %get3A_20 {offsets = [6, 0], sizes = [1, 512], strides = [1, 1]} : vector<8x512xi32> to vector<1x512xi32>
    %squeeze3A_93 = vector.shape_cast %slice3A_92 : vector<1x512xi32> to vector<512xi32>
    %broadcast_in_dim3A_94 = vector.shape_cast %squeeze3A_93 : vector<512xi32> to vector<1x512xi32>
    %eq3A_95 = vector.broadcast %broadcast_in_dim3A_94 : vector<1x512xi32> to vector<64x512xi32>
    %eq3A_96 = arith.cmpi eq, %iota3A_91, %eq3A_95 : vector<64x512xi32>
    %convert_element_type3A_97 = arith.extui %eq3A_96 : vector<64x512xi1> to vector<64x512xi32>
    %convert_element_type3A_98 = arith.sitofp %convert_element_type3A_97 : vector<64x512xi32> to vector<64x512xf32>
    %slice3A_99 = vector.extract_strided_slice %max3A_17 {offsets = [0, 96], sizes = [512, 16], strides = [1, 1]} : vector<512x128xf32> to vector<512x16xf32>
    %dot_general3A_100 = arith.constant dense<0.000000e+00> : vector<64x16xf32>
    %dot_general3A_101 = tpu.matmul %convert_element_type3A_98, %slice3A_99, %dot_general3A_100 {dimension_numbers = #tpu.dot_dimension_numbers<[1], [0], [0], [1], [0, 0, 1, 1], [], []>, transpose_lhs_hint = false} : vector<64x512xf32>, vector<512x16xf32>, vector<64x16xf32> -> vector<64x16xf32>
    %add3A_102 = arith.addf %add3A_90, %dot_general3A_101 : vector<64x16xf32>
    %iota3A_103 = tpu.iota {dimensions = array<i32: 0>} : vector<64x512xi32>
    %slice3A_104 = vector.extract_strided_slice %get3A_20 {offsets = [7, 0], sizes = [1, 512], strides = [1, 1]} : vector<8x512xi32> to vector<1x512xi32>
    %squeeze3A_105 = vector.shape_cast %slice3A_104 : vector<1x512xi32> to vector<512xi32>
    %broadcast_in_dim3A_106 = vector.shape_cast %squeeze3A_105 : vector<512xi32> to vector<1x512xi32>
    %eq3A_107 = vector.broadcast %broadcast_in_dim3A_106 : vector<1x512xi32> to vector<64x512xi32>
    %eq3A_108 = arith.cmpi eq, %iota3A_103, %eq3A_107 : vector<64x512xi32>
    %convert_element_type3A_109 = arith.extui %eq3A_108 : vector<64x512xi1> to vector<64x512xi32>
    %convert_element_type3A_110 = arith.sitofp %convert_element_type3A_109 : vector<64x512xi32> to vector<64x512xf32>
    %slice3A_111 = vector.extract_strided_slice %max3A_17 {offsets = [0, 112], sizes = [512, 16], strides = [1, 1]} : vector<512x128xf32> to vector<512x16xf32>
    %dot_general3A_112 = arith.constant dense<0.000000e+00> : vector<64x16xf32>
    %dot_general3A_113 = tpu.matmul %convert_element_type3A_110, %slice3A_111, %dot_general3A_112 {dimension_numbers = #tpu.dot_dimension_numbers<[1], [0], [0], [1], [0, 0, 1, 1], [], []>, transpose_lhs_hint = false} : vector<64x512xf32>, vector<512x16xf32>, vector<64x16xf32> -> vector<64x16xf32>
    %add3A_114 = arith.addf %add3A_102, %dot_general3A_113 : vector<64x16xf32>
    %eq3A_115 = arith.constant 0 : i32
    %eq3A_116 = arith.cmpi eq, %arg0, %eq3A_115 : i32
    %convert_element_type3A_117 = arith.extui %eq3A_116 : i1 to i32
    %cond3A = arith.constant 0 : i32
    %cond3A_118 = arith.cmpi ne, %convert_element_type3A_117, %cond3A : i32
    scf.if %cond3A_118 {
      %broadcast_in_dim3A_130 = arith.constant 0.000000e+00 : f32
      %broadcast_in_dim3A_131 = vector.broadcast %broadcast_in_dim3A_130 : f32 to vector<64x16xf32>
      %swap3A_132 = arith.constant 0 : index
      %swap3A_133 = arith.constant 0 : index
      %swap3A_134 = vector.load %arg12[%swap3A_132, %swap3A_133] : memref<64x16xf32, #tpu.memory_space<vmem>>, vector<64x16xf32>
      tpu.vector_store %arg12[%swap3A_132, %swap3A_133], %broadcast_in_dim3A_131 {strides = array<i32>} : memref<64x16xf32, #tpu.memory_space<vmem>>, vector<64x16xf32>,
    } else {
    }
    %get3A_119 = arith.constant 0 : index
    %get3A_120 = arith.constant 0 : index
    %get3A_121 = vector.load %arg12[%get3A_119, %get3A_120] : memref<64x16xf32, #tpu.memory_space<vmem>>, vector<64x16xf32>
    %add3A_122 = arith.addf %get3A_121, %add3A_114 : vector<64x16xf32>
    %swap3A = arith.constant 0 : index
    %swap3A_123 = arith.constant 0 : index
    %swap3A_124 = vector.load %arg12[%swap3A, %swap3A_123] : memref<64x16xf32, #tpu.memory_space<vmem>>, vector<64x16xf32>
    tpu.vector_store %arg12[%swap3A, %swap3A_123], %add3A_122 {strides = array<i32>} : memref<64x16xf32, #tpu.memory_space<vmem>>, vector<64x16xf32>,
    %eq3A_125 = arith.constant 24 : i32
    %eq3A_126 = arith.cmpi eq, %arg0, %eq3A_125 : i32
    %convert_element_type3A_127 = arith.extui %eq3A_126 : i1 to i32
    %cond3A_128 = arith.constant 0 : i32
    %cond3A_129 = arith.cmpi ne, %convert_element_type3A_127, %cond3A_128 : i32
    scf.if %cond3A_129 {
      %get3A_130 = arith.constant 0 : index
      %get3A_131 = arith.constant 0 : index
      %get3A_132 = vector.load %arg12[%get3A_130, %get3A_131] : memref<64x16xf32, #tpu.memory_space<vmem>>, vector<64x16xf32>
      %get3A_133 = arith.constant 0 : index
      %get3A_134 = arith.constant 0 : index
      %get3A_135 = vector.load %arg6[%get3A_133, %get3A_134] : memref<16x16xf32, #tpu.memory_space<vmem>>, vector<16x16xf32>
      %dot_general3A_136 = arith.constant dense<0.000000e+00> : vector<64x16xf32>
      %dot_general3A_137 = tpu.matmul %get3A_132, %get3A_135, %dot_general3A_136 {dimension_numbers = #tpu.dot_dimension_numbers<[1], [0], [0], [1], [0, 0, 1, 1], [], []>, transpose_lhs_hint = false} : vector<64x16xf32>, vector<16x16xf32>, vector<64x16xf32> -> vector<64x16xf32>
      %get3A_138 = arith.constant 0 : index
      %get3A_139 = vector.load %arg7[%get3A_138] : memref<16xf32, #tpu.memory_space<vmem>>, vector<16xf32>
      %broadcast_in_dim3A_140 = vector.shape_cast %get3A_139 : vector<16xf32> to vector<1x16xf32>
      %add3A_141 = vector.broadcast %broadcast_in_dim3A_140 : vector<1x16xf32> to vector<64x16xf32>
      %add3A_142 = arith.addf %dot_general3A_137, %add3A_141 : vector<64x16xf32>
      %swap3A_143 = arith.constant 0 : index
      %swap3A_144 = arith.constant 0 : index
      %swap3A_145 = vector.load %arg10[%swap3A_143, %swap3A_144] : memref<64x16xf32, #tpu.memory_space<vmem>>, vector<64x16xf32>
      tpu.vector_store %arg10[%swap3A_143, %swap3A_144], %add3A_142 {strides = array<i32>} : memref<64x16xf32, #tpu.memory_space<vmem>>, vector<64x16xf32>,
      %max3A_146 = arith.constant 0.000000e+00 : f32
      %max3A_147 = vector.broadcast %max3A_146 : f32 to vector<64x16xf32>
      %max3A_148 = arith.maximumf %add3A_142, %max3A_147 : vector<64x16xf32>
      %get3A_149 = arith.constant 0 : index
      %get3A_150 = arith.constant 0 : index
      %get3A_151 = vector.load %arg8[%get3A_149, %get3A_150] : memref<16x10xf32, #tpu.memory_space<vmem>>, vector<16x10xf32>
      %dot_general3A_152 = arith.constant dense<0.000000e+00> : vector<64x10xf32>
      %dot_general3A_153 = tpu.matmul %max3A_148, %get3A_151, %dot_general3A_152 {dimension_numbers = #tpu.dot_dimension_numbers<[1], [0], [0], [1], [0, 0, 1, 1], [], []>, transpose_lhs_hint = false} : vector<64x16xf32>, vector<16x10xf32>, vector<64x10xf32> -> vector<64x10xf32>
      %get3A_154 = arith.constant 0 : index
      %get3A_155 = vector.load %arg9[%get3A_154] : memref<10xf32, #tpu.memory_space<vmem>>, vector<10xf32>
      %broadcast_in_dim3A_156 = vector.shape_cast %get3A_155 : vector<10xf32> to vector<1x10xf32>
      %add3A_157 = vector.broadcast %broadcast_in_dim3A_156 : vector<1x10xf32> to vector<64x10xf32>
      %add3A_158 = arith.addf %dot_general3A_153, %add3A_157 : vector<64x10xf32>
      %swap3A_159 = arith.constant 0 : index
      %swap3A_160 = arith.constant 0 : index
      %swap3A_161 = vector.load %arg11[%swap3A_159, %swap3A_160] : memref<64x10xf32, #tpu.memory_space<vmem>>, vector<64x10xf32>
      tpu.vector_store %arg11[%swap3A_159, %swap3A_160], %add3A_158 {strides = array<i32>} : memref<64x10xf32, #tpu.memory_space<vmem>>, vector<64x10xf32>,
    } else {
    }
    return
  }
  func.func @transform_0(%arg0: i32) -> (i32, i32, i32) {
    %c0_i32 = arith.constant 0 : i32
    %c0_i32_0 = arith.constant 0 : i32
    %c0_i32_1 = arith.constant 0 : i32
    return %c0_i32, %arg0, %c0_i32_0 : i32, i32, i32
  }
  func.func @transform_1(%arg0: i32) -> (i32, i32) {
    %c0_i32 = arith.constant 0 : i32
    %c0_i32_0 = arith.constant 0 : i32
    return %arg0, %c0_i32 : i32, i32
  }
  func.func @transform_2(%arg0: i32) -> (i32, i32) {
    %c0_i32 = arith.constant 0 : i32
    %c0_i32_0 = arith.constant 0 : i32
    return %arg0, %c0_i32 : i32, i32
  }
  func.func @transform_3(%arg0: i32) -> i32 {
    %c0_i32 = arith.constant 0 : i32
    %c0_i32_0 = arith.constant 0 : i32
    return %c0_i32 : i32
  }
  func.func @transform_4(%arg0: i32) -> (i32, i32) {
    %c0_i32 = arith.constant 0 : i32
    %c0_i32_0 = arith.constant 0 : i32
    return %c0_i32, %arg0 : i32, i32
  }
  func.func @transform_5(%arg0: i32) -> (i32, i32) {
    %c0_i32 = arith.constant 0 : i32
    %c0_i32_0 = arith.constant 0 : i32
    %c0_i32_1 = arith.constant 0 : i32
    return %c0_i32, %c0_i32_0 : i32, i32
  }
  func.func @transform_6(%arg0: i32) -> i32 {
    %c0_i32 = arith.constant 0 : i32
    %c0_i32_0 = arith.constant 0 : i32
    return %c0_i32 : i32
  }
  func.func @transform_7(%arg0: i32) -> (i32, i32) {
    %c0_i32 = arith.constant 0 : i32
    %c0_i32_0 = arith.constant 0 : i32
    %c0_i32_1 = arith.constant 0 : i32
    return %c0_i32, %c0_i32_0 : i32, i32
  }
  func.func @transform_8(%arg0: i32) -> i32 {
    %c0_i32 = arith.constant 0 : i32
    %c0_i32_0 = arith.constant 0 : i32
    return %c0_i32 : i32
  }
  func.func @transform_9(%arg0: i32) -> (i32, i32) {
    %c0_i32 = arith.constant 0 : i32
    %c0_i32_0 = arith.constant 0 : i32
    %c0_i32_1 = arith.constant 0 : i32
    return %c0_i32, %c0_i32_0 : i32, i32
  }
  func.func @transform_10(%arg0: i32) -> (i32, i32) {
    %c0_i32 = arith.constant 0 : i32
    %c0_i32_0 = arith.constant 0 : i32
    %c0_i32_1 = arith.constant 0 : i32
    return %c0_i32, %c0_i32_0 : i32, i32
  }
}

</mosaic_0001>

<sc_bundles>
// kernel: kernel.11.cloned.1.call-start
scs
__scs_entry_jumppad:
0x0: {  	(pc) =	sbr.rel $0x88, $3  }
0x1: {  	(tag) =	ssettag $0x0;
	lr =	simm.s32 $0x1  }
0x2: {  	[smem:$0x3F94] =	sst lr;
	_ =	strace $0xD0000000  }
0x3: {  	_ = 	snop  }
0x4: {  	_ = 	snop  }
0x5: {  	_ = 	snop  }
0x6: {  	_ = 	snop  }
0x7: {  	_ = 	snop  }
__scs_overlays_trampoline_lowered:
0x8: {  	[smem:$0x3FA3] =	sst s0  }
0x9: {  	[smem:$0x3FA4] =	sst s1  }
0xa: {  	[smem:$0x3FA5] =	sst s2  }
0xb: {  	[smem:$0x3FA6] =	sst s3  }
0xc: {  	[smem:$0x3FA7] =	sst s4  }
0xd: {  	[smem:$0x3FA8] =	sst s5  }
0xe: {  	[smem:$0x3FA9] =	sst s6  }
0xf: {  	[smem:$0x3FAA] =	sst s7  }
0x10: {  	[smem:$0x3FAB] =	sst s8  }
0x11: {  	[smem:$0x3FAC] =	sst s9;
	s0 =	simm.s32 @!p0 $0x0  }
0x12: {  	s1 =	sld [smem:$0x3F92];
	s0 =	simm.s32 @p0 $0x1  }
0x13: {  	[smem:$0x3FAD] =	sst s0;
	s0 =	simm.s32 @!p1 $0x0  }
0x14: {  	s2 =	sld [smem:$0x3F91];
	s0 =	simm.s32 @p1 $0x1  }
0x15: {  	[smem:$0x3FAE] =	sst s0;
	s0 =	simm.s32 @!p2 $0x0  }
0x16: {  	s3 =	sld [smem:$0x3FDB];
	s0 =	simm.s32 @p2 $0x1  }
0x17: {  	s4 =	simm.s32 $0x1BF5;
	[smem:$0x3FB0] =	sst s0  }
0x18: {  	s0 =	sld [smem:$0x3F93];
	_ =	swait.ge [sflag:s4], $0x0  }
0x19: {  	s7 =	sld [smem:$0x3F94]  }
0x1a: {  	s8 =	sadd.s32 $0xFFFFE003, lr  }
0x1b: {  	s9 =	sadd.s32 $0xFFFFFEF7, lr;
	s5 =	simm.s32 $0xFFFFFFFF;
	p2 =	slt.u32 s8, $0xFFFFF086  }
0x1c: {  	p1 =	slt.u32 s9, $0xF7A;
	s5 =	simm.s32 @!p2 $0x0  }
0x1d: {  	s5 =	simm.s32 @p1 $0x1;
	p0 =	seq.s32 s7, s2  }
0x1e: {  	s7 =	smul.u32 @!p0 $0xF7A, s2;
	p2 =	seq.s32 @!p0 s5, $0x0  }
0x1f: {  	s9 =	smul.u32 $0xF7A, s1;
	s8 =	simm.s32 @!p0 $0x1BF5;
	p2 =	por !p2, p0  }
0x20: {  	[sflag:s8] =	ssyncset.s32 @!p0 $0xFFFFF086;
	s6 =	sadd.s32 @!p0 s3, s7;
	s7 =	simm.s32 @!p0 $0x108  }
0x21: {  	s3 =	sadd.s32 s3, s9;
	s6 =	sadd.s32 @!p0 $0x88, s6;
	s7 =	simm.s32 @p2 $0x1082  }
0x22: {  	[simem:s7], [sflag:s8] =	dma.local @!p0 [hbm:s6], $0xF7A  }
0x23: {  	s9 =	sor.u32 $0xD0000000, s2;
	s6 =	simm.s32 $0x108;
	_ =	swait.ge @!p0 [sflag:s8], $0x0  }
0x24: {  	s3 =	sadd.s32 $0x88, s3;
	s6 =	simm.s32 @!p1 $0x1082;
	[sflag:s4] =	ssyncset.s32 $0xFFFFF086  }
0x25: {  	[simem:s6], [sflag:s4] =	dma.local [hbm:s3], $0xF7A  }
0x26: {  	[smem:$0x3F94] =	sst s1;
	(tag) =	ssettag s2;
	_ =	strace s9  }
0x27: {  	s1 =	sld [smem:$0x3FA4]  }
0x28: {  	s2 =	sld [smem:$0x3FA5]  }
0x29: {  	s4 =	sld [smem:$0x3FA7]  }
0x2a: {  	p0 =	seq.s32 s5, $0x0;
	s5 =	sld [smem:$0x3FA8]  }
0x2b: {  	s6 =	sld [smem:$0x3FA9]  }
0x2c: {  	s7 =	sld [smem:$0x3FAA]  }
0x2d: {  	s3 =	simm.s32 $0x108;
	s8 =	sld [smem:$0x3FAB]  }
0x2e: {  	s3 =	simm.s32 @!p0 $0x1082;
	s9 =	sld [smem:$0x3FAC]  }
0x2f: {  	lr =	sadd.s32 s0, s3;
	s0 =	sld [smem:$0x3FA3]  }
0x30: {  	s3 =	sld [smem:$0x3FA6]  }
0x31: {  	[smem:$0x3FAF] =	sst s10  }
0x32: {  	s10 =	sld [smem:$0x3FAD];
	_ =	sdelay $0x3  }
0x33: {  	p0 =	seq.s32 s10, $0x1;
	s10 =	sld [smem:$0x3FAF];
	_ =	sdelay $0x3  }
0x34: {  	[smem:$0x3FAF] =	sst s10  }
0x35: {  	s10 =	sld [smem:$0x3FAE];
	_ =	sdelay $0x3  }
0x36: {  	p1 =	seq.s32 s10, $0x1;
	s10 =	sld [smem:$0x3FAF];
	_ =	sdelay $0x3  }
0x37: {  	[smem:$0x3FAF] =	sst s10  }
0x38: {  	s10 =	sld [smem:$0x3FB0]  }
0x39: {  	_ = 	snop;
	(pc) =	sbr.ind lr, $3  }
0x3a: {  	_ = 	snop  }
0x3b: {  	_ = 	snop  }
0x3c: {  	p2 =	seq.s32 s10, $0x1;
	s10 =	sld [smem:$0x3FAF]  }
0x3d: {  	_ =	shalt  }
0x3e: {  	_ =	shalt  }
0x3f: {  	_ =	shalt  }
0x40: {  	_ =	shalt  }
0x41: {  	_ =	shalt  }
0x42: {  	_ =	shalt  }
0x43: {  	_ =	shalt  }
0x44: {  	_ =	shalt  }
0x45: {  	_ =	shalt  }
0x46: {  	_ =	shalt  }
0x47: {  	_ =	shalt  }
0x48: {  	_ =	shalt  }
0x49: {  	_ =	shalt  }
0x4a: {  	_ =	shalt  }
0x4b: {  	_ =	shalt  }
0x4c: {  	_ =	shalt  }
0x4d: {  	_ =	shalt  }
0x4e: {  	_ =	shalt  }
0x4f: {  	_ =	shalt  }
0x50: {  	_ =	shalt  }
0x51: {  	_ =	shalt  }
0x52: {  	_ =	shalt  }
0x53: {  	_ =	shalt  }
0x54: {  	_ =	shalt  }
0x55: {  	_ =	shalt  }
0x56: {  	_ =	shalt  }
0x57: {  	_ =	shalt  }
0x58: {  	_ =	shalt  }
0x59: {  	_ =	shalt  }
0x5a: {  	_ =	shalt  }
0x5b: {  	_ =	shalt  }
0x5c: {  	_ =	shalt  }
0x5d: {  	_ =	shalt  }
0x5e: {  	_ =	shalt  }
0x5f: {  	_ =	shalt  }
0x60: {  	_ =	shalt  }
0x61: {  	_ =	shalt  }
0x62: {  	_ =	shalt  }
0x63: {  	_ =	shalt  }
0x64: {  	_ =	shalt  }
0x65: {  	_ =	shalt  }
0x66: {  	_ =	shalt  }
0x67: {  	_ =	shalt  }
0x68: {  	_ =	shalt  }
0x69: {  	_ =	shalt  }
0x6a: {  	_ =	shalt  }
0x6b: {  	_ =	shalt  }
0x6c: {  	_ =	shalt  }
0x6d: {  	_ =	shalt  }
0x6e: {  	_ =	shalt  }
0x6f: {  	_ =	shalt  }
0x70: {  	_ =	shalt  }
0x71: {  	_ =	shalt  }
0x72: {  	_ =	shalt  }
0x73: {  	_ =	shalt  }
0x74: {  	_ =	shalt  }
0x75: {  	_ =	shalt  }
0x76: {  	_ =	shalt  }
0x77: {  	_ =	shalt  }
0x78: {  	_ =	shalt  }
0x79: {  	_ =	shalt  }
0x7a: {  	_ =	shalt  }
0x7b: {  	_ =	shalt  }
0x7c: {  	_ =	shalt  }
0x7d: {  	_ =	shalt  }
0x7e: {  	_ =	shalt  }
0x7f: {  	_ =	shalt  }
0x80: {  	_ =	shalt  }
0x81: {  	_ =	shalt  }
0x82: {  	_ =	shalt  }
0x83: {  	_ =	shalt  }
0x84: {  	_ =	shalt  }
0x85: {  	_ =	shalt  }
0x86: {  	_ =	shalt  }
0x87: {  	_ =	shalt  }
.Lfunc_end0:
.L_simem_size_0:
called_computation_lowered:
.L_overlay_start_0:
0x88: {  	s2 =	sld [smem:$0x3FD9]  }
0x89: {  	s3 =	sld [smem:$0x3FFE];
	_ =	sdelay $0x1  }
0x8a: {  	s1 =	srdreg.scid  }
0x8b: {  	s0 =	sand.u32 $0x1, s1  }
0x8c: {  	s16 =	sshll.u32 s0, $0xA;
	s2 =	sadd.s32 s3, s2  }
0x8d: {  	s2 =	sadd.s32 s2, s16  }
0x8e: {  	[smem:$0x3FBB] =	sst s2  }
0x8f: {  	_ = 	snop  }
0x90: {  	(tm) =	ssettm $0x1  }
0x91: {  	s17 =	sld [smem:$0x3FFB];
	_ =	sdelay $0x3  }
0x92: {  	_ =	strace s17  }
0x93: {  	s2 =	sld [smem:$0x3FFC];
	_ =	sdelay $0x3  }
0x94: {  	_ =	strace s2  }
0x95: {  	s2 =	sld [smem:$0x3FFD];
	_ =	sdelay $0x3  }
0x96: {  	_ =	strace s2  }
0x97: {  	_ =	strace $0x8FFFFFFF  }
0x98: {  	s18 =	sld [smem:$0x3FDB];
	_ =	sdelay $0x1  }
0x99: {  	s19 =	simm.s32 $_scs_section_size  }
0x9a: {  	s4 =	simm.s32 $_size__tile_overlayer_lowered;
	s5 =	simm.s32 $_tile_overlayer_lowered  }
0x9b: {  	s22 =	simm.s32 $0x1BFF;
	s21 =	sshll.u32 s5, $0x1;
	s2 =	sadd.s32 s19, s18  }
0x9c: {  	s6 =	simm.s32 $0x0;
	s20 =	sshll.u32 s4, $0x1;
	s4 =	sadd.s32 s21, s2  }
0x9d: {  	[timem:s6], [sflag:s22] =	dma.local [hbm:s4], s20  }
0x9e: {  	_ =	swait.ge [sflag:s22], s20  }
0x9f: {  	s3 =	ssub.s32 $0x0, s20;
	[sflag:s22] =	ssyncset.done $0x0  }
0xa0: {  	[sflag:s22] =	ssyncadd.s32 s3;
	_ =	sdelay $0x1  }
0xa1: {  	s23 =	simm.s32 $0x1B8B  }
0xa2: {  	_ =	swait.ge [sflag:s23], $0x1  }
0xa3: {  	[sflag:s23] =	ssyncset.done $0x0  }
0xa4: {  	s25 =	simm.s32 $0x1B8E;
	s24 =	sld [smem:$0x3FFE];
	[sflag:s23] =	ssyncadd.s32 $0xFFFFFFFF  }
0xa5: {  	s26 =	simm.s32 $execute0_lowered;
	[smem:$0x3FD2] =	sst s25  }
0xa6: {  	s4 =	sshll.u32 s26, $0x1;
	_ =	strace $0x80000046;
	[dreg:$0x1] =	wrdreg $0xFFFFFFFF  }
0xa7: {  	s28 =	simm.s32 $_size_execute0_lowered;
	s2 =	sadd.s32 s2, s4;
	[dreg:$0x0] =	wrdreg $0x0  }
0xa8: {  	s4 =	sshll.u32 s28, $0x1;
	[dreg:$0x2] =	wrdreg s2  }
0xa9: {  	[dreg:$0x3] =	wrdreg s4  }
0xaa: {  	[dreg:$0x4] =	wrdreg $0xC0  }
0xab: {  	_ =	task [dreg:s6], $0x5FFFF  }
0xac: {  	[dreg:$0x1] =	wrdreg $0xFFFFFFFF  }
0xad: {  	[dreg:$0x0] =	wrdreg $0x60  }
0xae: {  	[dreg:$0x2] =	wrdreg s24  }
0xaf: {  	[dreg:$0x3] =	wrdreg $0x42680  }
0xb0: {  	[dreg:$0x4] =	wrdreg $0x9  }
0xb1: {  	_ =	task.clear_ibuf [dreg:s6], $0x5FFFF;
	_ =	strace $0x90000046  }
0xb2: {  	s29 =	simm.s32 $0x9;
	_ =	strace $0x80000048  }
0xb3: {  	_ =	swait.ge [sflag:s29], $0x1  }
0xb4: {  	[sflag:s29] =	ssyncadd.s32 $0xFFFFFFFF  }
0xb5: {  	_ =	strace $0x90000048  }
0xb6: {  	_ =	sfence  }
0xb7: {  	s30 =	sld [smem:$0x0];
	_ =	sdelay $0x2  }
0xb8: {  	s31 =	sshll.u32 s1, $0xD;
	s1 =	sshrl.u32 s1, $0x2  }
0xb9: {  	s3 =	sand.u32 $0x4000, s31;
	s1 =	sadd.s32 s1, s30  }
0xba: {  	s0 =	sor.u32 s3, s0;
	s1 =	sshll.u32 s1, $0x11  }
0xbb: {  	s0 =	sor.u32 s1, s0  }
0xbc: {  	s0 =	sadd.s32 $0x8F2B, s0  }
0xbd: {  	[sflag:s0] =	ssyncadd.remote.s32 $0x1  }
0xbe: {  	_ =	sfence.sel $0xFFFF  }
0xbf: {  	[dreg:$0x0] =	wrdreg $0xFFFFFFFF;
	(pc) =	sbr.abs _section_cstart, $3  }
0xc0: {  	[dreg:$0x1] =	wrdreg $0xFFFFFFFF  }
0xc1: {  	_ =	task.clear_ibuf [dreg:s6], $0x2FFFF;
	_ =	strace $0x9FFFFFFF  }
0xc2: {  	(tm) =	ssettm $0x7FFFFFFF  }
0xc3: {  	_ =	shalt  }
tec
execute0_lowered:
.L_overlay_start_1:
0x0: {  	(tag) =	ssettag $0x1  }
0x1: {  	s0 =	srdreg.scid;
	s6 =	stileid.u32  }
0x2: {  	s4 =	rddreg [dreg:$0x0];
	s3 =	smul.u32 $0xC350, s6  }
0x3: {  	s28 =	simm.s32 $0x3E8;
	s2 =	sand.u32 $0x1, s0;
	s24 =	smul.u32 $0x19000, s6  }
0x4: {  	s29 =	simm.s32 $0x1;
	s30 =	simm.s32 $0x0;
	s1 =	smul.u32 $0xC3500, s2  }
0x5: {  	s13 =	sadd.s32 $0x67600, s4;
	s10 =	smul.u32 $0x190000, s2;
	s2 =	ssub.s32 $0x2, s2  }
0x6: {  	s15 =	smul.u32 $0x64000, s6;
	s8 =	sshrl.u32 s2, $0x1;
	s16 =	sadd.s32 $0x2800, s24  }
0x7: {  	s17 =	sadd.s32 $0x5000, s24;
	s18 =	sadd.s32 $0x7800, s24;
	s19 =	sadd.s32 $0xA000, s24  }
0x8: {  	s20 =	sadd.s32 $0xC800, s24;
	s21 =	sadd.s32 $0xF000, s24;
	s22 =	sadd.s32 $0x11800, s24  }
0x9: {  	s23 =	sadd.s32 $0x14000, s24;
	s26 =	sadd.s32 $0x16800, s24;
	s15 =	sshrl.u32 s15, $0x2  }
0xa: {  	s3 =	sadd.s32 s3, s1;
	s1 =	simm.s32 $0x0;
	s7 =	sadd.s32 s10, s24  }
0xb: {  	s14 =	ssub.s32 s2, s8;
	s11 =	sadd.s32 s10, s16;
	s12 =	sadd.s32 s10, s17  }
0xc: {  	s5 =	sadd.s32 s10, s18;
	s6 =	sadd.s32 s10, s19;
	s8 =	sadd.s32 s10, s21  }
0xd: {  	s3 =	sadd.s32 $0x186A00, s3;
	[smem:$0x7FF] =	sst s1;
	s5 =	sshrl.u32 s5, $0x3  }
0xe: {  	s6 =	sshrl.u32 s6, $0x3;
	s8 =	sshrl.u32 s8, $0x3;
	s14 =	smax.u32 s14, $0x1  }
0xf: {  	s3 =	sshrl.u32 s3, $0x3;
	s5 =	sadd.s32 s13, s5;
	s6 =	sadd.s32 s13, s6  }
0x10: {  	s8 =	sadd.s32 s13, s8;
	s25 =	sadd.s32 s3, s4;
	s3 =	sshrl.u32 s7, $0x3  }
0x11: {  	s4 =	sshrl.u32 s12, $0x3;
	s7 =	sadd.s32 s10, s20;
	s12 =	rddreg [dreg:$0x1]  }
0x12: {  	s9 =	sadd.s32 s13, s3;
	s3 =	sshrl.u32 s11, $0x3;
	s4 =	sadd.s32 s13, s4  }
0x13: {  	s7 =	sshrl.u32 s7, $0x3;
	s11 =	sadd.s32 s10, s23;
	s15 =	sadd.s32 s15, s12  }
0x14: {  	s16 =	sadd.s32 s16, s12;
	s17 =	sadd.s32 s17, s12;
	s18 =	sadd.s32 s18, s12  }
0x15: {  	s19 =	sadd.s32 s19, s12;
	s20 =	sadd.s32 s20, s12;
	s21 =	sadd.s32 s21, s12  }
0x16: {  	s23 =	sadd.s32 s23, s12;
	s31 =	sadd.s32 s24, s12;
	s24 =	sadd.s32 s26, s12  }
0x17: {  	s25 =	sadd.s32 $0x5A00, s25;
	[dreg:$0x3] =	wrdreg s9;
	s3 =	sadd.s32 s13, s3  }
0x18: {  	s7 =	sadd.s32 s13, s7;
	s9 =	sadd.s32 s10, s22;
	s11 =	sshrl.u32 s11, $0x3  }
0x19: {  	s10 =	sadd.s32 s10, s26;
	s22 =	sadd.s32 s22, s12;
	s26 =	sshrl.u32 s31, $0x3  }
0x1a: {  	s9 =	sshrl.u32 s9, $0x3;
	s11 =	sadd.s32 s13, s11;
	s10 =	sshrl.u32 s10, $0x3  }
0x1b: {  	v0 =	vimm.f32 $0.0e+00;
	v1 =	vimm.f32 $1.000000000e+00;
	_ =	strace $0x80000047;
	s9 =	sadd.s32 s13, s9;
	s13 =	sadd.s32 s13, s10  }
.LBB2_1:
0x1c: {  	s31 =	simm.s32 $0x40;
	s10 =	simm.s32 $0x0  }
.LBB2_2:
0x1d: {  	p0 =	sne.s32 s31, $0xF9C0;
	[tilespmem:s10+$0x3E8] =	vst v0;
	s10 =	smov.u32 s31;
	s31 =	sadd.s32 $0x40, s31  }
.Ltmp0:
0x1e: {  	(pc) =	sbr.rel @p0 .LBB2_2-.Ltmp0, $2  }
0x1f: {  	_ =	sdelay $0x2  }
0x20: {  	s10 =	sshra.s32 s10, $0x2  }
0x21: {  	[tilespmem:s10+$0x3E8] =	vst v0  }
0x22: {  	[spmem:s15] =	stream.linear.scatter [tilespmem:s28], [sflag:$0x1], $0x2800, $0x38;
	[tilespmem:$0x1D268] =	vst v63  }
0x23: {  	_ =	swait.ge [sflag:s29], $0x2800  }
0x24: {  	[sflag:s29] =	ssyncset.done $0x0  }
0x25: {  	[sflag:s29] =	ssyncadd.s32 $0xFFFFD800  }
0x26: {  	[spmem:s16] =	stream.linear.scatter [tilespmem:s28], [sflag:$0x1], $0x2800, $0x38;
	[tilespmem:$0x1D268] =	vst v63  }
0x27: {  	_ =	swait.ge [sflag:s29], $0x2800  }
0x28: {  	[sflag:s29] =	ssyncset.done $0x0  }
0x29: {  	[sflag:s29] =	ssyncadd.s32 $0xFFFFD800  }
0x2a: {  	[spmem:s17] =	stream.linear.scatter [tilespmem:s28], [sflag:$0x1], $0x2800, $0x38;
	[tilespmem:$0x1D268] =	vst v63  }
0x2b: {  	_ =	swait.ge [sflag:s29], $0x2800  }
0x2c: {  	[sflag:s29] =	ssyncset.done $0x0  }
0x2d: {  	[sflag:s29] =	ssyncadd.s32 $0xFFFFD800  }
0x2e: {  	[spmem:s18] =	stream.linear.scatter [tilespmem:s28], [sflag:$0x1], $0x2800, $0x38;
	[tilespmem:$0x1D268] =	vst v63  }
0x2f: {  	_ =	swait.ge [sflag:s29], $0x2800  }
0x30: {  	[sflag:s29] =	ssyncset.done $0x0  }
0x31: {  	[sflag:s29] =	ssyncadd.s32 $0xFFFFD800  }
0x32: {  	[spmem:s19] =	stream.linear.scatter [tilespmem:s28], [sflag:$0x1], $0x2800, $0x38;
	[tilespmem:$0x1D268] =	vst v63  }
0x33: {  	_ =	swait.ge [sflag:s29], $0x2800  }
0x34: {  	[sflag:s29] =	ssyncset.done $0x0  }
0x35: {  	[sflag:s29] =	ssyncadd.s32 $0xFFFFD800  }
0x36: {  	[spmem:s20] =	stream.linear.scatter [tilespmem:s28], [sflag:$0x1], $0x2800, $0x38;
	[tilespmem:$0x1D268] =	vst v63  }
0x37: {  	_ =	swait.ge [sflag:s29], $0x2800  }
0x38: {  	[sflag:s29] =	ssyncset.done $0x0  }
0x39: {  	[sflag:s29] =	ssyncadd.s32 $0xFFFFD800  }
0x3a: {  	[spmem:s21] =	stream.linear.scatter [tilespmem:s28], [sflag:$0x1], $0x2800, $0x38;
	[tilespmem:$0x1D268] =	vst v63  }
0x3b: {  	_ =	swait.ge [sflag:s29], $0x2800  }
0x3c: {  	[sflag:s29] =	ssyncset.done $0x0  }
0x3d: {  	[sflag:s29] =	ssyncadd.s32 $0xFFFFD800  }
0x3e: {  	[spmem:s22] =	stream.linear.scatter [tilespmem:s28], [sflag:$0x1], $0x2800, $0x38;
	[tilespmem:$0x1D268] =	vst v63  }
0x3f: {  	_ =	swait.ge [sflag:s29], $0x2800  }
0x40: {  	[sflag:s29] =	ssyncset.done $0x0  }
0x41: {  	[sflag:s29] =	ssyncadd.s32 $0xFFFFD800  }
0x42: {  	[spmem:s23] =	stream.linear.scatter [tilespmem:s28], [sflag:$0x1], $0x2800, $0x38;
	[tilespmem:$0x1D268] =	vst v63  }
0x43: {  	_ =	swait.ge [sflag:s29], $0x2800  }
0x44: {  	[sflag:s29] =	ssyncset.done $0x0  }
0x45: {  	[sflag:s29] =	ssyncadd.s32 $0xFFFFD800  }
0x46: {  	[spmem:s24] =	stream.linear.scatter [tilespmem:s28], [sflag:$0x1], $0x2800, $0x38;
	[tilespmem:$0x1D268] =	vst v63  }
0x47: {  	_ =	swait.ge [sflag:s29], $0x2800  }
0x48: {  	[sflag:s29] =	ssyncset.done $0x0  }
0x49: {  	s31 =	simm.s32 $0x40;
	s10 =	simm.s32 $0x0;
	[sflag:s29] =	ssyncadd.s32 $0xFFFFD800  }
.LBB2_4:
0x4a: {  	p0 =	sne.s32 s31, $0xF9C0;
	[tilespmem:s10+$0x3E8] =	vst v1;
	s10 =	smov.u32 s31;
	s31 =	sadd.s32 $0x40, s31  }
.Ltmp1:
0x4b: {  	(pc) =	sbr.rel @p0 .LBB2_4-.Ltmp1, $2  }
0x4c: {  	_ =	sdelay $0x2  }
0x4d: {  	s10 =	sshra.s32 s10, $0x2  }
0x4e: {  	[tilespmem:s10+$0x3E8] =	vst v1  }
0x4f: {  	s2 =	sadd.s32 $0x0, s25;
	[bflag:$0x0] =	sbarrier.arrive $0xFFFF  }
0x50: {  	[tilespmem:s1], [sflag:$0x1] =	stream.linear.gather [hbm4b:s2+s1], $0x3E8, $0x38;
	[tilespmem:$0x1D268] =	vst v63  }
0x51: {  	_ =	swait.ge [sflag:s29], $0x3E8  }
0x52: {  	[sflag:s29] =	ssyncset.done $0x0  }
0x53: {  	[sflag:s29] =	ssyncadd.s32 $0xFFFFFC18  }
0x54: {  	[spmem:s12] =	stream.indirect.scatter.add.f32 [tilespmem:s28], [sflag:$0x1], $0x10, s1, s28, $0xb8;
	[tilespmem:$0x1D268] =	vst v63  }
0x55: {  	_ =	swait.ge [sflag:s29], $0x3E80  }
0x56: {  	s31 =	simm.s32 $0x7D;
	s10 =	simm.s32 $0xFA;
	[sflag:s29] =	ssyncset.done $0x0  }
.LBB2_6:
0x57: {  	s0 =	sadd.s32 s31, s25  }
0x58: {  	[sflag:s29] =	ssyncadd.s32 $0xFFFFC180;
	s31 =	smov.u32 s10;
	s2 =	sadd.s32 $0x7D, s10  }
0x59: {  	[tilespmem:s1], [sflag:$0x1] =	stream.linear.gather [hbm4b:s0+s1], $0x3E8, $0x38;
	[tilespmem:$0x1D268] =	vst v63  }
0x5a: {  	p0 =	sne.s32 s10, $0x17ED;
	_ =	swait.ge [sflag:s29], $0x3E8  }
.Ltmp2:
0x5b: {  	[sflag:s29] =	ssyncset.done $0x0;
	(pc) =	sbr.rel @p0 .LBB2_6-.Ltmp2, $4  }
0x5c: {  	[sflag:s29] =	ssyncadd.s32 $0xFFFFFC18  }
0x5d: {  	[spmem:s12] =	stream.indirect.scatter.add.f32 [tilespmem:s28], [sflag:$0x1], $0x10, s1, s28, $0xb8;
	[tilespmem:$0x1D268] =	vst v63  }
0x5e: {  	_ =	swait.ge [sflag:s29], $0x3E80  }
0x5f: {  	s10 =	smov.u32 s2;
	[sflag:s29] =	ssyncset.done $0x0  }
0x60: {  	s0 =	sadd.s32 s31, s25;
	[sflag:s29] =	ssyncadd.s32 $0xFFFFC180  }
0x61: {  	[tilespmem:s1], [sflag:$0x1] =	stream.linear.gather [hbm4b:s0+s1], $0x3E8, $0x38;
	[tilespmem:$0x1D268] =	vst v63  }
0x62: {  	_ =	swait.ge [sflag:s29], $0x3E8  }
0x63: {  	[sflag:s29] =	ssyncset.done $0x0  }
0x64: {  	[sflag:s29] =	ssyncadd.s32 $0xFFFFFC18  }
0x65: {  	[spmem:s12] =	stream.indirect.scatter.add.f32 [tilespmem:s28], [sflag:$0x1], $0x10, s1, s28, $0xb8;
	[tilespmem:$0x1D268] =	vst v63  }
0x66: {  	_ =	swait.ge [sflag:s29], $0x3E80  }
0x67: {  	[sflag:s29] =	ssyncset.done $0x0  }
0x68: {  	s10 =	stileid.u32;
	[sflag:s29] =	ssyncadd.s32 $0xFFFFC180  }
0x69: {  	s0 =	sshll.u32 s10, $0x6;
	[bflag:$0x0] =	sbarrier.arrive $0xFFFF  }
0x6a: {  	s0 =	sor.u32 $0x1C01, s0;
	s2 =	rddreg [dreg:$0x3]  }
0x6b: {  	[hbm:s2], [sflag:s0] =	dma.local [spmem:s26], $0x500  }
0x6c: {  	_ =	swait.ge [sflag:s29], $0x500  }
0x6d: {  	[sflag:s29] =	ssyncset.done $0x0  }
0x6e: {  	s31 =	sshrl.u32 s16, $0x3;
	[sflag:s29] =	ssyncadd.s32 $0xFFFFFB00  }
0x6f: {  	[hbm:s3], [sflag:s0] =	dma.local [spmem:s31], $0x500  }
0x70: {  	_ =	swait.ge [sflag:s29], $0x500  }
0x71: {  	[sflag:s29] =	ssyncset.done $0x0  }
0x72: {  	s10 =	sshrl.u32 s17, $0x3;
	[sflag:s29] =	ssyncadd.s32 $0xFFFFFB00  }
0x73: {  	[hbm:s4], [sflag:s0] =	dma.local [spmem:s10], $0x500  }
0x74: {  	_ =	swait.ge [sflag:s29], $0x500  }
0x75: {  	[sflag:s29] =	ssyncset.done $0x0  }
0x76: {  	s31 =	sshrl.u32 s18, $0x3;
	[sflag:s29] =	ssyncadd.s32 $0xFFFFFB00  }
0x77: {  	[hbm:s5], [sflag:s0] =	dma.local [spmem:s31], $0x500  }
0x78: {  	_ =	swait.ge [sflag:s29], $0x500  }
0x79: {  	[sflag:s29] =	ssyncset.done $0x0  }
0x7a: {  	s10 =	sshrl.u32 s19, $0x3;
	[sflag:s29] =	ssyncadd.s32 $0xFFFFFB00  }
0x7b: {  	[hbm:s6], [sflag:s0] =	dma.local [spmem:s10], $0x500  }
0x7c: {  	_ =	swait.ge [sflag:s29], $0x500  }
0x7d: {  	[sflag:s29] =	ssyncset.done $0x0  }
0x7e: {  	s31 =	sshrl.u32 s20, $0x3;
	[sflag:s29] =	ssyncadd.s32 $0xFFFFFB00  }
0x7f: {  	[hbm:s7], [sflag:s0] =	dma.local [spmem:s31], $0x500  }
0x80: {  	_ =	swait.ge [sflag:s29], $0x500  }
0x81: {  	[sflag:s29] =	ssyncset.done $0x0  }
0x82: {  	s10 =	sshrl.u32 s21, $0x3;
	[sflag:s29] =	ssyncadd.s32 $0xFFFFFB00  }
0x83: {  	[hbm:s8], [sflag:s0] =	dma.local [spmem:s10], $0x500  }
0x84: {  	_ =	swait.ge [sflag:s29], $0x500  }
0x85: {  	[sflag:s29] =	ssyncset.done $0x0  }
0x86: {  	s31 =	sshrl.u32 s22, $0x3;
	[sflag:s29] =	ssyncadd.s32 $0xFFFFFB00  }
0x87: {  	[hbm:s9], [sflag:s0] =	dma.local [spmem:s31], $0x500  }
0x88: {  	_ =	swait.ge [sflag:s29], $0x500  }
0x89: {  	[sflag:s29] =	ssyncset.done $0x0  }
0x8a: {  	s10 =	sshrl.u32 s23, $0x3;
	[sflag:s29] =	ssyncadd.s32 $0xFFFFFB00  }
0x8b: {  	[hbm:s11], [sflag:s0] =	dma.local [spmem:s10], $0x500  }
0x8c: {  	s30 =	sadd.s32 $0x1, s30;
	_ =	swait.ge [sflag:s29], $0x500  }
0x8d: {  	p0 =	sne.s32 s30, s14;
	[sflag:s29] =	ssyncset.done $0x0  }
.Ltmp3:
0x8e: {  	s31 =	sshrl.u32 s24, $0x3;
	[sflag:s29] =	ssyncadd.s32 $0xFFFFFB00;
	(pc) =	sbr.rel @p0 .LBB2_1-.Ltmp3, $4  }
0x8f: {  	[hbm:s13], [sflag:s0] =	dma.local [spmem:s31], $0x500  }
0x90: {  	_ =	swait.ge [sflag:s29], $0x500  }
0x91: {  	[sflag:s29] =	ssyncset.done $0x0  }
0x92: {  	[sflag:s29] =	ssyncadd.s32 $0xFFFFFB00  }
0x93: {  	_ =	sfence.sel $0x180000  }
0x94: {  	[bflag:$0x0] =	sbarrier.arrive $0xFFFF  }
0x95: {  	_ =	strace $0x90000047  }
0x96: {  	s0 =	stileid.u32;
	[bflag:$0x2] =	sbarrier.arrive $0xFFFF  }
0x97: {  	p0 =	sne.s32 s0, $0x0;
	s0 =	rddreg [dreg:$0x2]  }
0x98: {  	s0 =	sadd.s32 @!p0 $0x100000, s0  }
0x99: {  	[sflag:s0] =	ssyncadd.tile.s32 @!p0 $0x1;
	_ =	shalt  }
.Lfunc_end2:
_tile_overlayer_lowered:
.L_overlay_start_2:
0x9a: {  	(tag) =	ssettag $0x2  }
0x9b: {  	s0 =	rddreg [dreg:$0x0];
	s2 =	stileid.u32  }
0x9c: {  	s1 =	rddreg [dreg:$0x1];
	p0 =	sne.s32 s2, $0x0  }
0x9d: {  	s3 =	rddreg [dreg:$0x2];
	[bflag:$0x3] =	sbarrier.arrive $0xFFFF;
	s2 =	simm.s32 @!p0 $0x1C01  }
0x9e: {  	[timem:s3], [sflag:s2] =	dma.local @!p0 [hbm:s0], s1  }
0x9f: {  	s0 =	simm.s32 @!p0 $0x1  }
0xa0: {  	_ =	swait.ge @!p0 [sflag:s0], s1  }
0xa1: {  	s1 =	ssub.s32 @!p0 $0x0, s1;
	[sflag:s0] =	ssyncset.done @!p0 $0x0  }
0xa2: {  	[sflag:s0] =	ssyncadd.s32 @!p0 s1  }
0xa3: {  	[bflag:$0x3] =	sbarrier.arrive $0xFFFF  }
0xa4: {  	_ =	shalt  }

// kernel: kernel.14.cloned.1.call-start
scs
__scs_entry_jumppad:
0x0: {  	(pc) =	sbr.rel $0x88, $3  }
0x1: {  	(tag) =	ssettag $0x0;
	lr =	simm.s32 $0x1  }
0x2: {  	[smem:$0x3F94] =	sst lr;
	_ =	strace $0xD0000000  }
0x3: {  	_ = 	snop  }
0x4: {  	_ = 	snop  }
0x5: {  	_ = 	snop  }
0x6: {  	_ = 	snop  }
0x7: {  	_ = 	snop  }
__scs_overlays_trampoline_lowered:
0x8: {  	[smem:$0x3FA3] =	sst s0  }
0x9: {  	[smem:$0x3FA4] =	sst s1  }
0xa: {  	[smem:$0x3FA5] =	sst s2  }
0xb: {  	[smem:$0x3FA6] =	sst s3  }
0xc: {  	[smem:$0x3FA7] =	sst s4  }
0xd: {  	[smem:$0x3FA8] =	sst s5  }
0xe: {  	[smem:$0x3FA9] =	sst s6  }
0xf: {  	[smem:$0x3FAA] =	sst s7  }
0x10: {  	[smem:$0x3FAB] =	sst s8  }
0x11: {  	[smem:$0x3FAC] =	sst s9;
	s0 =	simm.s32 @!p0 $0x0  }
0x12: {  	s1 =	sld [smem:$0x3F92];
	s0 =	simm.s32 @p0 $0x1  }
0x13: {  	[smem:$0x3FAD] =	sst s0;
	s0 =	simm.s32 @!p1 $0x0  }
0x14: {  	s2 =	sld [smem:$0x3F91];
	s0 =	simm.s32 @p1 $0x1  }
0x15: {  	[smem:$0x3FAE] =	sst s0;
	s0 =	simm.s32 @!p2 $0x0  }
0x16: {  	s3 =	sld [smem:$0x3FDB];
	s0 =	simm.s32 @p2 $0x1  }
0x17: {  	s4 =	simm.s32 $0x1BF5;
	[smem:$0x3FB0] =	sst s0  }
0x18: {  	s0 =	sld [smem:$0x3F93];
	_ =	swait.ge [sflag:s4], $0x0  }
0x19: {  	s7 =	sld [smem:$0x3F94]  }
0x1a: {  	s8 =	sadd.s32 $0xFFFFE003, lr  }
0x1b: {  	s9 =	sadd.s32 $0xFFFFFEF7, lr;
	s5 =	simm.s32 $0xFFFFFFFF;
	p2 =	slt.u32 s8, $0xFFFFF086  }
0x1c: {  	p1 =	slt.u32 s9, $0xF7A;
	s5 =	simm.s32 @!p2 $0x0  }
0x1d: {  	s5 =	simm.s32 @p1 $0x1;
	p0 =	seq.s32 s7, s2  }
0x1e: {  	s7 =	smul.u32 @!p0 $0xF7A, s2;
	p2 =	seq.s32 @!p0 s5, $0x0  }
0x1f: {  	s9 =	smul.u32 $0xF7A, s1;
	s8 =	simm.s32 @!p0 $0x1BF5;
	p2 =	por !p2, p0  }
0x20: {  	[sflag:s8] =	ssyncset.s32 @!p0 $0xFFFFF086;
	s6 =	sadd.s32 @!p0 s3, s7;
	s7 =	simm.s32 @!p0 $0x108  }
0x21: {  	s3 =	sadd.s32 s3, s9;
	s6 =	sadd.s32 @!p0 $0x88, s6;
	s7 =	simm.s32 @p2 $0x1082  }
0x22: {  	[simem:s7], [sflag:s8] =	dma.local @!p0 [hbm:s6], $0xF7A  }
0x23: {  	s9 =	sor.u32 $0xD0000000, s2;
	s6 =	simm.s32 $0x108;
	_ =	swait.ge @!p0 [sflag:s8], $0x0  }
0x24: {  	s3 =	sadd.s32 $0x88, s3;
	s6 =	simm.s32 @!p1 $0x1082;
	[sflag:s4] =	ssyncset.s32 $0xFFFFF086  }
0x25: {  	[simem:s6], [sflag:s4] =	dma.local [hbm:s3], $0xF7A  }
0x26: {  	[smem:$0x3F94] =	sst s1;
	(tag) =	ssettag s2;
	_ =	strace s9  }
0x27: {  	s1 =	sld [smem:$0x3FA4]  }
0x28: {  	s2 =	sld [smem:$0x3FA5]  }
0x29: {  	s4 =	sld [smem:$0x3FA7]  }
0x2a: {  	p0 =	seq.s32 s5, $0x0;
	s5 =	sld [smem:$0x3FA8]  }
0x2b: {  	s6 =	sld [smem:$0x3FA9]  }
0x2c: {  	s7 =	sld [smem:$0x3FAA]  }
0x2d: {  	s3 =	simm.s32 $0x108;
	s8 =	sld [smem:$0x3FAB]  }
0x2e: {  	s3 =	simm.s32 @!p0 $0x1082;
	s9 =	sld [smem:$0x3FAC]  }
0x2f: {  	lr =	sadd.s32 s0, s3;
	s0 =	sld [smem:$0x3FA3]  }
0x30: {  	s3 =	sld [smem:$0x3FA6]  }
0x31: {  	[smem:$0x3FAF] =	sst s10  }
0x32: {  	s10 =	sld [smem:$0x3FAD];
	_ =	sdelay $0x3  }
0x33: {  	p0 =	seq.s32 s10, $0x1;
	s10 =	sld [smem:$0x3FAF];
	_ =	sdelay $0x3  }
0x34: {  	[smem:$0x3FAF] =	sst s10  }
0x35: {  	s10 =	sld [smem:$0x3FAE];
	_ =	sdelay $0x3  }
0x36: {  	p1 =	seq.s32 s10, $0x1;
	s10 =	sld [smem:$0x3FAF];
	_ =	sdelay $0x3  }
0x37: {  	[smem:$0x3FAF] =	sst s10  }
0x38: {  	s10 =	sld [smem:$0x3FB0]  }
0x39: {  	_ = 	snop;
	(pc) =	sbr.ind lr, $3  }
0x3a: {  	_ = 	snop  }
0x3b: {  	_ = 	snop  }
0x3c: {  	p2 =	seq.s32 s10, $0x1;
	s10 =	sld [smem:$0x3FAF]  }
0x3d: {  	_ =	shalt  }
0x3e: {  	_ =	shalt  }
0x3f: {  	_ =	shalt  }
0x40: {  	_ =	shalt  }
0x41: {  	_ =	shalt  }
0x42: {  	_ =	shalt  }
0x43: {  	_ =	shalt  }
0x44: {  	_ =	shalt  }
0x45: {  	_ =	shalt  }
0x46: {  	_ =	shalt  }
0x47: {  	_ =	shalt  }
0x48: {  	_ =	shalt  }
0x49: {  	_ =	shalt  }
0x4a: {  	_ =	shalt  }
0x4b: {  	_ =	shalt  }
0x4c: {  	_ =	shalt  }
0x4d: {  	_ =	shalt  }
0x4e: {  	_ =	shalt  }
0x4f: {  	_ =	shalt  }
0x50: {  	_ =	shalt  }
0x51: {  	_ =	shalt  }
0x52: {  	_ =	shalt  }
0x53: {  	_ =	shalt  }
0x54: {  	_ =	shalt  }
0x55: {  	_ =	shalt  }
0x56: {  	_ =	shalt  }
0x57: {  	_ =	shalt  }
0x58: {  	_ =	shalt  }
0x59: {  	_ =	shalt  }
0x5a: {  	_ =	shalt  }
0x5b: {  	_ =	shalt  }
0x5c: {  	_ =	shalt  }
0x5d: {  	_ =	shalt  }
0x5e: {  	_ =	shalt  }
0x5f: {  	_ =	shalt  }
0x60: {  	_ =	shalt  }
0x61: {  	_ =	shalt  }
0x62: {  	_ =	shalt  }
0x63: {  	_ =	shalt  }
0x64: {  	_ =	shalt  }
0x65: {  	_ =	shalt  }
0x66: {  	_ =	shalt  }
0x67: {  	_ =	shalt  }
0x68: {  	_ =	shalt  }
0x69: {  	_ =	shalt  }
0x6a: {  	_ =	shalt  }
0x6b: {  	_ =	shalt  }
0x6c: {  	_ =	shalt  }
0x6d: {  	_ =	shalt  }
0x6e: {  	_ =	shalt  }
0x6f: {  	_ =	shalt  }
0x70: {  	_ =	shalt  }
0x71: {  	_ =	shalt  }
0x72: {  	_ =	shalt  }
0x73: {  	_ =	shalt  }
0x74: {  	_ =	shalt  }
0x75: {  	_ =	shalt  }
0x76: {  	_ =	shalt  }
0x77: {  	_ =	shalt  }
0x78: {  	_ =	shalt  }
0x79: {  	_ =	shalt  }
0x7a: {  	_ =	shalt  }
0x7b: {  	_ =	shalt  }
0x7c: {  	_ =	shalt  }
0x7d: {  	_ =	shalt  }
0x7e: {  	_ =	shalt  }
0x7f: {  	_ =	shalt  }
0x80: {  	_ =	shalt  }
0x81: {  	_ =	shalt  }
0x82: {  	_ =	shalt  }
0x83: {  	_ =	shalt  }
0x84: {  	_ =	shalt  }
0x85: {  	_ =	shalt  }
0x86: {  	_ =	shalt  }
0x87: {  	_ =	shalt  }
.Lfunc_end0:
.L_simem_size_0:
called_computation.1_lowered:
.L_overlay_start_0:
0x88: {  	s2 =	sld [smem:$0x3FD9]  }
0x89: {  	s3 =	sld [smem:$0x3FFE];
	_ =	sdelay $0x1  }
0x8a: {  	s1 =	srdreg.scid  }
0x8b: {  	s0 =	sand.u32 $0x1, s1  }
0x8c: {  	s16 =	sshll.u32 s0, $0xA;
	s2 =	sadd.s32 s3, s2  }
0x8d: {  	s2 =	sadd.s32 s2, s16  }
0x8e: {  	[smem:$0x3FBB] =	sst s2  }
0x8f: {  	_ = 	snop  }
0x90: {  	(tm) =	ssettm $0x1  }
0x91: {  	s17 =	sld [smem:$0x3FFB];
	_ =	sdelay $0x3  }
0x92: {  	_ =	strace s17  }
0x93: {  	s2 =	sld [smem:$0x3FFC];
	_ =	sdelay $0x3  }
0x94: {  	_ =	strace s2  }
0x95: {  	s2 =	sld [smem:$0x3FFD];
	_ =	sdelay $0x3  }
0x96: {  	_ =	strace s2  }
0x97: {  	_ =	strace $0x8FFFFFFF  }
0x98: {  	s18 =	sld [smem:$0x3FDB];
	_ =	sdelay $0x1  }
0x99: {  	s19 =	simm.s32 $_scs_section_size  }
0x9a: {  	s4 =	simm.s32 $_size__tile_overlayer_lowered;
	s5 =	simm.s32 $_tile_overlayer_lowered  }
0x9b: {  	s22 =	simm.s32 $0x1BFF;
	s21 =	sshll.u32 s5, $0x1;
	s2 =	sadd.s32 s19, s18  }
0x9c: {  	s6 =	simm.s32 $0x0;
	s20 =	sshll.u32 s4, $0x1;
	s4 =	sadd.s32 s21, s2  }
0x9d: {  	[timem:s6], [sflag:s22] =	dma.local [hbm:s4], s20  }
0x9e: {  	_ =	swait.ge [sflag:s22], s20  }
0x9f: {  	s3 =	ssub.s32 $0x0, s20;
	[sflag:s22] =	ssyncset.done $0x0  }
0xa0: {  	[sflag:s22] =	ssyncadd.s32 s3;
	_ =	sdelay $0x1  }
0xa1: {  	s23 =	simm.s32 $0x1B8B  }
0xa2: {  	_ =	swait.ge [sflag:s23], $0x1  }
0xa3: {  	[sflag:s23] =	ssyncset.done $0x0  }
0xa4: {  	s25 =	simm.s32 $0x1B8E;
	s24 =	sld [smem:$0x3FFE];
	[sflag:s23] =	ssyncadd.s32 $0xFFFFFFFF  }
0xa5: {  	s26 =	simm.s32 $execute0_lowered;
	[smem:$0x3FD2] =	sst s25  }
0xa6: {  	s4 =	sshll.u32 s26, $0x1;
	_ =	strace $0x80000049;
	[dreg:$0x1] =	wrdreg $0xFFFFFFFF  }
0xa7: {  	s28 =	simm.s32 $_size_execute0_lowered;
	s2 =	sadd.s32 s2, s4;
	[dreg:$0x0] =	wrdreg $0x0  }
0xa8: {  	s4 =	sshll.u32 s28, $0x1;
	[dreg:$0x2] =	wrdreg s2  }
0xa9: {  	[dreg:$0x3] =	wrdreg s4  }
0xaa: {  	[dreg:$0x4] =	wrdreg $0xC0  }
0xab: {  	_ =	task [dreg:s6], $0x5FFFF  }
0xac: {  	[dreg:$0x1] =	wrdreg $0xFFFFFFFF  }
0xad: {  	[dreg:$0x0] =	wrdreg $0x60  }
0xae: {  	[dreg:$0x2] =	wrdreg s24  }
0xaf: {  	[dreg:$0x3] =	wrdreg $0x46500  }
0xb0: {  	[dreg:$0x4] =	wrdreg $0x9  }
0xb1: {  	_ =	task.clear_ibuf [dreg:s6], $0x5FFFF;
	_ =	strace $0x90000049  }
0xb2: {  	s29 =	simm.s32 $0x9;
	_ =	strace $0x8000004B  }
0xb3: {  	_ =	swait.ge [sflag:s29], $0x1  }
0xb4: {  	[sflag:s29] =	ssyncadd.s32 $0xFFFFFFFF  }
0xb5: {  	_ =	strace $0x9000004B  }
0xb6: {  	_ =	sfence  }
0xb7: {  	s30 =	sld [smem:$0x0];
	_ =	sdelay $0x2  }
0xb8: {  	s31 =	sshll.u32 s1, $0xD;
	s1 =	sshrl.u32 s1, $0x2  }
0xb9: {  	s3 =	sand.u32 $0x4000, s31;
	s1 =	sadd.s32 s1, s30  }
0xba: {  	s0 =	sor.u32 s3, s0;
	s1 =	sshll.u32 s1, $0x11  }
0xbb: {  	s0 =	sor.u32 s1, s0  }
0xbc: {  	s0 =	sadd.s32 $0x8F2B, s0  }
0xbd: {  	[sflag:s0] =	ssyncadd.remote.s32 $0x1  }
0xbe: {  	_ =	sfence.sel $0xFFFF  }
0xbf: {  	[dreg:$0x0] =	wrdreg $0xFFFFFFFF;
	(pc) =	sbr.abs _section_cstart, $3  }
0xc0: {  	[dreg:$0x1] =	wrdreg $0xFFFFFFFF  }
0xc1: {  	_ =	task.clear_ibuf [dreg:s6], $0x2FFFF;
	_ =	strace $0x9FFFFFFF  }
0xc2: {  	(tm) =	ssettm $0x7FFFFFFF  }
0xc3: {  	_ =	shalt  }
tec
execute0_lowered:
.L_overlay_start_1:
0x0: {  	(tag) =	ssettag $0x1  }
0x1: {  	s24 =	stileid.u32  }
0x2: {  	s0 =	srdreg.scid;
	s7 =	smul.u32 $0x19000, s24  }
0x3: {  	s12 =	sand.u32 $0x1, s0;
	s22 =	smul.u32 $0xC350, s24  }
0x4: {  	s0 =	rddreg [dreg:$0x0];
	s13 =	smul.u32 $0x190000, s12;
	s1 =	ssub.s32 $0x2, s12  }
0x5: {  	s14 =	sadd.s32 $0x161600, s0;
	s16 =	sadd.s32 $0xFD600, s0;
	s12 =	smul.u32 $0xC3500, s12  }
0x6: {  	s28 =	sadd.s32 $0x99600, s0;
	s3 =	sshrl.u32 s1, $0x1;
	s4 =	sadd.s32 $0x7800, s7  }
0x7: {  	s5 =	sadd.s32 $0xA000, s7;
	s6 =	sadd.s32 $0xC800, s7;
	s8 =	sadd.s32 $0xF000, s7  }
0x8: {  	s9 =	sadd.s32 $0x11800, s7;
	s10 =	sadd.s32 $0x14000, s7;
	s2 =	sadd.s32 s13, s7  }
0x9: {  	s1 =	ssub.s32 s1, s3;
	s3 =	sadd.s32 $0x5000, s7;
	s18 =	sadd.s32 s13, s4  }
0xa: {  	s19 =	sadd.s32 s13, s5;
	s20 =	sadd.s32 s13, s6;
	s15 =	sshrl.u32 s2, $0x3  }
0xb: {  	s12 =	sadd.s32 s22, s12;
	s26 =	sadd.s32 s13, s9;
	s2 =	sadd.s32 s14, s15  }
0xc: {  	s18 =	sshrl.u32 s18, $0x3;
	s15 =	sadd.s32 s16, s15;
	[dreg:$0x3] =	wrdreg s2  }
0xd: {  	s19 =	sshrl.u32 s19, $0x3;
	s30 =	sadd.s32 s16, s18;
	[dreg:$0x4] =	wrdreg s15  }
0xe: {  	s20 =	sshrl.u32 s20, $0x3;
	s31 =	sadd.s32 s16, s19;
	[dreg:$0x7] =	wrdreg s30  }
0xf: {  	s22 =	sshrl.u32 s26, $0x3;
	s26 =	sadd.s32 s16, s20;
	[dreg:$0x8] =	wrdreg s31  }
0x10: {  	s23 =	sadd.s32 s13, s10;
	s18 =	sadd.s32 s14, s18;
	[dreg:$0x9] =	wrdreg s26  }
0x11: {  	s17 =	sadd.s32 s13, s3;
	s19 =	sadd.s32 s14, s19;
	[dreg:$0x10] =	wrdreg s18  }
0x12: {  	s17 =	sshrl.u32 s17, $0x3;
	s20 =	sadd.s32 s14, s20;
	[dreg:$0x11] =	wrdreg s19  }
0x13: {  	s23 =	sshrl.u32 s23, $0x3;
	s29 =	sadd.s32 s16, s17;
	[dreg:$0x12] =	wrdreg s20  }
0x14: {  	s31 =	sadd.s32 s16, s23;
	s26 =	sadd.s32 s14, s23;
	s23 =	rddreg [dreg:$0x1]  }
0x15: {  	s21 =	sadd.s32 s13, s8;
	s30 =	sadd.s32 s16, s22;
	[dreg:$0x6] =	wrdreg s29  }
0x16: {  	s11 =	sadd.s32 $0x16800, s7;
	s21 =	sshrl.u32 s21, $0x3;
	[dreg:$0xb] =	wrdreg s30  }
0x17: {  	s2 =	sadd.s32 $0x2800, s7;
	s17 =	sadd.s32 s14, s17;
	[dreg:$0xc] =	wrdreg s31  }
0x18: {  	s25 =	sadd.s32 s13, s2;
	s13 =	sadd.s32 s13, s11;
	[dreg:$0xf] =	wrdreg s17  }
0x19: {  	s29 =	sadd.s32 s16, s21;
	s21 =	sadd.s32 s14, s21;
	[dreg:$0x15] =	wrdreg s26  }
0x1a: {  	s30 =	sadd.s32 $0x5A00, s0;
	s31 =	smul.u32 $0x64000, s24;
	s26 =	sadd.s32 $0x67600, s0  }
0x1b: {  	s17 =	smax.u32 s1, $0x1;
	s2 =	sadd.s32 s2, s23;
	[dreg:$0xa] =	wrdreg s29  }
0x1c: {  	s15 =	sshrl.u32 s25, $0x3;
	[dreg:$0x13] =	wrdreg s21;
	s21 =	simm.s32 $0x0  }
0x1d: {  	s13 =	sshrl.u32 s13, $0x3;
	s25 =	sadd.s32 s16, s15;
	[smem:$0x7FF] =	sst s21  }
0x1e: {  	s18 =	sadd.s32 s3, s23;
	s16 =	sadd.s32 s16, s13;
	[dreg:$0x5] =	wrdreg s25  }
0x1f: {  	s19 =	sadd.s32 s4, s23;
	s15 =	sadd.s32 s14, s15;
	[dreg:$0xd] =	wrdreg s16  }
0x20: {  	s20 =	sadd.s32 s5, s23;
	s13 =	sadd.s32 s14, s13;
	[dreg:$0xe] =	wrdreg s15  }
0x21: {  	s5 =	sadd.s32 s10, s23;
	s25 =	sadd.s32 s14, s22;
	[dreg:$0x16] =	wrdreg s13  }
0x22: {  	s10 =	simm.s32 $0x3E8;
	s29 =	sadd.s32 $0x186A00, s12;
	[dreg:$0x14] =	wrdreg s25  }
0x23: {  	s12 =	sshrl.u32 s12, $0x3;
	_ =	strace $0x8000004A;
	[dreg:$0x17] =	wrdreg s17  }
0x24: {  	s24 =	sadd.s32 s12, s30;
	s12 =	simm.s32 $0x0;
	[dreg:$0x18] =	wrdreg s18  }
0x25: {  	s13 =	sshrl.u32 s29, $0x3;
	s16 =	sshrl.u32 s31, $0x2;
	[dreg:$0x19] =	wrdreg s19  }
0x26: {  	s22 =	sadd.s32 s6, s23;
	s29 =	sadd.s32 s8, s23;
	[dreg:$0x1a] =	wrdreg s20  }
0x27: {  	s6 =	sadd.s32 s11, s23;
	s31 =	sadd.s32 s7, s23;
	[dreg:$0x1b] =	wrdreg s22  }
0x28: {  	s25 =	sadd.s32 s13, s30;
	s30 =	sadd.s32 s9, s23;
	[dreg:$0x1c] =	wrdreg s29  }
0x29: {  	s8 =	simm.s32 $0x7D0;
	s11 =	simm.s32 $0x1;
	[dreg:$0x1d] =	wrdreg s30  }
0x2a: {  	v0 =	vimm.f32 $0.0e+00;
	s1 =	sadd.s32 s16, s23;
	s9 =	simm.s32 $0x2;
	[dreg:$0x1e] =	wrdreg s31  }
.LBB2_1:
0x2b: {  	s7 =	simm.s32 $0x40;
	s13 =	simm.s32 $0x0  }
.LBB2_2:
0x2c: {  	p0 =	sne.s32 s7, $0xF9C0;
	[tilespmem:s13+$0x7D0] =	vst v0;
	s13 =	smov.u32 s7;
	s7 =	sadd.s32 $0x40, s7  }
.Ltmp0:
0x2d: {  	(pc) =	sbr.rel @p0 .LBB2_2-.Ltmp0, $2  }
0x2e: {  	_ =	sdelay $0x2  }
0x2f: {  	s13 =	sshra.s32 s13, $0x2  }
0x30: {  	[tilespmem:s13+$0x7D0] =	vst v0  }
0x31: {  	[spmem:s1] =	stream.linear.scatter [tilespmem:s8], [sflag:$0x2], $0x2800, $0x38;
	[tilespmem:$0x1D650] =	vst v63  }
0x32: {  	_ =	swait.ge [sflag:s9], $0x2800  }
0x33: {  	[sflag:s9] =	ssyncset.done $0x0  }
0x34: {  	[sflag:s9] =	ssyncadd.s32 $0xFFFFD800  }
0x35: {  	[spmem:s2] =	stream.linear.scatter [tilespmem:s8], [sflag:$0x2], $0x2800, $0x38;
	[tilespmem:$0x1D650] =	vst v63  }
0x36: {  	_ =	swait.ge [sflag:s9], $0x2800  }
0x37: {  	[sflag:s9] =	ssyncset.done $0x0  }
0x38: {  	s0 =	rddreg [dreg:$0x18];
	[sflag:s9] =	ssyncadd.s32 $0xFFFFD800  }
0x39: {  	[spmem:s0] =	stream.linear.scatter [tilespmem:s8], [sflag:$0x2], $0x2800, $0x38;
	[tilespmem:$0x1D650] =	vst v63  }
0x3a: {  	_ =	swait.ge [sflag:s9], $0x2800  }
0x3b: {  	[sflag:s9] =	ssyncset.done $0x0  }
0x3c: {  	s19 =	rddreg [dreg:$0x19];
	[sflag:s9] =	ssyncadd.s32 $0xFFFFD800  }
0x3d: {  	[spmem:s19] =	stream.linear.scatter [tilespmem:s8], [sflag:$0x2], $0x2800, $0x38;
	[tilespmem:$0x1D650] =	vst v63  }
0x3e: {  	_ =	swait.ge [sflag:s9], $0x2800  }
0x3f: {  	[sflag:s9] =	ssyncset.done $0x0  }
0x40: {  	s20 =	rddreg [dreg:$0x1a];
	[sflag:s9] =	ssyncadd.s32 $0xFFFFD800  }
0x41: {  	[spmem:s20] =	stream.linear.scatter [tilespmem:s8], [sflag:$0x2], $0x2800, $0x38;
	[tilespmem:$0x1D650] =	vst v63  }
0x42: {  	_ =	swait.ge [sflag:s9], $0x2800  }
0x43: {  	[sflag:s9] =	ssyncset.done $0x0  }
0x44: {  	s22 =	rddreg [dreg:$0x1b];
	[sflag:s9] =	ssyncadd.s32 $0xFFFFD800  }
0x45: {  	[spmem:s22] =	stream.linear.scatter [tilespmem:s8], [sflag:$0x2], $0x2800, $0x38;
	[tilespmem:$0x1D650] =	vst v63  }
0x46: {  	_ =	swait.ge [sflag:s9], $0x2800  }
0x47: {  	[sflag:s9] =	ssyncset.done $0x0  }
0x48: {  	s29 =	rddreg [dreg:$0x1c];
	[sflag:s9] =	ssyncadd.s32 $0xFFFFD800  }
0x49: {  	[spmem:s29] =	stream.linear.scatter [tilespmem:s8], [sflag:$0x2], $0x2800, $0x38;
	[tilespmem:$0x1D650] =	vst v63  }
0x4a: {  	_ =	swait.ge [sflag:s9], $0x2800  }
0x4b: {  	[sflag:s9] =	ssyncset.done $0x0  }
0x4c: {  	s30 =	rddreg [dreg:$0x1d];
	[sflag:s9] =	ssyncadd.s32 $0xFFFFD800  }
0x4d: {  	[spmem:s30] =	stream.linear.scatter [tilespmem:s8], [sflag:$0x2], $0x2800, $0x38;
	[tilespmem:$0x1D650] =	vst v63  }
0x4e: {  	_ =	swait.ge [sflag:s9], $0x2800  }
0x4f: {  	[sflag:s9] =	ssyncset.done $0x0  }
0x50: {  	[sflag:s9] =	ssyncadd.s32 $0xFFFFD800  }
0x51: {  	[spmem:s5] =	stream.linear.scatter [tilespmem:s8], [sflag:$0x2], $0x2800, $0x38;
	[tilespmem:$0x1D650] =	vst v63  }
0x52: {  	_ =	swait.ge [sflag:s9], $0x2800  }
0x53: {  	[sflag:s9] =	ssyncset.done $0x0  }
0x54: {  	[sflag:s9] =	ssyncadd.s32 $0xFFFFD800  }
0x55: {  	[spmem:s6] =	stream.linear.scatter [tilespmem:s8], [sflag:$0x2], $0x2800, $0x38;
	[tilespmem:$0x1D650] =	vst v63  }
0x56: {  	_ =	swait.ge [sflag:s9], $0x2800  }
0x57: {  	[sflag:s9] =	ssyncset.done $0x0  }
0x58: {  	[sflag:s9] =	ssyncadd.s32 $0xFFFFD800  }
0x59: {  	s7 =	sadd.s32 $0x0, s24;
	[bflag:$0x0] =	sbarrier.arrive $0xFFFF  }
0x5a: {  	[tilespmem:s21], [sflag:$0x2] =	stream.linear.gather [hbm4b:s7+s21], $0x3E8, $0x38;
	[tilespmem:$0x1D650] =	vst v63  }
0x5b: {  	_ =	swait.ge [sflag:s9], $0x3E8  }
0x5c: {  	[sflag:s9] =	ssyncset.done $0x0  }
0x5d: {  	s31 =	sadd.s32 $0x0, s25;
	[sflag:s9] =	ssyncadd.s32 $0xFFFFFC18  }
0x5e: {  	[tilespmem:s10], [sflag:$0x2] =	stream.linear.gather [hbm4b:s31+s21], $0x3E8, $0x38;
	[tilespmem:$0x1D650] =	vst v63  }
0x5f: {  	_ =	swait.ge [sflag:s9], $0x3E8  }
0x60: {  	[sflag:s9] =	ssyncset.done $0x0  }
0x61: {  	[sflag:s9] =	ssyncadd.s32 $0xFFFFFC18  }
0x62: {  	[tilespmem:s8], [sflag:$0x1] =	stream.indirect.gather [hbm4b:s26+s10], $0x10, s21, s10, $0xb8;
	[tilespmem:$0x1D650] =	vst v63  }
0x63: {  	_ =	swait.ge [sflag:s11], $0x3E80  }
0x64: {  	[sflag:s11] =	ssyncset.done $0x0  }
0x65: {  	[sflag:s11] =	ssyncadd.s32 $0xFFFFC180  }
0x66: {  	[spmem:s23] =	stream.indirect.scatter.add.f32 [tilespmem:s8], [sflag:$0x2], $0x10, s10, s10, $0xb8;
	[tilespmem:$0x1D650] =	vst v63  }
0x67: {  	_ =	swait.ge [sflag:s9], $0x3E80  }
0x68: {  	s13 =	simm.s32 $0xFA;
	s7 =	simm.s32 $0x7D;
	[sflag:s9] =	ssyncset.done $0x0  }
.LBB2_4:
0x69: {  	s14 =	sadd.s32 s7, s24  }
0x6a: {  	[sflag:s9] =	ssyncadd.s32 $0xFFFFC180;
	s15 =	smov.u32 s13;
	s16 =	sadd.s32 $0x7D, s13  }
0x6b: {  	[tilespmem:s21], [sflag:$0x2] =	stream.linear.gather [hbm4b:s14+s21], $0x3E8, $0x38;
	[tilespmem:$0x1D650] =	vst v63  }
0x6c: {  	p0 =	sne.s32 s13, $0x17ED;
	_ =	swait.ge [sflag:s9], $0x3E8  }
0x6d: {  	[sflag:s9] =	ssyncset.done $0x0  }
0x6e: {  	s13 =	sadd.s32 s7, s25;
	s7 =	smov.u32 s15;
	[sflag:s9] =	ssyncadd.s32 $0xFFFFFC18  }
0x6f: {  	[tilespmem:s10], [sflag:$0x2] =	stream.linear.gather [hbm4b:s13+s21], $0x3E8, $0x38;
	[tilespmem:$0x1D650] =	vst v63  }
0x70: {  	_ =	swait.ge [sflag:s9], $0x3E8  }
0x71: {  	[sflag:s9] =	ssyncset.done $0x0  }
0x72: {  	[sflag:s9] =	ssyncadd.s32 $0xFFFFFC18  }
0x73: {  	[tilespmem:s8], [sflag:$0x1] =	stream.indirect.gather [hbm4b:s26+s10], $0x10, s21, s10, $0xb8;
	[tilespmem:$0x1D650] =	vst v63  }
0x74: {  	_ =	swait.ge [sflag:s11], $0x3E80  }
.Ltmp1:
0x75: {  	[sflag:s11] =	ssyncset.done $0x0;
	(pc) =	sbr.rel @p0 .LBB2_4-.Ltmp1, $4  }
0x76: {  	[sflag:s11] =	ssyncadd.s32 $0xFFFFC180  }
0x77: {  	[spmem:s23] =	stream.indirect.scatter.add.f32 [tilespmem:s8], [sflag:$0x2], $0x10, s10, s10, $0xb8;
	[tilespmem:$0x1D650] =	vst v63  }
0x78: {  	_ =	swait.ge [sflag:s9], $0x3E80  }
0x79: {  	s13 =	smov.u32 s16;
	[sflag:s9] =	ssyncset.done $0x0  }
0x7a: {  	s13 =	sadd.s32 s7, s24;
	[sflag:s9] =	ssyncadd.s32 $0xFFFFC180  }
0x7b: {  	[tilespmem:s21], [sflag:$0x2] =	stream.linear.gather [hbm4b:s13+s21], $0x3E8, $0x38;
	[tilespmem:$0x1D650] =	vst v63  }
0x7c: {  	_ =	swait.ge [sflag:s9], $0x3E8  }
0x7d: {  	[sflag:s9] =	ssyncset.done $0x0  }
0x7e: {  	s18 =	sadd.s32 s7, s25;
	[sflag:s9] =	ssyncadd.s32 $0xFFFFFC18  }
0x7f: {  	[tilespmem:s10], [sflag:$0x2] =	stream.linear.gather [hbm4b:s18+s21], $0x3E8, $0x38;
	[tilespmem:$0x1D650] =	vst v63  }
0x80: {  	_ =	swait.ge [sflag:s9], $0x3E8  }
0x81: {  	[sflag:s9] =	ssyncset.done $0x0  }
0x82: {  	[sflag:s9] =	ssyncadd.s32 $0xFFFFFC18  }
0x83: {  	[tilespmem:s8], [sflag:$0x1] =	stream.indirect.gather [hbm4b:s26+s10], $0x10, s21, s10, $0xb8;
	[tilespmem:$0x1D650] =	vst v63  }
0x84: {  	_ =	swait.ge [sflag:s11], $0x3E80  }
0x85: {  	[sflag:s11] =	ssyncset.done $0x0  }
0x86: {  	[sflag:s11] =	ssyncadd.s32 $0xFFFFC180  }
0x87: {  	[spmem:s23] =	stream.indirect.scatter.add.f32 [tilespmem:s8], [sflag:$0x2], $0x10, s10, s10, $0xb8;
	[tilespmem:$0x1D650] =	vst v63  }
0x88: {  	_ =	swait.ge [sflag:s9], $0x3E80  }
0x89: {  	[sflag:s9] =	ssyncset.done $0x0  }
0x8a: {  	[sflag:s9] =	ssyncadd.s32 $0xFFFFC180  }
0x8b: {  	s0 =	stileid.u32;
	[bflag:$0x0] =	sbarrier.arrive $0xFFFF  }
0x8c: {  	s19 =	sshll.u32 s0, $0x6;
	s20 =	rddreg [dreg:$0x1e]  }
0x8d: {  	s13 =	sor.u32 $0x1C02, s19;
	s22 =	rddreg [dreg:$0x4];
	s14 =	sshrl.u32 s20, $0x3  }
0x8e: {  	[hbm:s22], [sflag:s13] =	dma.local [spmem:s14], $0x500  }
0x8f: {  	_ =	swait.ge [sflag:s9], $0x500  }
0x90: {  	[sflag:s9] =	ssyncset.done $0x0  }
0x91: {  	s15 =	sshrl.u32 s2, $0x3;
	s3 =	rddreg [dreg:$0x5];
	[sflag:s9] =	ssyncadd.s32 $0xFFFFFB00  }
0x92: {  	[hbm:s3], [sflag:s13] =	dma.local [spmem:s15], $0x500  }
0x93: {  	_ =	swait.ge [sflag:s9], $0x500  }
0x94: {  	[sflag:s9] =	ssyncset.done $0x0;
	s4 =	rddreg [dreg:$0x18]  }
0x95: {  	s7 =	rddreg [dreg:$0x6];
	[sflag:s9] =	ssyncadd.s32 $0xFFFFFB00;
	s16 =	sshrl.u32 s4, $0x3  }
0x96: {  	[hbm:s7], [sflag:s13] =	dma.local [spmem:s16], $0x500  }
0x97: {  	_ =	swait.ge [sflag:s9], $0x500  }
0x98: {  	[sflag:s9] =	ssyncset.done $0x0;
	s17 =	rddreg [dreg:$0x19]  }
0x99: {  	s18 =	rddreg [dreg:$0x7];
	[sflag:s9] =	ssyncadd.s32 $0xFFFFFB00;
	s17 =	sshrl.u32 s17, $0x3  }
0x9a: {  	[hbm:s18], [sflag:s13] =	dma.local [spmem:s17], $0x500  }
0x9b: {  	_ =	swait.ge [sflag:s9], $0x500  }
0x9c: {  	[sflag:s9] =	ssyncset.done $0x0;
	s19 =	rddreg [dreg:$0x1a]  }
0x9d: {  	s20 =	rddreg [dreg:$0x8];
	[sflag:s9] =	ssyncadd.s32 $0xFFFFFB00;
	s18 =	sshrl.u32 s19, $0x3  }
0x9e: {  	[hbm:s20], [sflag:s13] =	dma.local [spmem:s18], $0x500  }
0x9f: {  	_ =	swait.ge [sflag:s9], $0x500  }
0xa0: {  	[sflag:s9] =	ssyncset.done $0x0;
	s22 =	rddreg [dreg:$0x1b]  }
0xa1: {  	s3 =	rddreg [dreg:$0x9];
	[sflag:s9] =	ssyncadd.s32 $0xFFFFFB00;
	s19 =	sshrl.u32 s22, $0x3  }
0xa2: {  	[hbm:s3], [sflag:s13] =	dma.local [spmem:s19], $0x500  }
0xa3: {  	_ =	swait.ge [sflag:s9], $0x500  }
0xa4: {  	[sflag:s9] =	ssyncset.done $0x0;
	s4 =	rddreg [dreg:$0x1c]  }
0xa5: {  	s7 =	rddreg [dreg:$0xa];
	[sflag:s9] =	ssyncadd.s32 $0xFFFFFB00;
	s20 =	sshrl.u32 s4, $0x3  }
0xa6: {  	[hbm:s7], [sflag:s13] =	dma.local [spmem:s20], $0x500  }
0xa7: {  	_ =	swait.ge [sflag:s9], $0x500  }
0xa8: {  	[sflag:s9] =	ssyncset.done $0x0;
	s22 =	rddreg [dreg:$0x1d]  }
0xa9: {  	s3 =	rddreg [dreg:$0xb];
	[sflag:s9] =	ssyncadd.s32 $0xFFFFFB00;
	s29 =	sshrl.u32 s22, $0x3  }
0xaa: {  	[hbm:s3], [sflag:s13] =	dma.local [spmem:s29], $0x500  }
0xab: {  	_ =	swait.ge [sflag:s9], $0x500  }
0xac: {  	[sflag:s9] =	ssyncset.done $0x0  }
0xad: {  	s7 =	sshrl.u32 s5, $0x3;
	s4 =	rddreg [dreg:$0xc];
	[sflag:s9] =	ssyncadd.s32 $0xFFFFFB00  }
0xae: {  	[hbm:s4], [sflag:s13] =	dma.local [spmem:s7], $0x500  }
0xaf: {  	_ =	swait.ge [sflag:s9], $0x500  }
0xb0: {  	[sflag:s9] =	ssyncset.done $0x0  }
0xb1: {  	s30 =	sshrl.u32 s6, $0x3;
	s22 =	rddreg [dreg:$0xd];
	[sflag:s9] =	ssyncadd.s32 $0xFFFFFB00  }
0xb2: {  	[hbm:s22], [sflag:s13] =	dma.local [spmem:s30], $0x500  }
0xb3: {  	_ =	swait.ge [sflag:s9], $0x500  }
0xb4: {  	[sflag:s9] =	ssyncset.done $0x0  }
0xb5: {  	s31 =	simm.s32 $0x40;
	s22 =	simm.s32 $0x0;
	[sflag:s9] =	ssyncadd.s32 $0xFFFFFB00  }
.LBB2_6:
0xb6: {  	p0 =	seq.s32 s31, $0xF9C0;
	[tilespmem:s22+$0x7D0] =	vst v0;
	s22 =	smov.u32 s31;
	s31 =	sadd.s32 $0x40, s31  }
.Ltmp2:
0xb7: {  	(pc) =	sbr.rel @!p0 .LBB2_6-.Ltmp2, $2  }
0xb8: {  	_ =	sdelay $0x2  }
0xb9: {  	s22 =	sshra.s32 s22, $0x2  }
0xba: {  	[tilespmem:s22+$0x7D0] =	vst v0  }
0xbb: {  	[spmem:s1] =	stream.linear.scatter [tilespmem:s8], [sflag:$0x2], $0x2800, $0x38;
	[tilespmem:$0x1D650] =	vst v63  }
0xbc: {  	_ =	swait.ge [sflag:s9], $0x2800  }
0xbd: {  	[sflag:s9] =	ssyncset.done $0x0  }
0xbe: {  	[sflag:s9] =	ssyncadd.s32 $0xFFFFD800  }
0xbf: {  	[spmem:s2] =	stream.linear.scatter [tilespmem:s8], [sflag:$0x2], $0x2800, $0x38;
	[tilespmem:$0x1D650] =	vst v63  }
0xc0: {  	_ =	swait.ge [sflag:s9], $0x2800  }
0xc1: {  	[sflag:s9] =	ssyncset.done $0x0  }
0xc2: {  	s0 =	rddreg [dreg:$0x18];
	[sflag:s9] =	ssyncadd.s32 $0xFFFFD800  }
0xc3: {  	[spmem:s0] =	stream.linear.scatter [tilespmem:s8], [sflag:$0x2], $0x2800, $0x38;
	[tilespmem:$0x1D650] =	vst v63  }
0xc4: {  	_ =	swait.ge [sflag:s9], $0x2800  }
0xc5: {  	[sflag:s9] =	ssyncset.done $0x0  }
0xc6: {  	s4 =	rddreg [dreg:$0x19];
	[sflag:s9] =	ssyncadd.s32 $0xFFFFD800  }
0xc7: {  	[spmem:s4] =	stream.linear.scatter [tilespmem:s8], [sflag:$0x2], $0x2800, $0x38;
	[tilespmem:$0x1D650] =	vst v63  }
0xc8: {  	_ =	swait.ge [sflag:s9], $0x2800  }
0xc9: {  	[sflag:s9] =	ssyncset.done $0x0  }
0xca: {  	s22 =	rddreg [dreg:$0x1a];
	[sflag:s9] =	ssyncadd.s32 $0xFFFFD800  }
0xcb: {  	[spmem:s22] =	stream.linear.scatter [tilespmem:s8], [sflag:$0x2], $0x2800, $0x38;
	[tilespmem:$0x1D650] =	vst v63  }
0xcc: {  	_ =	swait.ge [sflag:s9], $0x2800  }
0xcd: {  	[sflag:s9] =	ssyncset.done $0x0  }
0xce: {  	s3 =	rddreg [dreg:$0x1b];
	[sflag:s9] =	ssyncadd.s32 $0xFFFFD800  }
0xcf: {  	[spmem:s3] =	stream.linear.scatter [tilespmem:s8], [sflag:$0x2], $0x2800, $0x38;
	[tilespmem:$0x1D650] =	vst v63  }
0xd0: {  	_ =	swait.ge [sflag:s9], $0x2800  }
0xd1: {  	[sflag:s9] =	ssyncset.done $0x0  }
0xd2: {  	s4 =	rddreg [dreg:$0x1c];
	[sflag:s9] =	ssyncadd.s32 $0xFFFFD800  }
0xd3: {  	[spmem:s4] =	stream.linear.scatter [tilespmem:s8], [sflag:$0x2], $0x2800, $0x38;
	[tilespmem:$0x1D650] =	vst v63  }
0xd4: {  	_ =	swait.ge [sflag:s9], $0x2800  }
0xd5: {  	[sflag:s9] =	ssyncset.done $0x0  }
0xd6: {  	s22 =	rddreg [dreg:$0x1d];
	[sflag:s9] =	ssyncadd.s32 $0xFFFFD800  }
0xd7: {  	[spmem:s22] =	stream.linear.scatter [tilespmem:s8], [sflag:$0x2], $0x2800, $0x38;
	[tilespmem:$0x1D650] =	vst v63  }
0xd8: {  	_ =	swait.ge [sflag:s9], $0x2800  }
0xd9: {  	[sflag:s9] =	ssyncset.done $0x0  }
0xda: {  	[sflag:s9] =	ssyncadd.s32 $0xFFFFD800  }
0xdb: {  	[spmem:s5] =	stream.linear.scatter [tilespmem:s8], [sflag:$0x2], $0x2800, $0x38;
	[tilespmem:$0x1D650] =	vst v63  }
0xdc: {  	_ =	swait.ge [sflag:s9], $0x2800  }
0xdd: {  	[sflag:s9] =	ssyncset.done $0x0  }
0xde: {  	[sflag:s9] =	ssyncadd.s32 $0xFFFFD800  }
0xdf: {  	[spmem:s6] =	stream.linear.scatter [tilespmem:s8], [sflag:$0x2], $0x2800, $0x38;
	[tilespmem:$0x1D650] =	vst v63  }
0xe0: {  	_ =	swait.ge [sflag:s9], $0x2800  }
0xe1: {  	[sflag:s9] =	ssyncset.done $0x0  }
0xe2: {  	[sflag:s9] =	ssyncadd.s32 $0xFFFFD800  }
0xe3: {  	s3 =	smov.u32 s1;
	s1 =	sadd.s32 $0x0, s24;
	[bflag:$0x0] =	sbarrier.arrive $0xFFFF  }
0xe4: {  	[tilespmem:s21], [sflag:$0x2] =	stream.linear.gather [hbm4b:s1+s21], $0x3E8, $0x38;
	[tilespmem:$0x1D650] =	vst v63  }
0xe5: {  	_ =	swait.ge [sflag:s9], $0x3E8  }
0xe6: {  	[sflag:s9] =	ssyncset.done $0x0  }
0xe7: {  	s4 =	smov.u32 s2;
	s2 =	sadd.s32 $0x0, s25;
	[sflag:s9] =	ssyncadd.s32 $0xFFFFFC18  }
0xe8: {  	[tilespmem:s10], [sflag:$0x2] =	stream.linear.gather [hbm4b:s2+s21], $0x3E8, $0x38;
	[tilespmem:$0x1D650] =	vst v63  }
0xe9: {  	_ =	swait.ge [sflag:s9], $0x3E8  }
0xea: {  	[sflag:s9] =	ssyncset.done $0x0  }
0xeb: {  	[sflag:s9] =	ssyncadd.s32 $0xFFFFFC18  }
0xec: {  	[tilespmem:s8], [sflag:$0x1] =	stream.indirect.gather [hbm4b:s28+s10], $0x10, s21, s10, $0xb8;
	[tilespmem:$0x1D650] =	vst v63  }
0xed: {  	_ =	swait.ge [sflag:s11], $0x3E80  }
0xee: {  	[sflag:s11] =	ssyncset.done $0x0  }
0xef: {  	[sflag:s11] =	ssyncadd.s32 $0xFFFFC180  }
0xf0: {  	[spmem:s23] =	stream.indirect.scatter.add.f32 [tilespmem:s8], [sflag:$0x2], $0x10, s10, s10, $0xb8;
	[tilespmem:$0x1D650] =	vst v63  }
0xf1: {  	_ =	swait.ge [sflag:s9], $0x3E80  }
0xf2: {  	s31 =	simm.s32 $0x7D;
	s22 =	simm.s32 $0xFA;
	[sflag:s9] =	ssyncset.done $0x0  }
.LBB2_8:
0xf3: {  	s0 =	sadd.s32 s31, s24  }
0xf4: {  	[sflag:s9] =	ssyncadd.s32 $0xFFFFC180;
	s1 =	smov.u32 s22;
	s2 =	sadd.s32 $0x7D, s22  }
0xf5: {  	[tilespmem:s21], [sflag:$0x2] =	stream.linear.gather [hbm4b:s0+s21], $0x3E8, $0x38;
	[tilespmem:$0x1D650] =	vst v63  }
0xf6: {  	p0 =	sne.s32 s22, $0x17ED;
	_ =	swait.ge [sflag:s9], $0x3E8  }
0xf7: {  	[sflag:s9] =	ssyncset.done $0x0  }
0xf8: {  	s0 =	sadd.s32 s31, s25;
	s31 =	smov.u32 s1;
	[sflag:s9] =	ssyncadd.s32 $0xFFFFFC18  }
0xf9: {  	[tilespmem:s10], [sflag:$0x2] =	stream.linear.gather [hbm4b:s0+s21], $0x3E8, $0x38;
	[tilespmem:$0x1D650] =	vst v63  }
0xfa: {  	_ =	swait.ge [sflag:s9], $0x3E8  }
0xfb: {  	[sflag:s9] =	ssyncset.done $0x0  }
0xfc: {  	[sflag:s9] =	ssyncadd.s32 $0xFFFFFC18  }
0xfd: {  	[tilespmem:s8], [sflag:$0x1] =	stream.indirect.gather [hbm4b:s28+s10], $0x10, s21, s10, $0xb8;
	[tilespmem:$0x1D650] =	vst v63  }
0xfe: {  	_ =	swait.ge [sflag:s11], $0x3E80  }
.Ltmp3:
0xff: {  	[sflag:s11] =	ssyncset.done $0x0;
	(pc) =	sbr.rel @p0 .LBB2_8-.Ltmp3, $4  }
0x100: {  	[sflag:s11] =	ssyncadd.s32 $0xFFFFC180  }
0x101: {  	[spmem:s23] =	stream.indirect.scatter.add.f32 [tilespmem:s8], [sflag:$0x2], $0x10, s10, s10, $0xb8;
	[tilespmem:$0x1D650] =	vst v63  }
0x102: {  	_ =	swait.ge [sflag:s9], $0x3E80  }
0x103: {  	s22 =	smov.u32 s2;
	[sflag:s9] =	ssyncset.done $0x0  }
0x104: {  	s0 =	sadd.s32 s31, s24;
	[sflag:s9] =	ssyncadd.s32 $0xFFFFC180  }
0x105: {  	[tilespmem:s21], [sflag:$0x2] =	stream.linear.gather [hbm4b:s0+s21], $0x3E8, $0x38;
	[tilespmem:$0x1D650] =	vst v63  }
0x106: {  	_ =	swait.ge [sflag:s9], $0x3E8  }
0x107: {  	[sflag:s9] =	ssyncset.done $0x0  }
0x108: {  	s1 =	sadd.s32 s31, s25;
	[sflag:s9] =	ssyncadd.s32 $0xFFFFFC18  }
0x109: {  	[tilespmem:s10], [sflag:$0x2] =	stream.linear.gather [hbm4b:s1+s21], $0x3E8, $0x38;
	[tilespmem:$0x1D650] =	vst v63  }
0x10a: {  	_ =	swait.ge [sflag:s9], $0x3E8  }
0x10b: {  	[sflag:s9] =	ssyncset.done $0x0  }
0x10c: {  	[sflag:s9] =	ssyncadd.s32 $0xFFFFFC18  }
0x10d: {  	[tilespmem:s8], [sflag:$0x1] =	stream.indirect.gather [hbm4b:s28+s10], $0x10, s21, s10, $0xb8;
	[tilespmem:$0x1D650] =	vst v63  }
0x10e: {  	_ =	swait.ge [sflag:s11], $0x3E80  }
0x10f: {  	[sflag:s11] =	ssyncset.done $0x0  }
0x110: {  	[sflag:s11] =	ssyncadd.s32 $0xFFFFC180  }
0x111: {  	[spmem:s23] =	stream.indirect.scatter.add.f32 [tilespmem:s8], [sflag:$0x2], $0x10, s10, s10, $0xb8;
	[tilespmem:$0x1D650] =	vst v63  }
0x112: {  	_ =	swait.ge [sflag:s9], $0x3E80  }
0x113: {  	[sflag:s9] =	ssyncset.done $0x0  }
0x114: {  	[sflag:s9] =	ssyncadd.s32 $0xFFFFC180  }
0x115: {  	[bflag:$0x0] =	sbarrier.arrive $0xFFFF  }
0x116: {  	s2 =	rddreg [dreg:$0x3]  }
0x117: {  	[hbm:s2], [sflag:s13] =	dma.local [spmem:s14], $0x500  }
0x118: {  	_ =	swait.ge [sflag:s9], $0x500  }
0x119: {  	[sflag:s9] =	ssyncset.done $0x0  }
0x11a: {  	s14 =	rddreg [dreg:$0xe];
	[sflag:s9] =	ssyncadd.s32 $0xFFFFFB00  }
0x11b: {  	[hbm:s14], [sflag:s13] =	dma.local [spmem:s15], $0x500  }
0x11c: {  	_ =	swait.ge [sflag:s9], $0x500  }
0x11d: {  	[sflag:s9] =	ssyncset.done $0x0  }
0x11e: {  	s15 =	rddreg [dreg:$0xf];
	[sflag:s9] =	ssyncadd.s32 $0xFFFFFB00  }
0x11f: {  	[hbm:s15], [sflag:s13] =	dma.local [spmem:s16], $0x500  }
0x120: {  	_ =	swait.ge [sflag:s9], $0x500  }
0x121: {  	[sflag:s9] =	ssyncset.done $0x0  }
0x122: {  	s16 =	rddreg [dreg:$0x10];
	[sflag:s9] =	ssyncadd.s32 $0xFFFFFB00  }
0x123: {  	[hbm:s16], [sflag:s13] =	dma.local [spmem:s17], $0x500  }
0x124: {  	_ =	swait.ge [sflag:s9], $0x500  }
0x125: {  	[sflag:s9] =	ssyncset.done $0x0  }
0x126: {  	s17 =	rddreg [dreg:$0x11];
	[sflag:s9] =	ssyncadd.s32 $0xFFFFFB00  }
0x127: {  	[hbm:s17], [sflag:s13] =	dma.local [spmem:s18], $0x500  }
0x128: {  	_ =	swait.ge [sflag:s9], $0x500  }
0x129: {  	[sflag:s9] =	ssyncset.done $0x0  }
0x12a: {  	s18 =	rddreg [dreg:$0x12];
	[sflag:s9] =	ssyncadd.s32 $0xFFFFFB00  }
0x12b: {  	[hbm:s18], [sflag:s13] =	dma.local [spmem:s19], $0x500  }
0x12c: {  	_ =	swait.ge [sflag:s9], $0x500  }
0x12d: {  	[sflag:s9] =	ssyncset.done $0x0  }
0x12e: {  	s19 =	rddreg [dreg:$0x13];
	[sflag:s9] =	ssyncadd.s32 $0xFFFFFB00  }
0x12f: {  	[hbm:s19], [sflag:s13] =	dma.local [spmem:s20], $0x500  }
0x130: {  	_ =	swait.ge [sflag:s9], $0x500  }
0x131: {  	[sflag:s9] =	ssyncset.done $0x0  }
0x132: {  	s20 =	rddreg [dreg:$0x14];
	[sflag:s9] =	ssyncadd.s32 $0xFFFFFB00  }
0x133: {  	[hbm:s20], [sflag:s13] =	dma.local [spmem:s29], $0x500  }
0x134: {  	_ =	swait.ge [sflag:s9], $0x500  }
0x135: {  	[sflag:s9] =	ssyncset.done $0x0  }
0x136: {  	s22 =	rddreg [dreg:$0x15];
	[sflag:s9] =	ssyncadd.s32 $0xFFFFFB00  }
0x137: {  	[hbm:s22], [sflag:s13] =	dma.local [spmem:s7], $0x500  }
0x138: {  	_ =	swait.ge [sflag:s9], $0x500  }
0x139: {  	[sflag:s9] =	ssyncset.done $0x0  }
0x13a: {  	s29 =	rddreg [dreg:$0x16];
	[sflag:s9] =	ssyncadd.s32 $0xFFFFFB00  }
0x13b: {  	[hbm:s29], [sflag:s13] =	dma.local [spmem:s30], $0x500  }
0x13c: {  	_ =	swait.ge [sflag:s9], $0x500  }
0x13d: {  	s12 =	sadd.s32 $0x1, s12;
	s31 =	rddreg [dreg:$0x17]  }
0x13e: {  	p0 =	sne.s32 s12, s31  }
.Ltmp4:
0x13f: {  	_ = 	snop;
	(pc) =	sbr.rel @p0 .LBB2_1-.Ltmp4, $3  }
0x140: {  	_ =	sdelay $0x1  }
0x141: {  	[sflag:s9] =	ssyncset.done $0x0  }
0x142: {  	s1 =	smov.u32 s3;
	s2 =	smov.u32 s4;
	[sflag:s9] =	ssyncadd.s32 $0xFFFFFB00  }
0x143: {  	_ =	sfence.sel $0x180000  }
0x144: {  	[bflag:$0x0] =	sbarrier.arrive $0xFFFF  }
0x145: {  	_ =	strace $0x9000004A  }
0x146: {  	s0 =	stileid.u32;
	[bflag:$0x2] =	sbarrier.arrive $0xFFFF  }
0x147: {  	p0 =	sne.s32 s0, $0x0;
	s0 =	rddreg [dreg:$0x2]  }
0x148: {  	s0 =	sadd.s32 @!p0 $0x100000, s0  }
0x149: {  	[sflag:s0] =	ssyncadd.tile.s32 @!p0 $0x1;
	_ =	shalt  }
.Lfunc_end2:
_tile_overlayer_lowered:
.L_overlay_start_2:
0x14a: {  	(tag) =	ssettag $0x2  }
0x14b: {  	s0 =	rddreg [dreg:$0x0];
	s2 =	stileid.u32  }
0x14c: {  	s1 =	rddreg [dreg:$0x1];
	p0 =	sne.s32 s2, $0x0  }
0x14d: {  	s3 =	rddreg [dreg:$0x2];
	[bflag:$0x3] =	sbarrier.arrive $0xFFFF;
	s2 =	simm.s32 @!p0 $0x1C02  }
0x14e: {  	[timem:s3], [sflag:s2] =	dma.local @!p0 [hbm:s0], s1  }
0x14f: {  	s0 =	simm.s32 @!p0 $0x2  }
0x150: {  	_ =	swait.ge @!p0 [sflag:s0], s1  }
0x151: {  	s1 =	ssub.s32 @!p0 $0x0, s1;
	[sflag:s0] =	ssyncset.done @!p0 $0x0  }
0x152: {  	[sflag:s0] =	ssyncadd.s32 @!p0 s1  }
0x153: {  	[bflag:$0x3] =	sbarrier.arrive $0xFFFF  }
0x154: {  	_ =	shalt  }

// kernel: kernel.17.cloned.1.call-start
scs
__scs_entry_jumppad:
0x0: {  	(pc) =	sbr.rel $0x88, $3  }
0x1: {  	(tag) =	ssettag $0x0;
	lr =	simm.s32 $0x1  }
0x2: {  	[smem:$0x3F94] =	sst lr;
	_ =	strace $0xD0000000  }
0x3: {  	_ = 	snop  }
0x4: {  	_ = 	snop  }
0x5: {  	_ = 	snop  }
0x6: {  	_ = 	snop  }
0x7: {  	_ = 	snop  }
__scs_overlays_trampoline_lowered:
0x8: {  	[smem:$0x3FA3] =	sst s0  }
0x9: {  	[smem:$0x3FA4] =	sst s1  }
0xa: {  	[smem:$0x3FA5] =	sst s2  }
0xb: {  	[smem:$0x3FA6] =	sst s3  }
0xc: {  	[smem:$0x3FA7] =	sst s4  }
0xd: {  	[smem:$0x3FA8] =	sst s5  }
0xe: {  	[smem:$0x3FA9] =	sst s6  }
0xf: {  	[smem:$0x3FAA] =	sst s7  }
0x10: {  	[smem:$0x3FAB] =	sst s8  }
0x11: {  	[smem:$0x3FAC] =	sst s9;
	s0 =	simm.s32 @!p0 $0x0  }
0x12: {  	s1 =	sld [smem:$0x3F92];
	s0 =	simm.s32 @p0 $0x1  }
0x13: {  	[smem:$0x3FAD] =	sst s0;
	s0 =	simm.s32 @!p1 $0x0  }
0x14: {  	s2 =	sld [smem:$0x3F91];
	s0 =	simm.s32 @p1 $0x1  }
0x15: {  	[smem:$0x3FAE] =	sst s0;
	s0 =	simm.s32 @!p2 $0x0  }
0x16: {  	s3 =	sld [smem:$0x3FDB];
	s0 =	simm.s32 @p2 $0x1  }
0x17: {  	s4 =	simm.s32 $0x1BF5;
	[smem:$0x3FB0] =	sst s0  }
0x18: {  	s0 =	sld [smem:$0x3F93];
	_ =	swait.ge [sflag:s4], $0x0  }
0x19: {  	s7 =	sld [smem:$0x3F94]  }
0x1a: {  	s8 =	sadd.s32 $0xFFFFE003, lr  }
0x1b: {  	s9 =	sadd.s32 $0xFFFFFEF7, lr;
	s5 =	simm.s32 $0xFFFFFFFF;
	p2 =	slt.u32 s8, $0xFFFFF086  }
0x1c: {  	p1 =	slt.u32 s9, $0xF7A;
	s5 =	simm.s32 @!p2 $0x0  }
0x1d: {  	s5 =	simm.s32 @p1 $0x1;
	p0 =	seq.s32 s7, s2  }
0x1e: {  	s7 =	smul.u32 @!p0 $0xF7A, s2;
	p2 =	seq.s32 @!p0 s5, $0x0  }
0x1f: {  	s9 =	smul.u32 $0xF7A, s1;
	s8 =	simm.s32 @!p0 $0x1BF5;
	p2 =	por !p2, p0  }
0x20: {  	[sflag:s8] =	ssyncset.s32 @!p0 $0xFFFFF086;
	s6 =	sadd.s32 @!p0 s3, s7;
	s7 =	simm.s32 @!p0 $0x108  }
0x21: {  	s3 =	sadd.s32 s3, s9;
	s6 =	sadd.s32 @!p0 $0x88, s6;
	s7 =	simm.s32 @p2 $0x1082  }
0x22: {  	[simem:s7], [sflag:s8] =	dma.local @!p0 [hbm:s6], $0xF7A  }
0x23: {  	s9 =	sor.u32 $0xD0000000, s2;
	s6 =	simm.s32 $0x108;
	_ =	swait.ge @!p0 [sflag:s8], $0x0  }
0x24: {  	s3 =	sadd.s32 $0x88, s3;
	s6 =	simm.s32 @!p1 $0x1082;
	[sflag:s4] =	ssyncset.s32 $0xFFFFF086  }
0x25: {  	[simem:s6], [sflag:s4] =	dma.local [hbm:s3], $0xF7A  }
0x26: {  	[smem:$0x3F94] =	sst s1;
	(tag) =	ssettag s2;
	_ =	strace s9  }
0x27: {  	s1 =	sld [smem:$0x3FA4]  }
0x28: {  	s2 =	sld [smem:$0x3FA5]  }
0x29: {  	s4 =	sld [smem:$0x3FA7]  }
0x2a: {  	p0 =	seq.s32 s5, $0x0;
	s5 =	sld [smem:$0x3FA8]  }
0x2b: {  	s6 =	sld [smem:$0x3FA9]  }
0x2c: {  	s7 =	sld [smem:$0x3FAA]  }
0x2d: {  	s3 =	simm.s32 $0x108;
	s8 =	sld [smem:$0x3FAB]  }
0x2e: {  	s3 =	simm.s32 @!p0 $0x1082;
	s9 =	sld [smem:$0x3FAC]  }
0x2f: {  	lr =	sadd.s32 s0, s3;
	s0 =	sld [smem:$0x3FA3]  }
0x30: {  	s3 =	sld [smem:$0x3FA6]  }
0x31: {  	[smem:$0x3FAF] =	sst s10  }
0x32: {  	s10 =	sld [smem:$0x3FAD];
	_ =	sdelay $0x3  }
0x33: {  	p0 =	seq.s32 s10, $0x1;
	s10 =	sld [smem:$0x3FAF];
	_ =	sdelay $0x3  }
0x34: {  	[smem:$0x3FAF] =	sst s10  }
0x35: {  	s10 =	sld [smem:$0x3FAE];
	_ =	sdelay $0x3  }
0x36: {  	p1 =	seq.s32 s10, $0x1;
	s10 =	sld [smem:$0x3FAF];
	_ =	sdelay $0x3  }
0x37: {  	[smem:$0x3FAF] =	sst s10  }
0x38: {  	s10 =	sld [smem:$0x3FB0]  }
0x39: {  	_ = 	snop;
	(pc) =	sbr.ind lr, $3  }
0x3a: {  	_ = 	snop  }
0x3b: {  	_ = 	snop  }
0x3c: {  	p2 =	seq.s32 s10, $0x1;
	s10 =	sld [smem:$0x3FAF]  }
0x3d: {  	_ =	shalt  }
0x3e: {  	_ =	shalt  }
0x3f: {  	_ =	shalt  }
0x40: {  	_ =	shalt  }
0x41: {  	_ =	shalt  }
0x42: {  	_ =	shalt  }
0x43: {  	_ =	shalt  }
0x44: {  	_ =	shalt  }
0x45: {  	_ =	shalt  }
0x46: {  	_ =	shalt  }
0x47: {  	_ =	shalt  }
0x48: {  	_ =	shalt  }
0x49: {  	_ =	shalt  }
0x4a: {  	_ =	shalt  }
0x4b: {  	_ =	shalt  }
0x4c: {  	_ =	shalt  }
0x4d: {  	_ =	shalt  }
0x4e: {  	_ =	shalt  }
0x4f: {  	_ =	shalt  }
0x50: {  	_ =	shalt  }
0x51: {  	_ =	shalt  }
0x52: {  	_ =	shalt  }
0x53: {  	_ =	shalt  }
0x54: {  	_ =	shalt  }
0x55: {  	_ =	shalt  }
0x56: {  	_ =	shalt  }
0x57: {  	_ =	shalt  }
0x58: {  	_ =	shalt  }
0x59: {  	_ =	shalt  }
0x5a: {  	_ =	shalt  }
0x5b: {  	_ =	shalt  }
0x5c: {  	_ =	shalt  }
0x5d: {  	_ =	shalt  }
0x5e: {  	_ =	shalt  }
0x5f: {  	_ =	shalt  }
0x60: {  	_ =	shalt  }
0x61: {  	_ =	shalt  }
0x62: {  	_ =	shalt  }
0x63: {  	_ =	shalt  }
0x64: {  	_ =	shalt  }
0x65: {  	_ =	shalt  }
0x66: {  	_ =	shalt  }
0x67: {  	_ =	shalt  }
0x68: {  	_ =	shalt  }
0x69: {  	_ =	shalt  }
0x6a: {  	_ =	shalt  }
0x6b: {  	_ =	shalt  }
0x6c: {  	_ =	shalt  }
0x6d: {  	_ =	shalt  }
0x6e: {  	_ =	shalt  }
0x6f: {  	_ =	shalt  }
0x70: {  	_ =	shalt  }
0x71: {  	_ =	shalt  }
0x72: {  	_ =	shalt  }
0x73: {  	_ =	shalt  }
0x74: {  	_ =	shalt  }
0x75: {  	_ =	shalt  }
0x76: {  	_ =	shalt  }
0x77: {  	_ =	shalt  }
0x78: {  	_ =	shalt  }
0x79: {  	_ =	shalt  }
0x7a: {  	_ =	shalt  }
0x7b: {  	_ =	shalt  }
0x7c: {  	_ =	shalt  }
0x7d: {  	_ =	shalt  }
0x7e: {  	_ =	shalt  }
0x7f: {  	_ =	shalt  }
0x80: {  	_ =	shalt  }
0x81: {  	_ =	shalt  }
0x82: {  	_ =	shalt  }
0x83: {  	_ =	shalt  }
0x84: {  	_ =	shalt  }
0x85: {  	_ =	shalt  }
0x86: {  	_ =	shalt  }
0x87: {  	_ =	shalt  }
.Lfunc_end0:
.L_simem_size_0:
called_computation.2_lowered:
.L_overlay_start_0:
0x88: {  	s2 =	sld [smem:$0x3FD9]  }
0x89: {  	s3 =	sld [smem:$0x3FFE];
	_ =	sdelay $0x1  }
0x8a: {  	s1 =	srdreg.scid  }
0x8b: {  	s0 =	sand.u32 $0x1, s1  }
0x8c: {  	s16 =	sshll.u32 s0, $0xA;
	s2 =	sadd.s32 s3, s2  }
0x8d: {  	s2 =	sadd.s32 s2, s16  }
0x8e: {  	[smem:$0x3FBB] =	sst s2  }
0x8f: {  	_ = 	snop  }
0x90: {  	(tm) =	ssettm $0x1  }
0x91: {  	s17 =	sld [smem:$0x3FFB];
	_ =	sdelay $0x3  }
0x92: {  	_ =	strace s17  }
0x93: {  	s2 =	sld [smem:$0x3FFC];
	_ =	sdelay $0x3  }
0x94: {  	_ =	strace s2  }
0x95: {  	s2 =	sld [smem:$0x3FFD];
	_ =	sdelay $0x3  }
0x96: {  	_ =	strace s2  }
0x97: {  	_ =	strace $0x8FFFFFFF  }
0x98: {  	s18 =	sld [smem:$0x3FDB];
	_ =	sdelay $0x1  }
0x99: {  	s19 =	simm.s32 $_scs_section_size  }
0x9a: {  	s4 =	simm.s32 $_size__tile_overlayer_lowered;
	s5 =	simm.s32 $_tile_overlayer_lowered  }
0x9b: {  	s22 =	simm.s32 $0x1BFF;
	s21 =	sshll.u32 s5, $0x1;
	s2 =	sadd.s32 s19, s18  }
0x9c: {  	s6 =	simm.s32 $0x0;
	s20 =	sshll.u32 s4, $0x1;
	s4 =	sadd.s32 s21, s2  }
0x9d: {  	[timem:s6], [sflag:s22] =	dma.local [hbm:s4], s20  }
0x9e: {  	_ =	swait.ge [sflag:s22], s20  }
0x9f: {  	s3 =	ssub.s32 $0x0, s20;
	[sflag:s22] =	ssyncset.done $0x0  }
0xa0: {  	[sflag:s22] =	ssyncadd.s32 s3;
	_ =	sdelay $0x1  }
0xa1: {  	s23 =	simm.s32 $0x1B8B  }
0xa2: {  	_ =	swait.ge [sflag:s23], $0x1  }
0xa3: {  	[sflag:s23] =	ssyncset.done $0x0  }
0xa4: {  	s25 =	simm.s32 $0x1B8E;
	s24 =	sld [smem:$0x3FFE];
	[sflag:s23] =	ssyncadd.s32 $0xFFFFFFFF  }
0xa5: {  	s26 =	simm.s32 $execute0_lowered;
	[smem:$0x3FD2] =	sst s25  }
0xa6: {  	s4 =	sshll.u32 s26, $0x1;
	_ =	strace $0x8000004C;
	[dreg:$0x1] =	wrdreg $0xFFFFFFFF  }
0xa7: {  	s28 =	simm.s32 $_size_execute0_lowered;
	s2 =	sadd.s32 s2, s4;
	[dreg:$0x0] =	wrdreg $0x0  }
0xa8: {  	s4 =	sshll.u32 s28, $0x1;
	[dreg:$0x2] =	wrdreg s2  }
0xa9: {  	[dreg:$0x3] =	wrdreg s4  }
0xaa: {  	[dreg:$0x4] =	wrdreg $0xC0  }
0xab: {  	_ =	task [dreg:s6], $0x5FFFF  }
0xac: {  	[dreg:$0x1] =	wrdreg $0xFFFFFFFF  }
0xad: {  	[dreg:$0x0] =	wrdreg $0x60  }
0xae: {  	[dreg:$0x2] =	wrdreg s24  }
0xaf: {  	[dreg:$0x3] =	wrdreg $0x46500  }
0xb0: {  	[dreg:$0x4] =	wrdreg $0x9  }
0xb1: {  	_ =	task.clear_ibuf [dreg:s6], $0x5FFFF;
	_ =	strace $0x9000004C  }
0xb2: {  	s29 =	simm.s32 $0x9;
	_ =	strace $0x8000004E  }
0xb3: {  	_ =	swait.ge [sflag:s29], $0x1  }
0xb4: {  	[sflag:s29] =	ssyncadd.s32 $0xFFFFFFFF  }
0xb5: {  	_ =	strace $0x9000004E  }
0xb6: {  	_ =	sfence  }
0xb7: {  	s30 =	sld [smem:$0x0];
	_ =	sdelay $0x2  }
0xb8: {  	s31 =	sshll.u32 s1, $0xD;
	s1 =	sshrl.u32 s1, $0x2  }
0xb9: {  	s3 =	sand.u32 $0x4000, s31;
	s1 =	sadd.s32 s1, s30  }
0xba: {  	s0 =	sor.u32 s3, s0;
	s1 =	sshll.u32 s1, $0x11  }
0xbb: {  	s0 =	sor.u32 s1, s0  }
0xbc: {  	s0 =	sadd.s32 $0x8F2B, s0  }
0xbd: {  	[sflag:s0] =	ssyncadd.remote.s32 $0x1  }
0xbe: {  	_ =	sfence.sel $0xFFFF  }
0xbf: {  	[dreg:$0x0] =	wrdreg $0xFFFFFFFF;
	(pc) =	sbr.abs _section_cstart, $3  }
0xc0: {  	[dreg:$0x1] =	wrdreg $0xFFFFFFFF  }
0xc1: {  	_ =	task.clear_ibuf [dreg:s6], $0x2FFFF;
	_ =	strace $0x9FFFFFFF  }
0xc2: {  	(tm) =	ssettm $0x7FFFFFFF  }
0xc3: {  	_ =	shalt  }
tec
execute0_lowered:
.L_overlay_start_1:
0x0: {  	(tag) =	ssettag $0x1  }
0x1: {  	s0 =	srdreg.scid;
	s14 =	stileid.u32  }
0x2: {  	s4 =	rddreg [dreg:$0x0];
	s1 =	simm.s32 $0x0;
	s30 =	simm.s32 $0x7D0  }
0x3: {  	s31 =	simm.s32 $0x2;
	s2 =	sand.u32 $0x1, s0;
	s0 =	smul.u32 $0x19000, s14  }
0x4: {  	s11 =	sadd.s32 $0xFD600, s4;
	s3 =	smul.u32 $0x190000, s2;
	s5 =	ssub.s32 $0x2, s2  }
0x5: {  	[smem:$0x7FF] =	sst s1;
	s2 =	smul.u32 $0xC3500, s2;
	s7 =	sshrl.u32 s5, $0x1  }
0x6: {  	s19 =	sadd.s32 $0x2800, s0;
	s20 =	sadd.s32 $0x5000, s0;
	s21 =	sadd.s32 $0x7800, s0  }
0x7: {  	s22 =	sadd.s32 $0xA000, s0;
	s23 =	sadd.s32 $0xC800, s0;
	s24 =	sadd.s32 $0xF000, s0  }
0x8: {  	s25 =	sadd.s32 $0x11800, s0;
	s26 =	sadd.s32 $0x14000, s0;
	s28 =	sadd.s32 $0x16800, s0  }
0x9: {  	s6 =	sadd.s32 s3, s0;
	s12 =	ssub.s32 s5, s7;
	s15 =	sadd.s32 s3, s19  }
0xa: {  	s16 =	sadd.s32 s3, s20;
	s17 =	sadd.s32 s3, s21;
	s6 =	sshrl.u32 s6, $0x3  }
0xb: {  	s18 =	sadd.s32 s3, s22;
	s5 =	sshrl.u32 s15, $0x3;
	s13 =	sadd.s32 s11, s6  }
0xc: {  	s9 =	sshrl.u32 s18, $0x3;
	s5 =	sadd.s32 s11, s5;
	[dreg:$0x3] =	wrdreg s13  }
0xd: {  	s8 =	sshrl.u32 s17, $0x3;
	s10 =	sadd.s32 s11, s9;
	[dreg:$0x4] =	wrdreg s5  }
0xe: {  	s9 =	sadd.s32 s3, s25;
	s5 =	sshrl.u32 s16, $0x3;
	[dreg:$0x7] =	wrdreg s10  }
0xf: {  	s13 =	sadd.s32 s3, s23;
	s10 =	smul.u32 $0xC350, s14;
	s9 =	sshrl.u32 s9, $0x3  }
0x10: {  	s5 =	sadd.s32 s11, s5;
	s7 =	sshrl.u32 s13, $0x3;
	s13 =	rddreg [dreg:$0x1]  }
0x11: {  	s16 =	sadd.s32 s3, s26;
	s9 =	sadd.s32 s11, s9;
	[dreg:$0x5] =	wrdreg s5  }
0x12: {  	s5 =	sadd.s32 s11, s8;
	s8 =	sadd.s32 s3, s24;
	s15 =	sadd.s32 s11, s7  }
0x13: {  	s2 =	sadd.s32 s10, s2;
	s3 =	sadd.s32 s3, s28;
	s10 =	sshrl.u32 s16, $0x3  }
0x14: {  	s16 =	sadd.s32 $0x67600, s4;
	s19 =	sadd.s32 s19, s13;
	s20 =	sadd.s32 s20, s13  }
0x15: {  	s21 =	sadd.s32 s21, s13;
	s22 =	sadd.s32 s22, s13;
	s23 =	sadd.s32 s23, s13  }
0x16: {  	s24 =	sadd.s32 s24, s13;
	s25 =	sadd.s32 s25, s13;
	s26 =	sadd.s32 s26, s13  }
0x17: {  	s28 =	sadd.s32 s28, s13;
	s0 =	sadd.s32 s0, s13;
	[dreg:$0x6] =	wrdreg s5  }
0x18: {  	s8 =	sshrl.u32 s8, $0x3;
	[dreg:$0x8] =	wrdreg s15;
	s3 =	sshrl.u32 s3, $0x3  }
0x19: {  	s10 =	sadd.s32 s11, s10;
	s17 =	sadd.s32 $0x186A00, s2;
	s2 =	sshrl.u32 s2, $0x3  }
0x1a: {  	s15 =	sadd.s32 $0x5A00, s4;
	s29 =	sshrl.u32 s0, $0x3;
	s8 =	sadd.s32 s11, s8  }
0x1b: {  	s11 =	sadd.s32 s11, s3;
	s3 =	sshrl.u32 s17, $0x3;
	s17 =	smul.u32 $0x64000, s14  }
0x1c: {  	s0 =	simm.s32 $0x1;
	s14 =	sadd.s32 s2, s15;
	_ =	strace $0x8000004D  }
0x1d: {  	s2 =	simm.s32 $0x0;
	s15 =	sadd.s32 s3, s15;
	s18 =	sshrl.u32 s17, $0x2  }
0x1e: {  	v0 =	vimm.f32 $0.0e+00;
	s17 =	smax.u32 s12, $0x1;
	s12 =	simm.s32 $0x3E8;
	s18 =	sadd.s32 s18, s13  }
.LBB2_1:
0x1f: {  	s3 =	simm.s32 $0x40;
	s4 =	simm.s32 $0x0  }
.LBB2_2:
0x20: {  	p0 =	sne.s32 s3, $0xF9C0;
	[tilespmem:s4+$0x7D0] =	vst v0;
	s4 =	smov.u32 s3;
	s3 =	sadd.s32 $0x40, s3  }
.Ltmp0:
0x21: {  	(pc) =	sbr.rel @p0 .LBB2_2-.Ltmp0, $2  }
0x22: {  	_ =	sdelay $0x2  }
0x23: {  	s4 =	sshra.s32 s4, $0x2  }
0x24: {  	[tilespmem:s4+$0x7D0] =	vst v0  }
0x25: {  	[spmem:s18] =	stream.linear.scatter [tilespmem:s30], [sflag:$0x2], $0x2800, $0x38;
	[tilespmem:$0x1D650] =	vst v63  }
0x26: {  	_ =	swait.ge [sflag:s31], $0x2800  }
0x27: {  	[sflag:s31] =	ssyncset.done $0x0  }
0x28: {  	[sflag:s31] =	ssyncadd.s32 $0xFFFFD800  }
0x29: {  	[spmem:s19] =	stream.linear.scatter [tilespmem:s30], [sflag:$0x2], $0x2800, $0x38;
	[tilespmem:$0x1D650] =	vst v63  }
0x2a: {  	_ =	swait.ge [sflag:s31], $0x2800  }
0x2b: {  	[sflag:s31] =	ssyncset.done $0x0  }
0x2c: {  	[sflag:s31] =	ssyncadd.s32 $0xFFFFD800  }
0x2d: {  	[spmem:s20] =	stream.linear.scatter [tilespmem:s30], [sflag:$0x2], $0x2800, $0x38;
	[tilespmem:$0x1D650] =	vst v63  }
0x2e: {  	_ =	swait.ge [sflag:s31], $0x2800  }
0x2f: {  	[sflag:s31] =	ssyncset.done $0x0  }
0x30: {  	[sflag:s31] =	ssyncadd.s32 $0xFFFFD800  }
0x31: {  	[spmem:s21] =	stream.linear.scatter [tilespmem:s30], [sflag:$0x2], $0x2800, $0x38;
	[tilespmem:$0x1D650] =	vst v63  }
0x32: {  	_ =	swait.ge [sflag:s31], $0x2800  }
0x33: {  	[sflag:s31] =	ssyncset.done $0x0  }
0x34: {  	[sflag:s31] =	ssyncadd.s32 $0xFFFFD800  }
0x35: {  	[spmem:s22] =	stream.linear.scatter [tilespmem:s30], [sflag:$0x2], $0x2800, $0x38;
	[tilespmem:$0x1D650] =	vst v63  }
0x36: {  	_ =	swait.ge [sflag:s31], $0x2800  }
0x37: {  	[sflag:s31] =	ssyncset.done $0x0  }
0x38: {  	[sflag:s31] =	ssyncadd.s32 $0xFFFFD800  }
0x39: {  	[spmem:s23] =	stream.linear.scatter [tilespmem:s30], [sflag:$0x2], $0x2800, $0x38;
	[tilespmem:$0x1D650] =	vst v63  }
0x3a: {  	_ =	swait.ge [sflag:s31], $0x2800  }
0x3b: {  	[sflag:s31] =	ssyncset.done $0x0  }
0x3c: {  	[sflag:s31] =	ssyncadd.s32 $0xFFFFD800  }
0x3d: {  	[spmem:s24] =	stream.linear.scatter [tilespmem:s30], [sflag:$0x2], $0x2800, $0x38;
	[tilespmem:$0x1D650] =	vst v63  }
0x3e: {  	_ =	swait.ge [sflag:s31], $0x2800  }
0x3f: {  	[sflag:s31] =	ssyncset.done $0x0  }
0x40: {  	[sflag:s31] =	ssyncadd.s32 $0xFFFFD800  }
0x41: {  	[spmem:s25] =	stream.linear.scatter [tilespmem:s30], [sflag:$0x2], $0x2800, $0x38;
	[tilespmem:$0x1D650] =	vst v63  }
0x42: {  	_ =	swait.ge [sflag:s31], $0x2800  }
0x43: {  	[sflag:s31] =	ssyncset.done $0x0  }
0x44: {  	[sflag:s31] =	ssyncadd.s32 $0xFFFFD800  }
0x45: {  	[spmem:s26] =	stream.linear.scatter [tilespmem:s30], [sflag:$0x2], $0x2800, $0x38;
	[tilespmem:$0x1D650] =	vst v63  }
0x46: {  	_ =	swait.ge [sflag:s31], $0x2800  }
0x47: {  	[sflag:s31] =	ssyncset.done $0x0  }
0x48: {  	[sflag:s31] =	ssyncadd.s32 $0xFFFFD800  }
0x49: {  	[spmem:s28] =	stream.linear.scatter [tilespmem:s30], [sflag:$0x2], $0x2800, $0x38;
	[tilespmem:$0x1D650] =	vst v63  }
0x4a: {  	_ =	swait.ge [sflag:s31], $0x2800  }
0x4b: {  	[sflag:s31] =	ssyncset.done $0x0  }
0x4c: {  	[sflag:s31] =	ssyncadd.s32 $0xFFFFD800  }
0x4d: {  	s3 =	sadd.s32 $0x0, s14;
	[bflag:$0x0] =	sbarrier.arrive $0xFFFF  }
0x4e: {  	[tilespmem:s1], [sflag:$0x2] =	stream.linear.gather [hbm4b:s3+s1], $0x3E8, $0x38;
	[tilespmem:$0x1D650] =	vst v63  }
0x4f: {  	_ =	swait.ge [sflag:s31], $0x3E8  }
0x50: {  	[sflag:s31] =	ssyncset.done $0x0  }
0x51: {  	s7 =	sadd.s32 $0x0, s15;
	[sflag:s31] =	ssyncadd.s32 $0xFFFFFC18  }
0x52: {  	[tilespmem:s12], [sflag:$0x2] =	stream.linear.gather [hbm4b:s7+s1], $0x3E8, $0x38;
	[tilespmem:$0x1D650] =	vst v63  }
0x53: {  	_ =	swait.ge [sflag:s31], $0x3E8  }
0x54: {  	[sflag:s31] =	ssyncset.done $0x0  }
0x55: {  	[sflag:s31] =	ssyncadd.s32 $0xFFFFFC18  }
0x56: {  	[tilespmem:s30], [sflag:$0x1] =	stream.indirect.gather [hbm4b:s16+s12], $0x10, s1, s12, $0xb8;
	[tilespmem:$0x1D650] =	vst v63  }
0x57: {  	_ =	swait.ge [sflag:s0], $0x3E80  }
0x58: {  	[sflag:s0] =	ssyncset.done $0x0  }
0x59: {  	[sflag:s0] =	ssyncadd.s32 $0xFFFFC180  }
0x5a: {  	[spmem:s13] =	stream.indirect.scatter.add.f32 [tilespmem:s30], [sflag:$0x2], $0x10, s12, s12, $0xb8;
	[tilespmem:$0x1D650] =	vst v63  }
0x5b: {  	_ =	swait.ge [sflag:s31], $0x3E80  }
0x5c: {  	s4 =	simm.s32 $0xFA;
	s3 =	simm.s32 $0x7D;
	[sflag:s31] =	ssyncset.done $0x0  }
.LBB2_4:
0x5d: {  	s5 =	sadd.s32 s3, s14  }
0x5e: {  	[sflag:s31] =	ssyncadd.s32 $0xFFFFC180;
	s6 =	smov.u32 s4;
	s7 =	sadd.s32 $0x7D, s4  }
0x5f: {  	[tilespmem:s1], [sflag:$0x2] =	stream.linear.gather [hbm4b:s5+s1], $0x3E8, $0x38;
	[tilespmem:$0x1D650] =	vst v63  }
0x60: {  	p0 =	sne.s32 s4, $0x17ED;
	_ =	swait.ge [sflag:s31], $0x3E8  }
0x61: {  	[sflag:s31] =	ssyncset.done $0x0  }
0x62: {  	s4 =	sadd.s32 s3, s15;
	s3 =	smov.u32 s6;
	[sflag:s31] =	ssyncadd.s32 $0xFFFFFC18  }
0x63: {  	[tilespmem:s12], [sflag:$0x2] =	stream.linear.gather [hbm4b:s4+s1], $0x3E8, $0x38;
	[tilespmem:$0x1D650] =	vst v63  }
0x64: {  	_ =	swait.ge [sflag:s31], $0x3E8  }
0x65: {  	[sflag:s31] =	ssyncset.done $0x0  }
0x66: {  	[sflag:s31] =	ssyncadd.s32 $0xFFFFFC18  }
0x67: {  	[tilespmem:s30], [sflag:$0x1] =	stream.indirect.gather [hbm4b:s16+s12], $0x10, s1, s12, $0xb8;
	[tilespmem:$0x1D650] =	vst v63  }
0x68: {  	_ =	swait.ge [sflag:s0], $0x3E80  }
.Ltmp1:
0x69: {  	[sflag:s0] =	ssyncset.done $0x0;
	(pc) =	sbr.rel @p0 .LBB2_4-.Ltmp1, $4  }
0x6a: {  	[sflag:s0] =	ssyncadd.s32 $0xFFFFC180  }
0x6b: {  	[spmem:s13] =	stream.indirect.scatter.add.f32 [tilespmem:s30], [sflag:$0x2], $0x10, s12, s12, $0xb8;
	[tilespmem:$0x1D650] =	vst v63  }
0x6c: {  	_ =	swait.ge [sflag:s31], $0x3E80  }
0x6d: {  	s4 =	smov.u32 s7;
	[sflag:s31] =	ssyncset.done $0x0  }
0x6e: {  	s4 =	sadd.s32 s3, s14;
	[sflag:s31] =	ssyncadd.s32 $0xFFFFC180  }
0x6f: {  	[tilespmem:s1], [sflag:$0x2] =	stream.linear.gather [hbm4b:s4+s1], $0x3E8, $0x38;
	[tilespmem:$0x1D650] =	vst v63  }
0x70: {  	_ =	swait.ge [sflag:s31], $0x3E8  }
0x71: {  	[sflag:s31] =	ssyncset.done $0x0  }
0x72: {  	s4 =	sadd.s32 s3, s15;
	[sflag:s31] =	ssyncadd.s32 $0xFFFFFC18  }
0x73: {  	[tilespmem:s12], [sflag:$0x2] =	stream.linear.gather [hbm4b:s4+s1], $0x3E8, $0x38;
	[tilespmem:$0x1D650] =	vst v63  }
0x74: {  	_ =	swait.ge [sflag:s31], $0x3E8  }
0x75: {  	[sflag:s31] =	ssyncset.done $0x0  }
0x76: {  	[sflag:s31] =	ssyncadd.s32 $0xFFFFFC18  }
0x77: {  	[tilespmem:s30], [sflag:$0x1] =	stream.indirect.gather [hbm4b:s16+s12], $0x10, s1, s12, $0xb8;
	[tilespmem:$0x1D650] =	vst v63  }
0x78: {  	_ =	swait.ge [sflag:s0], $0x3E80  }
0x79: {  	[sflag:s0] =	ssyncset.done $0x0  }
0x7a: {  	[sflag:s0] =	ssyncadd.s32 $0xFFFFC180  }
0x7b: {  	[spmem:s13] =	stream.indirect.scatter.add.f32 [tilespmem:s30], [sflag:$0x2], $0x10, s12, s12, $0xb8;
	[tilespmem:$0x1D650] =	vst v63  }
0x7c: {  	_ =	swait.ge [sflag:s31], $0x3E80  }
0x7d: {  	[sflag:s31] =	ssyncset.done $0x0  }
0x7e: {  	s5 =	stileid.u32;
	[sflag:s31] =	ssyncadd.s32 $0xFFFFC180  }
0x7f: {  	s3 =	sshll.u32 s5, $0x6;
	[bflag:$0x0] =	sbarrier.arrive $0xFFFF  }
0x80: {  	s3 =	sor.u32 $0x1C02, s3;
	s6 =	rddreg [dreg:$0x3]  }
0x81: {  	[hbm:s6], [sflag:s3] =	dma.local [spmem:s29], $0x500  }
0x82: {  	_ =	swait.ge [sflag:s31], $0x500  }
0x83: {  	[sflag:s31] =	ssyncset.done $0x0  }
0x84: {  	s7 =	sshrl.u32 s19, $0x3;
	s5 =	rddreg [dreg:$0x4];
	[sflag:s31] =	ssyncadd.s32 $0xFFFFFB00  }
0x85: {  	[hbm:s5], [sflag:s3] =	dma.local [spmem:s7], $0x500  }
0x86: {  	_ =	swait.ge [sflag:s31], $0x500  }
0x87: {  	[sflag:s31] =	ssyncset.done $0x0  }
0x88: {  	s6 =	sshrl.u32 s20, $0x3;
	s7 =	rddreg [dreg:$0x5];
	[sflag:s31] =	ssyncadd.s32 $0xFFFFFB00  }
0x89: {  	[hbm:s7], [sflag:s3] =	dma.local [spmem:s6], $0x500  }
0x8a: {  	_ =	swait.ge [sflag:s31], $0x500  }
0x8b: {  	[sflag:s31] =	ssyncset.done $0x0  }
0x8c: {  	s6 =	sshrl.u32 s21, $0x3;
	s7 =	rddreg [dreg:$0x6];
	[sflag:s31] =	ssyncadd.s32 $0xFFFFFB00  }
0x8d: {  	[hbm:s7], [sflag:s3] =	dma.local [spmem:s6], $0x500  }
0x8e: {  	_ =	swait.ge [sflag:s31], $0x500  }
0x8f: {  	[sflag:s31] =	ssyncset.done $0x0  }
0x90: {  	s6 =	sshrl.u32 s22, $0x3;
	s7 =	rddreg [dreg:$0x7];
	[sflag:s31] =	ssyncadd.s32 $0xFFFFFB00  }
0x91: {  	[hbm:s7], [sflag:s3] =	dma.local [spmem:s6], $0x500  }
0x92: {  	_ =	swait.ge [sflag:s31], $0x500  }
0x93: {  	[sflag:s31] =	ssyncset.done $0x0  }
0x94: {  	s5 =	sshrl.u32 s23, $0x3;
	s6 =	rddreg [dreg:$0x8];
	[sflag:s31] =	ssyncadd.s32 $0xFFFFFB00  }
0x95: {  	[hbm:s6], [sflag:s3] =	dma.local [spmem:s5], $0x500  }
0x96: {  	_ =	swait.ge [sflag:s31], $0x500  }
0x97: {  	[sflag:s31] =	ssyncset.done $0x0  }
0x98: {  	s7 =	sshrl.u32 s24, $0x3;
	[sflag:s31] =	ssyncadd.s32 $0xFFFFFB00  }
0x99: {  	[hbm:s8], [sflag:s3] =	dma.local [spmem:s7], $0x500  }
0x9a: {  	_ =	swait.ge [sflag:s31], $0x500  }
0x9b: {  	[sflag:s31] =	ssyncset.done $0x0  }
0x9c: {  	s5 =	sshrl.u32 s25, $0x3;
	[sflag:s31] =	ssyncadd.s32 $0xFFFFFB00  }
0x9d: {  	[hbm:s9], [sflag:s3] =	dma.local [spmem:s5], $0x500  }
0x9e: {  	_ =	swait.ge [sflag:s31], $0x500  }
0x9f: {  	[sflag:s31] =	ssyncset.done $0x0  }
0xa0: {  	s6 =	sshrl.u32 s26, $0x3;
	[sflag:s31] =	ssyncadd.s32 $0xFFFFFB00  }
0xa1: {  	[hbm:s10], [sflag:s3] =	dma.local [spmem:s6], $0x500  }
0xa2: {  	s2 =	sadd.s32 $0x1, s2;
	_ =	swait.ge [sflag:s31], $0x500  }
0xa3: {  	p0 =	sne.s32 s2, s17;
	[sflag:s31] =	ssyncset.done $0x0  }
.Ltmp2:
0xa4: {  	s7 =	sshrl.u32 s28, $0x3;
	[sflag:s31] =	ssyncadd.s32 $0xFFFFFB00;
	(pc) =	sbr.rel @p0 .LBB2_1-.Ltmp2, $4  }
0xa5: {  	[hbm:s11], [sflag:s3] =	dma.local [spmem:s7], $0x500  }
0xa6: {  	_ =	swait.ge [sflag:s31], $0x500  }
0xa7: {  	[sflag:s31] =	ssyncset.done $0x0  }
0xa8: {  	[sflag:s31] =	ssyncadd.s32 $0xFFFFFB00  }
0xa9: {  	_ =	sfence.sel $0x180000  }
0xaa: {  	[bflag:$0x0] =	sbarrier.arrive $0xFFFF  }
0xab: {  	_ =	strace $0x9000004D  }
0xac: {  	s0 =	stileid.u32;
	[bflag:$0x2] =	sbarrier.arrive $0xFFFF  }
0xad: {  	p0 =	sne.s32 s0, $0x0;
	s0 =	rddreg [dreg:$0x2]  }
0xae: {  	s0 =	sadd.s32 @!p0 $0x100000, s0  }
0xaf: {  	[sflag:s0] =	ssyncadd.tile.s32 @!p0 $0x1;
	_ =	shalt  }
.Lfunc_end2:
_tile_overlayer_lowered:
.L_overlay_start_2:
0xb0: {  	(tag) =	ssettag $0x2  }
0xb1: {  	s0 =	rddreg [dreg:$0x0];
	s2 =	stileid.u32  }
0xb2: {  	s1 =	rddreg [dreg:$0x1];
	p0 =	sne.s32 s2, $0x0  }
0xb3: {  	s3 =	rddreg [dreg:$0x2];
	[bflag:$0x3] =	sbarrier.arrive $0xFFFF;
	s2 =	simm.s32 @!p0 $0x1C02  }
0xb4: {  	[timem:s3], [sflag:s2] =	dma.local @!p0 [hbm:s0], s1  }
0xb5: {  	s0 =	simm.s32 @!p0 $0x2  }
0xb6: {  	_ =	swait.ge @!p0 [sflag:s0], s1  }
0xb7: {  	s1 =	ssub.s32 @!p0 $0x0, s1;
	[sflag:s0] =	ssyncset.done @!p0 $0x0  }
0xb8: {  	[sflag:s0] =	ssyncadd.s32 @!p0 s1  }
0xb9: {  	[bflag:$0x3] =	sbarrier.arrive $0xFFFF  }
0xba: {  	_ =	shalt  }

// kernel: kernel.20.cloned.1.call-start
scs
__scs_entry_jumppad:
0x0: {  	(pc) =	sbr.rel $0x88, $3  }
0x1: {  	(tag) =	ssettag $0x0;
	lr =	simm.s32 $0x1  }
0x2: {  	[smem:$0x3F94] =	sst lr;
	_ =	strace $0xD0000000  }
0x3: {  	_ = 	snop  }
0x4: {  	_ = 	snop  }
0x5: {  	_ = 	snop  }
0x6: {  	_ = 	snop  }
0x7: {  	_ = 	snop  }
__scs_overlays_trampoline_lowered:
0x8: {  	[smem:$0x3FA3] =	sst s0  }
0x9: {  	[smem:$0x3FA4] =	sst s1  }
0xa: {  	[smem:$0x3FA5] =	sst s2  }
0xb: {  	[smem:$0x3FA6] =	sst s3  }
0xc: {  	[smem:$0x3FA7] =	sst s4  }
0xd: {  	[smem:$0x3FA8] =	sst s5  }
0xe: {  	[smem:$0x3FA9] =	sst s6  }
0xf: {  	[smem:$0x3FAA] =	sst s7  }
0x10: {  	[smem:$0x3FAB] =	sst s8  }
0x11: {  	[smem:$0x3FAC] =	sst s9;
	s0 =	simm.s32 @!p0 $0x0  }
0x12: {  	s1 =	sld [smem:$0x3F92];
	s0 =	simm.s32 @p0 $0x1  }
0x13: {  	[smem:$0x3FAD] =	sst s0;
	s0 =	simm.s32 @!p1 $0x0  }
0x14: {  	s2 =	sld [smem:$0x3F91];
	s0 =	simm.s32 @p1 $0x1  }
0x15: {  	[smem:$0x3FAE] =	sst s0;
	s0 =	simm.s32 @!p2 $0x0  }
0x16: {  	s3 =	sld [smem:$0x3FDB];
	s0 =	simm.s32 @p2 $0x1  }
0x17: {  	s4 =	simm.s32 $0x1BF5;
	[smem:$0x3FB0] =	sst s0  }
0x18: {  	s0 =	sld [smem:$0x3F93];
	_ =	swait.ge [sflag:s4], $0x0  }
0x19: {  	s7 =	sld [smem:$0x3F94]  }
0x1a: {  	s8 =	sadd.s32 $0xFFFFE003, lr  }
0x1b: {  	s9 =	sadd.s32 $0xFFFFFEF7, lr;
	s5 =	simm.s32 $0xFFFFFFFF;
	p2 =	slt.u32 s8, $0xFFFFF086  }
0x1c: {  	p1 =	slt.u32 s9, $0xF7A;
	s5 =	simm.s32 @!p2 $0x0  }
0x1d: {  	s5 =	simm.s32 @p1 $0x1;
	p0 =	seq.s32 s7, s2  }
0x1e: {  	s7 =	smul.u32 @!p0 $0xF7A, s2;
	p2 =	seq.s32 @!p0 s5, $0x0  }
0x1f: {  	s9 =	smul.u32 $0xF7A, s1;
	s8 =	simm.s32 @!p0 $0x1BF5;
	p2 =	por !p2, p0  }
0x20: {  	[sflag:s8] =	ssyncset.s32 @!p0 $0xFFFFF086;
	s6 =	sadd.s32 @!p0 s3, s7;
	s7 =	simm.s32 @!p0 $0x108  }
0x21: {  	s3 =	sadd.s32 s3, s9;
	s6 =	sadd.s32 @!p0 $0x88, s6;
	s7 =	simm.s32 @p2 $0x1082  }
0x22: {  	[simem:s7], [sflag:s8] =	dma.local @!p0 [hbm:s6], $0xF7A  }
0x23: {  	s9 =	sor.u32 $0xD0000000, s2;
	s6 =	simm.s32 $0x108;
	_ =	swait.ge @!p0 [sflag:s8], $0x0  }
0x24: {  	s3 =	sadd.s32 $0x88, s3;
	s6 =	simm.s32 @!p1 $0x1082;
	[sflag:s4] =	ssyncset.s32 $0xFFFFF086  }
0x25: {  	[simem:s6], [sflag:s4] =	dma.local [hbm:s3], $0xF7A  }
0x26: {  	[smem:$0x3F94] =	sst s1;
	(tag) =	ssettag s2;
	_ =	strace s9  }
0x27: {  	s1 =	sld [smem:$0x3FA4]  }
0x28: {  	s2 =	sld [smem:$0x3FA5]  }
0x29: {  	s4 =	sld [smem:$0x3FA7]  }
0x2a: {  	p0 =	seq.s32 s5, $0x0;
	s5 =	sld [smem:$0x3FA8]  }
0x2b: {  	s6 =	sld [smem:$0x3FA9]  }
0x2c: {  	s7 =	sld [smem:$0x3FAA]  }
0x2d: {  	s3 =	simm.s32 $0x108;
	s8 =	sld [smem:$0x3FAB]  }
0x2e: {  	s3 =	simm.s32 @!p0 $0x1082;
	s9 =	sld [smem:$0x3FAC]  }
0x2f: {  	lr =	sadd.s32 s0, s3;
	s0 =	sld [smem:$0x3FA3]  }
0x30: {  	s3 =	sld [smem:$0x3FA6]  }
0x31: {  	[smem:$0x3FAF] =	sst s10  }
0x32: {  	s10 =	sld [smem:$0x3FAD];
	_ =	sdelay $0x3  }
0x33: {  	p0 =	seq.s32 s10, $0x1;
	s10 =	sld [smem:$0x3FAF];
	_ =	sdelay $0x3  }
0x34: {  	[smem:$0x3FAF] =	sst s10  }
0x35: {  	s10 =	sld [smem:$0x3FAE];
	_ =	sdelay $0x3  }
0x36: {  	p1 =	seq.s32 s10, $0x1;
	s10 =	sld [smem:$0x3FAF];
	_ =	sdelay $0x3  }
0x37: {  	[smem:$0x3FAF] =	sst s10  }
0x38: {  	s10 =	sld [smem:$0x3FB0]  }
0x39: {  	_ = 	snop;
	(pc) =	sbr.ind lr, $3  }
0x3a: {  	_ = 	snop  }
0x3b: {  	_ = 	snop  }
0x3c: {  	p2 =	seq.s32 s10, $0x1;
	s10 =	sld [smem:$0x3FAF]  }
0x3d: {  	_ =	shalt  }
0x3e: {  	_ =	shalt  }
0x3f: {  	_ =	shalt  }
0x40: {  	_ =	shalt  }
0x41: {  	_ =	shalt  }
0x42: {  	_ =	shalt  }
0x43: {  	_ =	shalt  }
0x44: {  	_ =	shalt  }
0x45: {  	_ =	shalt  }
0x46: {  	_ =	shalt  }
0x47: {  	_ =	shalt  }
0x48: {  	_ =	shalt  }
0x49: {  	_ =	shalt  }
0x4a: {  	_ =	shalt  }
0x4b: {  	_ =	shalt  }
0x4c: {  	_ =	shalt  }
0x4d: {  	_ =	shalt  }
0x4e: {  	_ =	shalt  }
0x4f: {  	_ =	shalt  }
0x50: {  	_ =	shalt  }
0x51: {  	_ =	shalt  }
0x52: {  	_ =	shalt  }
0x53: {  	_ =	shalt  }
0x54: {  	_ =	shalt  }
0x55: {  	_ =	shalt  }
0x56: {  	_ =	shalt  }
0x57: {  	_ =	shalt  }
0x58: {  	_ =	shalt  }
0x59: {  	_ =	shalt  }
0x5a: {  	_ =	shalt  }
0x5b: {  	_ =	shalt  }
0x5c: {  	_ =	shalt  }
0x5d: {  	_ =	shalt  }
0x5e: {  	_ =	shalt  }
0x5f: {  	_ =	shalt  }
0x60: {  	_ =	shalt  }
0x61: {  	_ =	shalt  }
0x62: {  	_ =	shalt  }
0x63: {  	_ =	shalt  }
0x64: {  	_ =	shalt  }
0x65: {  	_ =	shalt  }
0x66: {  	_ =	shalt  }
0x67: {  	_ =	shalt  }
0x68: {  	_ =	shalt  }
0x69: {  	_ =	shalt  }
0x6a: {  	_ =	shalt  }
0x6b: {  	_ =	shalt  }
0x6c: {  	_ =	shalt  }
0x6d: {  	_ =	shalt  }
0x6e: {  	_ =	shalt  }
0x6f: {  	_ =	shalt  }
0x70: {  	_ =	shalt  }
0x71: {  	_ =	shalt  }
0x72: {  	_ =	shalt  }
0x73: {  	_ =	shalt  }
0x74: {  	_ =	shalt  }
0x75: {  	_ =	shalt  }
0x76: {  	_ =	shalt  }
0x77: {  	_ =	shalt  }
0x78: {  	_ =	shalt  }
0x79: {  	_ =	shalt  }
0x7a: {  	_ =	shalt  }
0x7b: {  	_ =	shalt  }
0x7c: {  	_ =	shalt  }
0x7d: {  	_ =	shalt  }
0x7e: {  	_ =	shalt  }
0x7f: {  	_ =	shalt  }
0x80: {  	_ =	shalt  }
0x81: {  	_ =	shalt  }
0x82: {  	_ =	shalt  }
0x83: {  	_ =	shalt  }
0x84: {  	_ =	shalt  }
0x85: {  	_ =	shalt  }
0x86: {  	_ =	shalt  }
0x87: {  	_ =	shalt  }
.Lfunc_end0:
.L_simem_size_0:
called_computation.3_lowered:
.L_overlay_start_0:
0x88: {  	s2 =	sld [smem:$0x3FD9]  }
0x89: {  	s3 =	sld [smem:$0x3FFE];
	_ =	sdelay $0x1  }
0x8a: {  	s1 =	srdreg.scid  }
0x8b: {  	s0 =	sand.u32 $0x1, s1  }
0x8c: {  	s16 =	sshll.u32 s0, $0xA;
	s2 =	sadd.s32 s3, s2  }
0x8d: {  	s2 =	sadd.s32 s2, s16  }
0x8e: {  	[smem:$0x3FBB] =	sst s2  }
0x8f: {  	_ = 	snop  }
0x90: {  	(tm) =	ssettm $0x1  }
0x91: {  	s17 =	sld [smem:$0x3FFB];
	_ =	sdelay $0x3  }
0x92: {  	_ =	strace s17  }
0x93: {  	s2 =	sld [smem:$0x3FFC];
	_ =	sdelay $0x3  }
0x94: {  	_ =	strace s2  }
0x95: {  	s2 =	sld [smem:$0x3FFD];
	_ =	sdelay $0x3  }
0x96: {  	_ =	strace s2  }
0x97: {  	_ =	strace $0x8FFFFFFF  }
0x98: {  	s18 =	sld [smem:$0x3FDB];
	_ =	sdelay $0x1  }
0x99: {  	s19 =	simm.s32 $_scs_section_size  }
0x9a: {  	s4 =	simm.s32 $_size__tile_overlayer_lowered;
	s5 =	simm.s32 $_tile_overlayer_lowered  }
0x9b: {  	s22 =	simm.s32 $0x1BFF;
	s21 =	sshll.u32 s5, $0x1;
	s2 =	sadd.s32 s19, s18  }
0x9c: {  	s6 =	simm.s32 $0x0;
	s20 =	sshll.u32 s4, $0x1;
	s4 =	sadd.s32 s21, s2  }
0x9d: {  	[timem:s6], [sflag:s22] =	dma.local [hbm:s4], s20  }
0x9e: {  	_ =	swait.ge [sflag:s22], s20  }
0x9f: {  	s3 =	ssub.s32 $0x0, s20;
	[sflag:s22] =	ssyncset.done $0x0  }
0xa0: {  	[sflag:s22] =	ssyncadd.s32 s3;
	_ =	sdelay $0x1  }
0xa1: {  	s23 =	simm.s32 $0x1B8B  }
0xa2: {  	_ =	swait.ge [sflag:s23], $0x1  }
0xa3: {  	[sflag:s23] =	ssyncset.done $0x0  }
0xa4: {  	s25 =	simm.s32 $0x1B8E;
	s24 =	sld [smem:$0x3FFE];
	[sflag:s23] =	ssyncadd.s32 $0xFFFFFFFF  }
0xa5: {  	s26 =	simm.s32 $execute0_lowered;
	[smem:$0x3FD2] =	sst s25  }
0xa6: {  	s4 =	sshll.u32 s26, $0x1;
	_ =	strace $0x8000004F;
	[dreg:$0x1] =	wrdreg $0xFFFFFFFF  }
0xa7: {  	s28 =	simm.s32 $_size_execute0_lowered;
	s2 =	sadd.s32 s2, s4;
	[dreg:$0x0] =	wrdreg $0x0  }
0xa8: {  	s4 =	sshll.u32 s28, $0x1;
	[dreg:$0x2] =	wrdreg s2  }
0xa9: {  	[dreg:$0x3] =	wrdreg s4  }
0xaa: {  	[dreg:$0x4] =	wrdreg $0xC0  }
0xab: {  	_ =	task [dreg:s6], $0x5FFFF  }
0xac: {  	[dreg:$0x1] =	wrdreg $0xFFFFFFFF  }
0xad: {  	[dreg:$0x0] =	wrdreg $0x60  }
0xae: {  	[dreg:$0x2] =	wrdreg s24  }
0xaf: {  	[dreg:$0x3] =	wrdreg $0x46500  }
0xb0: {  	[dreg:$0x4] =	wrdreg $0x9  }
0xb1: {  	_ =	task.clear_ibuf [dreg:s6], $0x5FFFF;
	_ =	strace $0x9000004F  }
0xb2: {  	s29 =	simm.s32 $0x9;
	_ =	strace $0x80000051  }
0xb3: {  	_ =	swait.ge [sflag:s29], $0x1  }
0xb4: {  	[sflag:s29] =	ssyncadd.s32 $0xFFFFFFFF  }
0xb5: {  	_ =	strace $0x90000051  }
0xb6: {  	_ =	sfence  }
0xb7: {  	s30 =	sld [smem:$0x0];
	_ =	sdelay $0x2  }
0xb8: {  	s31 =	sshll.u32 s1, $0xD;
	s1 =	sshrl.u32 s1, $0x2  }
0xb9: {  	s3 =	sand.u32 $0x4000, s31;
	s1 =	sadd.s32 s1, s30  }
0xba: {  	s0 =	sor.u32 s3, s0;
	s1 =	sshll.u32 s1, $0x11  }
0xbb: {  	s0 =	sor.u32 s1, s0  }
0xbc: {  	s0 =	sadd.s32 $0x8F2B, s0  }
0xbd: {  	[sflag:s0] =	ssyncadd.remote.s32 $0x1  }
0xbe: {  	_ =	sfence.sel $0xFFFF  }
0xbf: {  	[dreg:$0x0] =	wrdreg $0xFFFFFFFF;
	(pc) =	sbr.abs _section_cstart, $3  }
0xc0: {  	[dreg:$0x1] =	wrdreg $0xFFFFFFFF  }
0xc1: {  	_ =	task.clear_ibuf [dreg:s6], $0x2FFFF;
	_ =	strace $0x9FFFFFFF  }
0xc2: {  	(tm) =	ssettm $0x7FFFFFFF  }
0xc3: {  	_ =	shalt  }
tec
execute0_lowered:
.L_overlay_start_1:
0x0: {  	(tag) =	ssettag $0x1  }
0x1: {  	s0 =	srdreg.scid;
	s14 =	stileid.u32  }
0x2: {  	s4 =	rddreg [dreg:$0x0];
	s1 =	simm.s32 $0x0;
	s30 =	simm.s32 $0x7D0  }
0x3: {  	s31 =	simm.s32 $0x2;
	s2 =	sand.u32 $0x1, s0;
	s0 =	smul.u32 $0x19000, s14  }
0x4: {  	s11 =	sadd.s32 $0x99600, s4;
	s3 =	smul.u32 $0x190000, s2;
	s5 =	ssub.s32 $0x2, s2  }
0x5: {  	[smem:$0x7FF] =	sst s1;
	s2 =	smul.u32 $0xC3500, s2;
	s7 =	sshrl.u32 s5, $0x1  }
0x6: {  	s19 =	sadd.s32 $0x2800, s0;
	s20 =	sadd.s32 $0x5000, s0;
	s21 =	sadd.s32 $0x7800, s0  }
0x7: {  	s22 =	sadd.s32 $0xA000, s0;
	s23 =	sadd.s32 $0xC800, s0;
	s24 =	sadd.s32 $0xF000, s0  }
0x8: {  	s25 =	sadd.s32 $0x11800, s0;
	s26 =	sadd.s32 $0x14000, s0;
	s28 =	sadd.s32 $0x16800, s0  }
0x9: {  	s6 =	sadd.s32 s3, s0;
	s12 =	ssub.s32 s5, s7;
	s15 =	sadd.s32 s3, s19  }
0xa: {  	s16 =	sadd.s32 s3, s20;
	s17 =	sadd.s32 s3, s21;
	s6 =	sshrl.u32 s6, $0x3  }
0xb: {  	s18 =	sadd.s32 s3, s22;
	s5 =	sshrl.u32 s15, $0x3;
	s13 =	sadd.s32 s11, s6  }
0xc: {  	s9 =	sshrl.u32 s18, $0x3;
	s5 =	sadd.s32 s11, s5;
	[dreg:$0x3] =	wrdreg s13  }
0xd: {  	s8 =	sshrl.u32 s17, $0x3;
	s10 =	sadd.s32 s11, s9;
	[dreg:$0x4] =	wrdreg s5  }
0xe: {  	s9 =	sadd.s32 s3, s25;
	s5 =	sshrl.u32 s16, $0x3;
	[dreg:$0x7] =	wrdreg s10  }
0xf: {  	s13 =	sadd.s32 s3, s23;
	s10 =	smul.u32 $0xC350, s14;
	s9 =	sshrl.u32 s9, $0x3  }
0x10: {  	s5 =	sadd.s32 s11, s5;
	s7 =	sshrl.u32 s13, $0x3;
	s13 =	rddreg [dreg:$0x1]  }
0x11: {  	s16 =	sadd.s32 s3, s26;
	s9 =	sadd.s32 s11, s9;
	[dreg:$0x5] =	wrdreg s5  }
0x12: {  	s5 =	sadd.s32 s11, s8;
	s8 =	sadd.s32 s3, s24;
	s15 =	sadd.s32 s11, s7  }
0x13: {  	s2 =	sadd.s32 s10, s2;
	s3 =	sadd.s32 s3, s28;
	s10 =	sshrl.u32 s16, $0x3  }
0x14: {  	s16 =	sadd.s32 $0x67600, s4;
	s19 =	sadd.s32 s19, s13;
	s20 =	sadd.s32 s20, s13  }
0x15: {  	s21 =	sadd.s32 s21, s13;
	s22 =	sadd.s32 s22, s13;
	s23 =	sadd.s32 s23, s13  }
0x16: {  	s24 =	sadd.s32 s24, s13;
	s25 =	sadd.s32 s25, s13;
	s26 =	sadd.s32 s26, s13  }
0x17: {  	s28 =	sadd.s32 s28, s13;
	s0 =	sadd.s32 s0, s13;
	[dreg:$0x6] =	wrdreg s5  }
0x18: {  	s8 =	sshrl.u32 s8, $0x3;
	[dreg:$0x8] =	wrdreg s15;
	s3 =	sshrl.u32 s3, $0x3  }
0x19: {  	s10 =	sadd.s32 s11, s10;
	s17 =	sadd.s32 $0x186A00, s2;
	s2 =	sshrl.u32 s2, $0x3  }
0x1a: {  	s15 =	sadd.s32 $0x5A00, s4;
	s29 =	sshrl.u32 s0, $0x3;
	s8 =	sadd.s32 s11, s8  }
0x1b: {  	s11 =	sadd.s32 s11, s3;
	s3 =	sshrl.u32 s17, $0x3;
	s17 =	smul.u32 $0x64000, s14  }
0x1c: {  	s0 =	simm.s32 $0x1;
	s14 =	sadd.s32 s2, s15;
	_ =	strace $0x80000050  }
0x1d: {  	s2 =	simm.s32 $0x0;
	s15 =	sadd.s32 s3, s15;
	s18 =	sshrl.u32 s17, $0x2  }
0x1e: {  	v0 =	vimm.f32 $0.0e+00;
	s17 =	smax.u32 s12, $0x1;
	s12 =	simm.s32 $0x3E8;
	s18 =	sadd.s32 s18, s13  }
.LBB2_1:
0x1f: {  	s3 =	simm.s32 $0x40;
	s4 =	simm.s32 $0x0  }
.LBB2_2:
0x20: {  	p0 =	sne.s32 s3, $0xF9C0;
	[tilespmem:s4+$0x7D0] =	vst v0;
	s4 =	smov.u32 s3;
	s3 =	sadd.s32 $0x40, s3  }
.Ltmp0:
0x21: {  	(pc) =	sbr.rel @p0 .LBB2_2-.Ltmp0, $2  }
0x22: {  	_ =	sdelay $0x2  }
0x23: {  	s4 =	sshra.s32 s4, $0x2  }
0x24: {  	[tilespmem:s4+$0x7D0] =	vst v0  }
0x25: {  	[spmem:s18] =	stream.linear.scatter [tilespmem:s30], [sflag:$0x2], $0x2800, $0x38;
	[tilespmem:$0x1D650] =	vst v63  }
0x26: {  	_ =	swait.ge [sflag:s31], $0x2800  }
0x27: {  	[sflag:s31] =	ssyncset.done $0x0  }
0x28: {  	[sflag:s31] =	ssyncadd.s32 $0xFFFFD800  }
0x29: {  	[spmem:s19] =	stream.linear.scatter [tilespmem:s30], [sflag:$0x2], $0x2800, $0x38;
	[tilespmem:$0x1D650] =	vst v63  }
0x2a: {  	_ =	swait.ge [sflag:s31], $0x2800  }
0x2b: {  	[sflag:s31] =	ssyncset.done $0x0  }
0x2c: {  	[sflag:s31] =	ssyncadd.s32 $0xFFFFD800  }
0x2d: {  	[spmem:s20] =	stream.linear.scatter [tilespmem:s30], [sflag:$0x2], $0x2800, $0x38;
	[tilespmem:$0x1D650] =	vst v63  }
0x2e: {  	_ =	swait.ge [sflag:s31], $0x2800  }
0x2f: {  	[sflag:s31] =	ssyncset.done $0x0  }
0x30: {  	[sflag:s31] =	ssyncadd.s32 $0xFFFFD800  }
0x31: {  	[spmem:s21] =	stream.linear.scatter [tilespmem:s30], [sflag:$0x2], $0x2800, $0x38;
	[tilespmem:$0x1D650] =	vst v63  }
0x32: {  	_ =	swait.ge [sflag:s31], $0x2800  }
0x33: {  	[sflag:s31] =	ssyncset.done $0x0  }
0x34: {  	[sflag:s31] =	ssyncadd.s32 $0xFFFFD800  }
0x35: {  	[spmem:s22] =	stream.linear.scatter [tilespmem:s30], [sflag:$0x2], $0x2800, $0x38;
	[tilespmem:$0x1D650] =	vst v63  }
0x36: {  	_ =	swait.ge [sflag:s31], $0x2800  }
0x37: {  	[sflag:s31] =	ssyncset.done $0x0  }
0x38: {  	[sflag:s31] =	ssyncadd.s32 $0xFFFFD800  }
0x39: {  	[spmem:s23] =	stream.linear.scatter [tilespmem:s30], [sflag:$0x2], $0x2800, $0x38;
	[tilespmem:$0x1D650] =	vst v63  }
0x3a: {  	_ =	swait.ge [sflag:s31], $0x2800  }
0x3b: {  	[sflag:s31] =	ssyncset.done $0x0  }
0x3c: {  	[sflag:s31] =	ssyncadd.s32 $0xFFFFD800  }
0x3d: {  	[spmem:s24] =	stream.linear.scatter [tilespmem:s30], [sflag:$0x2], $0x2800, $0x38;
	[tilespmem:$0x1D650] =	vst v63  }
0x3e: {  	_ =	swait.ge [sflag:s31], $0x2800  }
0x3f: {  	[sflag:s31] =	ssyncset.done $0x0  }
0x40: {  	[sflag:s31] =	ssyncadd.s32 $0xFFFFD800  }
0x41: {  	[spmem:s25] =	stream.linear.scatter [tilespmem:s30], [sflag:$0x2], $0x2800, $0x38;
	[tilespmem:$0x1D650] =	vst v63  }
0x42: {  	_ =	swait.ge [sflag:s31], $0x2800  }
0x43: {  	[sflag:s31] =	ssyncset.done $0x0  }
0x44: {  	[sflag:s31] =	ssyncadd.s32 $0xFFFFD800  }
0x45: {  	[spmem:s26] =	stream.linear.scatter [tilespmem:s30], [sflag:$0x2], $0x2800, $0x38;
	[tilespmem:$0x1D650] =	vst v63  }
0x46: {  	_ =	swait.ge [sflag:s31], $0x2800  }
0x47: {  	[sflag:s31] =	ssyncset.done $0x0  }
0x48: {  	[sflag:s31] =	ssyncadd.s32 $0xFFFFD800  }
0x49: {  	[spmem:s28] =	stream.linear.scatter [tilespmem:s30], [sflag:$0x2], $0x2800, $0x38;
	[tilespmem:$0x1D650] =	vst v63  }
0x4a: {  	_ =	swait.ge [sflag:s31], $0x2800  }
0x4b: {  	[sflag:s31] =	ssyncset.done $0x0  }
0x4c: {  	[sflag:s31] =	ssyncadd.s32 $0xFFFFD800  }
0x4d: {  	s3 =	sadd.s32 $0x0, s14;
	[bflag:$0x0] =	sbarrier.arrive $0xFFFF  }
0x4e: {  	[tilespmem:s1], [sflag:$0x2] =	stream.linear.gather [hbm4b:s3+s1], $0x3E8, $0x38;
	[tilespmem:$0x1D650] =	vst v63  }
0x4f: {  	_ =	swait.ge [sflag:s31], $0x3E8  }
0x50: {  	[sflag:s31] =	ssyncset.done $0x0  }
0x51: {  	s7 =	sadd.s32 $0x0, s15;
	[sflag:s31] =	ssyncadd.s32 $0xFFFFFC18  }
0x52: {  	[tilespmem:s12], [sflag:$0x2] =	stream.linear.gather [hbm4b:s7+s1], $0x3E8, $0x38;
	[tilespmem:$0x1D650] =	vst v63  }
0x53: {  	_ =	swait.ge [sflag:s31], $0x3E8  }
0x54: {  	[sflag:s31] =	ssyncset.done $0x0  }
0x55: {  	[sflag:s31] =	ssyncadd.s32 $0xFFFFFC18  }
0x56: {  	[tilespmem:s30], [sflag:$0x1] =	stream.indirect.gather [hbm4b:s16+s12], $0x10, s1, s12, $0xb8;
	[tilespmem:$0x1D650] =	vst v63  }
0x57: {  	_ =	swait.ge [sflag:s0], $0x3E80  }
0x58: {  	[sflag:s0] =	ssyncset.done $0x0  }
0x59: {  	[sflag:s0] =	ssyncadd.s32 $0xFFFFC180  }
0x5a: {  	[spmem:s13] =	stream.indirect.scatter.add.f32 [tilespmem:s30], [sflag:$0x2], $0x10, s12, s12, $0xb8;
	[tilespmem:$0x1D650] =	vst v63  }
0x5b: {  	_ =	swait.ge [sflag:s31], $0x3E80  }
0x5c: {  	s4 =	simm.s32 $0xFA;
	s3 =	simm.s32 $0x7D;
	[sflag:s31] =	ssyncset.done $0x0  }
.LBB2_4:
0x5d: {  	s5 =	sadd.s32 s3, s14  }
0x5e: {  	[sflag:s31] =	ssyncadd.s32 $0xFFFFC180;
	s6 =	smov.u32 s4;
	s7 =	sadd.s32 $0x7D, s4  }
0x5f: {  	[tilespmem:s1], [sflag:$0x2] =	stream.linear.gather [hbm4b:s5+s1], $0x3E8, $0x38;
	[tilespmem:$0x1D650] =	vst v63  }
0x60: {  	p0 =	sne.s32 s4, $0x17ED;
	_ =	swait.ge [sflag:s31], $0x3E8  }
0x61: {  	[sflag:s31] =	ssyncset.done $0x0  }
0x62: {  	s4 =	sadd.s32 s3, s15;
	s3 =	smov.u32 s6;
	[sflag:s31] =	ssyncadd.s32 $0xFFFFFC18  }
0x63: {  	[tilespmem:s12], [sflag:$0x2] =	stream.linear.gather [hbm4b:s4+s1], $0x3E8, $0x38;
	[tilespmem:$0x1D650] =	vst v63  }
0x64: {  	_ =	swait.ge [sflag:s31], $0x3E8  }
0x65: {  	[sflag:s31] =	ssyncset.done $0x0  }
0x66: {  	[sflag:s31] =	ssyncadd.s32 $0xFFFFFC18  }
0x67: {  	[tilespmem:s30], [sflag:$0x1] =	stream.indirect.gather [hbm4b:s16+s12], $0x10, s1, s12, $0xb8;
	[tilespmem:$0x1D650] =	vst v63  }
0x68: {  	_ =	swait.ge [sflag:s0], $0x3E80  }
.Ltmp1:
0x69: {  	[sflag:s0] =	ssyncset.done $0x0;
	(pc) =	sbr.rel @p0 .LBB2_4-.Ltmp1, $4  }
0x6a: {  	[sflag:s0] =	ssyncadd.s32 $0xFFFFC180  }
0x6b: {  	[spmem:s13] =	stream.indirect.scatter.add.f32 [tilespmem:s30], [sflag:$0x2], $0x10, s12, s12, $0xb8;
	[tilespmem:$0x1D650] =	vst v63  }
0x6c: {  	_ =	swait.ge [sflag:s31], $0x3E80  }
0x6d: {  	s4 =	smov.u32 s7;
	[sflag:s31] =	ssyncset.done $0x0  }
0x6e: {  	s4 =	sadd.s32 s3, s14;
	[sflag:s31] =	ssyncadd.s32 $0xFFFFC180  }
0x6f: {  	[tilespmem:s1], [sflag:$0x2] =	stream.linear.gather [hbm4b:s4+s1], $0x3E8, $0x38;
	[tilespmem:$0x1D650] =	vst v63  }
0x70: {  	_ =	swait.ge [sflag:s31], $0x3E8  }
0x71: {  	[sflag:s31] =	ssyncset.done $0x0  }
0x72: {  	s4 =	sadd.s32 s3, s15;
	[sflag:s31] =	ssyncadd.s32 $0xFFFFFC18  }
0x73: {  	[tilespmem:s12], [sflag:$0x2] =	stream.linear.gather [hbm4b:s4+s1], $0x3E8, $0x38;
	[tilespmem:$0x1D650] =	vst v63  }
0x74: {  	_ =	swait.ge [sflag:s31], $0x3E8  }
0x75: {  	[sflag:s31] =	ssyncset.done $0x0  }
0x76: {  	[sflag:s31] =	ssyncadd.s32 $0xFFFFFC18  }
0x77: {  	[tilespmem:s30], [sflag:$0x1] =	stream.indirect.gather [hbm4b:s16+s12], $0x10, s1, s12, $0xb8;
	[tilespmem:$0x1D650] =	vst v63  }
0x78: {  	_ =	swait.ge [sflag:s0], $0x3E80  }
0x79: {  	[sflag:s0] =	ssyncset.done $0x0  }
0x7a: {  	[sflag:s0] =	ssyncadd.s32 $0xFFFFC180  }
0x7b: {  	[spmem:s13] =	stream.indirect.scatter.add.f32 [tilespmem:s30], [sflag:$0x2], $0x10, s12, s12, $0xb8;
	[tilespmem:$0x1D650] =	vst v63  }
0x7c: {  	_ =	swait.ge [sflag:s31], $0x3E80  }
0x7d: {  	[sflag:s31] =	ssyncset.done $0x0  }
0x7e: {  	s5 =	stileid.u32;
	[sflag:s31] =	ssyncadd.s32 $0xFFFFC180  }
0x7f: {  	s3 =	sshll.u32 s5, $0x6;
	[bflag:$0x0] =	sbarrier.arrive $0xFFFF  }
0x80: {  	s3 =	sor.u32 $0x1C02, s3;
	s6 =	rddreg [dreg:$0x3]  }
0x81: {  	[hbm:s6], [sflag:s3] =	dma.local [spmem:s29], $0x500  }
0x82: {  	_ =	swait.ge [sflag:s31], $0x500  }
0x83: {  	[sflag:s31] =	ssyncset.done $0x0  }
0x84: {  	s7 =	sshrl.u32 s19, $0x3;
	s5 =	rddreg [dreg:$0x4];
	[sflag:s31] =	ssyncadd.s32 $0xFFFFFB00  }
0x85: {  	[hbm:s5], [sflag:s3] =	dma.local [spmem:s7], $0x500  }
0x86: {  	_ =	swait.ge [sflag:s31], $0x500  }
0x87: {  	[sflag:s31] =	ssyncset.done $0x0  }
0x88: {  	s6 =	sshrl.u32 s20, $0x3;
	s7 =	rddreg [dreg:$0x5];
	[sflag:s31] =	ssyncadd.s32 $0xFFFFFB00  }
0x89: {  	[hbm:s7], [sflag:s3] =	dma.local [spmem:s6], $0x500  }
0x8a: {  	_ =	swait.ge [sflag:s31], $0x500  }
0x8b: {  	[sflag:s31] =	ssyncset.done $0x0  }
0x8c: {  	s6 =	sshrl.u32 s21, $0x3;
	s7 =	rddreg [dreg:$0x6];
	[sflag:s31] =	ssyncadd.s32 $0xFFFFFB00  }
0x8d: {  	[hbm:s7], [sflag:s3] =	dma.local [spmem:s6], $0x500  }
0x8e: {  	_ =	swait.ge [sflag:s31], $0x500  }
0x8f: {  	[sflag:s31] =	ssyncset.done $0x0  }
0x90: {  	s6 =	sshrl.u32 s22, $0x3;
	s7 =	rddreg [dreg:$0x7];
	[sflag:s31] =	ssyncadd.s32 $0xFFFFFB00  }
0x91: {  	[hbm:s7], [sflag:s3] =	dma.local [spmem:s6], $0x500  }
0x92: {  	_ =	swait.ge [sflag:s31], $0x500  }
0x93: {  	[sflag:s31] =	ssyncset.done $0x0  }
0x94: {  	s5 =	sshrl.u32 s23, $0x3;
	s6 =	rddreg [dreg:$0x8];
	[sflag:s31] =	ssyncadd.s32 $0xFFFFFB00  }
0x95: {  	[hbm:s6], [sflag:s3] =	dma.local [spmem:s5], $0x500  }
0x96: {  	_ =	swait.ge [sflag:s31], $0x500  }
0x97: {  	[sflag:s31] =	ssyncset.done $0x0  }
0x98: {  	s7 =	sshrl.u32 s24, $0x3;
	[sflag:s31] =	ssyncadd.s32 $0xFFFFFB00  }
0x99: {  	[hbm:s8], [sflag:s3] =	dma.local [spmem:s7], $0x500  }
0x9a: {  	_ =	swait.ge [sflag:s31], $0x500  }
0x9b: {  	[sflag:s31] =	ssyncset.done $0x0  }
0x9c: {  	s5 =	sshrl.u32 s25, $0x3;
	[sflag:s31] =	ssyncadd.s32 $0xFFFFFB00  }
0x9d: {  	[hbm:s9], [sflag:s3] =	dma.local [spmem:s5], $0x500  }
0x9e: {  	_ =	swait.ge [sflag:s31], $0x500  }
0x9f: {  	[sflag:s31] =	ssyncset.done $0x0  }
0xa0: {  	s6 =	sshrl.u32 s26, $0x3;
	[sflag:s31] =	ssyncadd.s32 $0xFFFFFB00  }
0xa1: {  	[hbm:s10], [sflag:s3] =	dma.local [spmem:s6], $0x500  }
0xa2: {  	s2 =	sadd.s32 $0x1, s2;
	_ =	swait.ge [sflag:s31], $0x500  }
0xa3: {  	p0 =	sne.s32 s2, s17;
	[sflag:s31] =	ssyncset.done $0x0  }
.Ltmp2:
0xa4: {  	s7 =	sshrl.u32 s28, $0x3;
	[sflag:s31] =	ssyncadd.s32 $0xFFFFFB00;
	(pc) =	sbr.rel @p0 .LBB2_1-.Ltmp2, $4  }
0xa5: {  	[hbm:s11], [sflag:s3] =	dma.local [spmem:s7], $0x500  }
0xa6: {  	_ =	swait.ge [sflag:s31], $0x500  }
0xa7: {  	[sflag:s31] =	ssyncset.done $0x0  }
0xa8: {  	[sflag:s31] =	ssyncadd.s32 $0xFFFFFB00  }
0xa9: {  	_ =	sfence.sel $0x180000  }
0xaa: {  	[bflag:$0x0] =	sbarrier.arrive $0xFFFF  }
0xab: {  	_ =	strace $0x90000050  }
0xac: {  	s0 =	stileid.u32;
	[bflag:$0x2] =	sbarrier.arrive $0xFFFF  }
0xad: {  	p0 =	sne.s32 s0, $0x0;
	s0 =	rddreg [dreg:$0x2]  }
0xae: {  	s0 =	sadd.s32 @!p0 $0x100000, s0  }
0xaf: {  	[sflag:s0] =	ssyncadd.tile.s32 @!p0 $0x1;
	_ =	shalt  }
.Lfunc_end2:
_tile_overlayer_lowered:
.L_overlay_start_2:
0xb0: {  	(tag) =	ssettag $0x2  }
0xb1: {  	s0 =	rddreg [dreg:$0x0];
	s2 =	stileid.u32  }
0xb2: {  	s1 =	rddreg [dreg:$0x1];
	p0 =	sne.s32 s2, $0x0  }
0xb3: {  	s3 =	rddreg [dreg:$0x2];
	[bflag:$0x3] =	sbarrier.arrive $0xFFFF;
	s2 =	simm.s32 @!p0 $0x1C02  }
0xb4: {  	[timem:s3], [sflag:s2] =	dma.local @!p0 [hbm:s0], s1  }
0xb5: {  	s0 =	simm.s32 @!p0 $0x2  }
0xb6: {  	_ =	swait.ge @!p0 [sflag:s0], s1  }
0xb7: {  	s1 =	ssub.s32 @!p0 $0x0, s1;
	[sflag:s0] =	ssyncset.done @!p0 $0x0  }
0xb8: {  	[sflag:s0] =	ssyncadd.s32 @!p0 s1  }
0xb9: {  	[bflag:$0x3] =	sbarrier.arrive $0xFFFF  }
0xba: {  	_ =	shalt  }

</sc_bundles>
